<compile_context>
chip_gen: v7x
topology: tpu7x:2x2x1
jax: 0.10.2.dev20260603
libtpu: 0.0.44.dev20260713+nightly
codegen_flags: <defaults>
</compile_context>

<pallas_src>
import functools

import jax
import jax.numpy as jnp
from jax import lax
from jax.experimental import pallas as pl
from jax.experimental.pallas import tpu as pltpu
from jax.experimental.pallas import tpu_sc as plsc

N = 10000
D = 256
E = 160000

LHALF = 128
NPAD = 10240
EPAD = 163840
KCH = 128
IBLK = 16
NSUB = 16
EDGES_PER_TILE = EPAD // NSUB
CHUNKS = EDGES_PER_TILE // KCH
STRIPE = NPAD // NSUB


def _make_sc_aggregate(compute_deg: bool):
    out_type = [jax.ShapeDtypeStruct((NPAD, LHALF), jnp.float32),
                jax.ShapeDtypeStruct((NPAD, LHALF), jnp.float32)]
    if compute_deg:
        out_type.append(jax.ShapeDtypeStruct((NPAD,), jnp.float32))
        out_type.append(jax.ShapeDtypeStruct((NSUB * NPAD,), jnp.float32))

    scratch = [
        pltpu.VMEM((IBLK, KCH), jnp.int32),
        pltpu.VMEM((IBLK, KCH), jnp.int32),
        pltpu.VMEM((KCH, LHALF), jnp.float32),
        pltpu.VMEM((KCH, LHALF), jnp.float32),
        pltpu.VMEM_SHARED((NPAD, LHALF), jnp.float32),
        pltpu.SemaphoreType.DMA,
        pltpu.SemaphoreType.DMA,
        pltpu.SemaphoreType.DMA,
        pltpu.SemaphoreType.DMA,
    ]
    if compute_deg:
        scratch += [
            pltpu.VMEM((NPAD,), jnp.float32),
            pltpu.VMEM((STRIPE,), jnp.float32),
            pltpu.VMEM((STRIPE,), jnp.float32),
        ]

    def body(x0_hbm, x1_hbm, src_hbm, dst_hbm, zrow_hbm, zdeg_hbm, *rest):
        if compute_deg:
            agg0_out, agg1_out, deg_out, degp_out = rest[:4]
            (src_v, dst_v, rows0_v, rows1_v, agg_sh, gsem0, gsem1,
             ssem0, ssem1, deg_local, acc_v, tmp_v) = rest[4:]
        else:
            agg0_out, agg1_out = rest[0], rest[1]
            (src_v, dst_v, rows0_v, rows1_v, agg_sh,
             gsem0, gsem1, ssem0, ssem1) = rest[2:]

        c = lax.axis_index("c")
        s = lax.axis_index("s")
        stripe = pl.ds(s * STRIPE, STRIPE)

        pltpu.sync_copy(zrow_hbm, agg_sh.at[stripe])
        if compute_deg:
            @pl.when(c == 0)
            def _():
                pltpu.sync_copy(zdeg_hbm, deg_local)
        plsc.subcore_barrier()

        ones16 = jnp.full((16,), 1.0, dtype=jnp.float32)
        rows = [rows0_v, rows1_v]
        gsems = [gsem0, gsem1]
        ssems = [ssem0, ssem1]

        def gather(i, b):
            @pl.when(c == 0)
            def _():
                pltpu.async_copy(x0_hbm.at[src_v.at[i]], rows[b], gsems[b])

            @pl.when(c == 1)
            def _():
                pltpu.async_copy(x1_hbm.at[src_v.at[i]], rows[b], gsems[b])

        def drain_scatter(b):
            pltpu.make_async_copy(rows[b], agg_sh.at[dst_v.at[0]],
                                  ssems[b]).wait()

        def consume(i, b):
            pltpu.make_async_copy(x0_hbm.at[src_v.at[i]], rows[b],
                                  gsems[b]).wait()
            pltpu.async_copy(rows[b], agg_sh.at[dst_v.at[i]], ssems[b],
                             add=True)
            if compute_deg:
                @pl.when(c == 0)
                def _():
                    for j in range(KCH // 16):
                        idx16 = dst_v[i, pl.ds(j * 16, 16)]
                        plsc.addupdate_scatter(deg_local, [idx16], ones16)

        def block(blk, carry):
            pltpu.sync_copy(src_hbm.at[s, pl.ds(blk * IBLK, IBLK)], src_v)
            pltpu.sync_copy(dst_hbm.at[s, pl.ds(blk * IBLK, IBLK)], dst_v)
            gather(0, 0)

            def chunk2(i2, carry2):
                for b in range(2):
                    i = i2 * 2 + b

                    if b == 0:
                        @pl.when(i2 >= 1)
                        def _():
                            drain_scatter(1)
                    else:
                        drain_scatter(0)

                    @pl.when(i + 1 < IBLK)
                    def _():
                        gather(i + 1, 1 - b)

                    consume(i, b)
                return carry2

            lax.fori_loop(0, IBLK // 2, chunk2, 0)
            drain_scatter(1)
            return carry

        lax.fori_loop(0, CHUNKS // IBLK, block, 0)

        if compute_deg:
            @pl.when(c == 0)
            def _():
                pltpu.sync_copy(deg_local,
                                degp_out.at[pl.ds(s * NPAD, NPAD)])
        plsc.subcore_barrier()

        @pl.when(c == 0)
        def _():
            pltpu.sync_copy(agg_sh.at[stripe], agg0_out.at[stripe])

        @pl.when(c == 1)
        def _():
            pltpu.sync_copy(agg_sh.at[stripe], agg1_out.at[stripe])

        if compute_deg:
            @pl.when(c == 0)
            def _():
                pltpu.sync_copy(degp_out.at[pl.ds(s * STRIPE, STRIPE)],
                                acc_v)
                for t in range(1, NSUB):
                    pltpu.sync_copy(
                        degp_out.at[pl.ds(t * NPAD + s * STRIPE, STRIPE)],
                        tmp_v)

                    def red(j, carry):
                        sl = pl.ds(j * 16, 16)
                        acc_v[sl] = acc_v[sl] + tmp_v[sl]
                        return carry

                    lax.fori_loop(0, STRIPE // 16, red, 0)
                pltpu.sync_copy(acc_v, deg_out.at[stripe])

    return pl.kernel(
        body,
        mesh=plsc.VectorSubcoreMesh(core_axis_name="c", subcore_axis_name="s"),
        out_type=out_type,
        scratch_types=scratch,
        compiler_params=pltpu.CompilerParams(needs_layout_passes=False),
    )


BR = 1000


def _tc_layer_body(split_out, h0_ref, h1_ref, a0_ref, a1_ref, deg_ref,
                   wst_ref, wnt_ref, b_ref, *out_refs):
    h = jnp.concatenate([h0_ref[...], h1_ref[...]], axis=1)
    agg = jnp.concatenate([a0_ref[...], a1_ref[...]], axis=1)
    deg = jnp.maximum(deg_ref[...], 1.0)
    hn = agg / deg
    acc = jnp.dot(h, wst_ref[...], preferred_element_type=jnp.float32)
    acc = acc + jnp.dot(hn, wnt_ref[...], preferred_element_type=jnp.float32)
    res = jnp.maximum(acc + b_ref[...], 0.0)
    if split_out:
        out_refs[0][...] = res[:, :LHALF]
        out_refs[1][...] = res[:, LHALF:]
    else:
        out_refs[0][...] = res


def _tc_layer(h0, h1, a0, a1, deg, wst, wnt, b, split_out):
    if split_out:
        out_shape = [jax.ShapeDtypeStruct((NPAD, LHALF), jnp.float32),
                     jax.ShapeDtypeStruct((NPAD, LHALF), jnp.float32)]
        out_specs = [pl.BlockSpec((BR, LHALF), lambda i: (i, 0)),
                     pl.BlockSpec((BR, LHALF), lambda i: (i, 0))]
    else:
        out_shape = jax.ShapeDtypeStruct((N, D), jnp.float32)
        out_specs = pl.BlockSpec((BR, D), lambda i: (i, 0))
    half = pl.BlockSpec((BR, LHALF), lambda i: (i, 0))
    return pl.pallas_call(
        functools.partial(_tc_layer_body, split_out),
        grid=(N // BR,),
        in_specs=[
            half, half, half, half,
            pl.BlockSpec((BR, 1), lambda i: (i, 0)),
            pl.BlockSpec((D, D), lambda i: (0, 0)),
            pl.BlockSpec((D, D), lambda i: (0, 0)),
            pl.BlockSpec((1, D), lambda i: (0, 0)),
        ],
        out_specs=out_specs,
        out_shape=out_shape,
    )(h0, h1, a0, a1, deg, wst, wnt, b)


def _split_pad(h):
    hp = jnp.pad(h, ((0, NPAD - N), (0, 0)))
    return hp[:, :LHALF], hp[:, LHALF:]


def kernel(inputs, edge_index, W_self0, W_neigh0, b0, W_self1, W_neigh1, b1):
    x = inputs
    src = jnp.concatenate(
        [edge_index[0], jnp.full((EPAD - E,), N, dtype=jnp.int32)]
    ).reshape(NSUB, CHUNKS, KCH)
    dst = jnp.concatenate(
        [edge_index[1], jnp.full((EPAD - E,), N, dtype=jnp.int32)]
    ).reshape(NSUB, CHUNKS, KCH)

    zrow = jnp.zeros((STRIPE, LHALF), jnp.float32)
    zdeg = jnp.zeros((NPAD,), jnp.float32)

    agg_first = _make_sc_aggregate(compute_deg=True)
    agg_rest = _make_sc_aggregate(compute_deg=False)

    x0, x1 = _split_pad(x)
    a0, a1, degv, _ = agg_first(x0, x1, src, dst, zrow, zdeg)
    deg = degv[:N].reshape(N, 1)

    h10, h11 = _tc_layer(x0, x1, a0, a1, deg, W_self0.T, W_neigh0.T,
                         b0.reshape(1, D), split_out=True)

    a0, a1 = agg_rest(h10, h11, src, dst, zrow, zdeg)

    out = _tc_layer(h10, h11, a0, a1, deg, W_self1.T, W_neigh1.T,
                    b1.reshape(1, D), split_out=False)
    return out

# --- scband reference (transcript-rebuilt; emitter-appended) ---
"""Pipeline reference for scband-net-2216203125268 (READ-ONLY COPY).

The authoritative reference and input builder live on the scoring server;
editing this copy changes nothing except your own understanding.
"""

import jax, jax.numpy as jnp
import numpy as np

N = 10000
E = 160000
D = 256


def setup_inputs(seed: int = 0) -> dict:
    key = jax.random.key(seed)
    ks = jax.random.split(key, 8)
    x = jax.random.normal(ks[0], (N, D), dtype=jnp.float32)
    edge_index = jax.random.randint(ks[1], (2, E), 0, N, dtype=jnp.int32)
    scale = 1.0 / np.sqrt(D)
    W_self0 = jax.random.normal(ks[2], (D, D), dtype=jnp.float32) * scale
    W_neigh0 = jax.random.normal(ks[3], (D, D), dtype=jnp.float32) * scale
    b0 = jnp.zeros((D,), dtype=jnp.float32)
    W_self1 = jax.random.normal(ks[4], (D, D), dtype=jnp.float32) * scale
    W_neigh1 = jax.random.normal(ks[5], (D, D), dtype=jnp.float32) * scale
    b1 = jnp.zeros((D,), dtype=jnp.float32)
    return {
        "inputs": x,
        "edge_index": edge_index,
        "W_self0": W_self0,
        "W_neigh0": W_neigh0,
        "b0": b0,
        "W_self1": W_self1,
        "W_neigh1": W_neigh1,
        "b1": b1,
    }


def reference(inputs, edge_index, W_self0, W_neigh0, b0, W_self1, W_neigh1, b1):
    # 2-layer GraphSAGE (mean aggregator), activation=relu, dropout p=0.0 (identity),
    # no prediction head (n_classes=None).
    src = edge_index[0]
    dst = edge_index[1]
    ones = jnp.ones((E,), dtype=jnp.float32)
    deg = jax.ops.segment_sum(ones, dst, num_segments=N)
    deg = jnp.maximum(deg, 1.0)
    h = inputs
    for (Ws, Wn, b) in ((W_self0, W_neigh0, b0), (W_self1, W_neigh1, b1)):
        msgs = h[src]  # gather source-node features per edge
        agg = jax.ops.segment_sum(msgs, dst, num_segments=N)  # scatter-add to dst
        h_neigh = agg / deg[:, None]  # mean aggregation
        h = h @ Ws.T + h_neigh @ Wn.T + b  # fc_self + fc_neigh + bias
        h = jax.nn.relu(h)
        # dropout(p=0.0) is identity
    return h

if __name__ == "__main__":
    import jax
    _d = setup_inputs()
    print(jax.jit(kernel)(*tuple(_d.values())))

</pallas_src>

<mosaic_0001>
#map = affine_map<(d0, d1) -> (0, 0)>
#map1 = affine_map<(d0, d1) -> (0, 0, 0)>
#map2 = affine_map<(d0, d1) -> (0)>
module attributes {stable_mosaic.version = 14 : i64} {
  func.func @body(%arg0: i32, %arg1: i32, %arg2: memref<10240x128xf32, #tpu.memory_space<hbm>>, %arg3: memref<10240x128xf32, #tpu.memory_space<hbm>>, %arg4: memref<16x80x128xi32, #tpu.memory_space<hbm>>, %arg5: memref<16x80x128xi32, #tpu.memory_space<hbm>>, %arg6: memref<640x128xf32, #tpu.memory_space<hbm>>, %arg7: memref<10240xf32, #tpu.memory_space<hbm>>, %arg8: memref<10240x128xf32, #tpu.memory_space<hbm>>, %arg9: memref<10240x128xf32, #tpu.memory_space<hbm>>, %arg10: memref<10240xf32, #tpu.memory_space<hbm>>, %arg11: memref<163840xf32, #tpu.memory_space<hbm>>, %arg12: memref<16x128xi32, #tpu.memory_space<vmem>>, %arg13: memref<16x128xi32, #tpu.memory_space<vmem>>, %arg14: memref<128x128xf32, #tpu.memory_space<vmem>>, %arg15: memref<128x128xf32, #tpu.memory_space<vmem>>, %arg16: memref<10240x128xf32, #tpu.memory_space<vmem_shared>>, %arg17: memref<!tpu.dma_semaphore, #tpu.memory_space<semaphore_mem>>, %arg18: memref<!tpu.dma_semaphore, #tpu.memory_space<semaphore_mem>>, %arg19: memref<!tpu.dma_semaphore, #tpu.memory_space<semaphore_mem>>, %arg20: memref<!tpu.dma_semaphore, #tpu.memory_space<semaphore_mem>>, %arg21: memref<10240xf32, #tpu.memory_space<vmem>>, %arg22: memref<640xf32, #tpu.memory_space<vmem>>, %arg23: memref<640xf32, #tpu.memory_space<vmem>>) attributes {dimension_semantics = [#tpu.dimension_semantics<core_parallel>, #tpu.dimension_semantics<subcore_parallel>], iteration_bounds = array<i64: 2, 16>, scalar_prefetch = 0 : i64, scratch_operands = 12 : i64, tpu.core_type = #tpu.core_type<sc_vector_subcore>, window_params = [{transform_indices = #map}, {transform_indices = #map}, {transform_indices = #map1}, {transform_indices = #map1}, {transform_indices = #map}, {transform_indices = #map2}, {transform_indices = #map}, {transform_indices = #map}, {transform_indices = #map2}, {transform_indices = #map2}]} {
    %mul3A = arith.constant 640 : i32
    %mul3A_0 = arith.muli %arg1, %mul3A : i32
    "tpu.region"() ({
      %run_scoped3A = tpu.sem_alloc : memref<!tpu.dma_semaphore, #tpu.memory_space<semaphore_mem>>
      %dma_start3A = arith.constant 0 : i32
      %dma_start3A_30 = tpu.memref_slice %arg16[%mul3A_0, %dma_start3A] : memref<10240x128xf32, #tpu.memory_space<vmem_shared>> -> memref<640x128xf32, #tpu.memory_space<vmem_shared>>
      tpu.enqueue_dma source(%arg6 : memref<640x128xf32, #tpu.memory_space<hbm>>) target(%dma_start3A_30 : memref<640x128xf32, #tpu.memory_space<vmem_shared>>) target_semaphore(%run_scoped3A : memref<!tpu.dma_semaphore, #tpu.memory_space<semaphore_mem>>)
      %dma_wait3A = arith.constant 0 : i32
      %dma_wait3A_31 = tpu.memref_slice %arg16[%mul3A_0, %dma_wait3A] : memref<10240x128xf32, #tpu.memory_space<vmem_shared>> -> memref<640x128xf32, #tpu.memory_space<vmem_shared>>
      tpu.wait_dma2 semaphore(%run_scoped3A : memref<!tpu.dma_semaphore, #tpu.memory_space<semaphore_mem>>) src(%arg6 : memref<640x128xf32, #tpu.memory_space<hbm>>) dst(%dma_wait3A_31 : memref<640x128xf32, #tpu.memory_space<vmem_shared>>)
      tpu.yield
    }) : () -> ()
    %eq3A = arith.constant 0 : i32
    %eq3A_1 = arith.cmpi eq, %arg0, %eq3A : i32
    %convert_element_type3A = arith.extui %eq3A_1 : i1 to i32
    %cond3A = arith.constant 0 : i32
    %cond3A_2 = arith.cmpi ne, %convert_element_type3A, %cond3A : i32
    scf.if %cond3A_2 {
      "tpu.region"() ({
        %run_scoped3A = tpu.sem_alloc : memref<!tpu.dma_semaphore, #tpu.memory_space<semaphore_mem>>
        tpu.enqueue_dma source(%arg7 : memref<10240xf32, #tpu.memory_space<hbm>>) target(%arg21 : memref<10240xf32, #tpu.memory_space<vmem>>) target_semaphore(%run_scoped3A : memref<!tpu.dma_semaphore, #tpu.memory_space<semaphore_mem>>)
        tpu.wait_dma2 semaphore(%run_scoped3A : memref<!tpu.dma_semaphore, #tpu.memory_space<semaphore_mem>>) src(%arg7 : memref<10240xf32, #tpu.memory_space<hbm>>) dst(%arg21 : memref<10240xf32, #tpu.memory_space<vmem>>)
        tpu.yield
      }) : () -> ()
    } else {
    }
    %barrier3A = arith.constant 0 : index
    tpu.barrier barrier_id(%barrier3A)
    %broadcast_in_dim3A = arith.constant 1.000000e+00 : f32
    %broadcast_in_dim3A_3 = vector.broadcast %broadcast_in_dim3A : f32 to vector<16xf32>
    %scan3A = arith.constant 0 : i32
    %scan3A_4 = arith.constant 0 : i32
    %scan3A_5 = arith.constant 5 : i32
    %scan3A_6 = arith.addi %scan3A_4, %scan3A_5 : i32
    %scan3A_7 = arith.constant 1 : i32
    scf.for %scan3A_30 = %scan3A_4 to %scan3A_6 step %scan3A_7  : i32 {
      %mul3A_31 = arith.constant 16 : i32
      %mul3A_32 = arith.muli %scan3A_30, %mul3A_31 : i32
      "tpu.region"() ({
        %run_scoped3A = tpu.sem_alloc : memref<!tpu.dma_semaphore, #tpu.memory_space<semaphore_mem>>
        %dma_start3A = arith.constant 0 : i32
        %dma_start3A_57 = tpu.memref_slice %arg4[%arg1, %mul3A_32, %dma_start3A] : memref<16x80x128xi32, #tpu.memory_space<hbm>> -> memref<1x16x128xi32, #tpu.memory_space<hbm>>
        %dma_start3A_58 = tpu.memref_squeeze %dma_start3A_57 : memref<1x16x128xi32, #tpu.memory_space<hbm>> -> memref<16x128xi32, #tpu.memory_space<hbm>>
        %dma_start3A_59 = arith.constant 0 : i32
        %dma_start3A_60 = tpu.memref_slice %arg4[%arg1, %mul3A_32, %dma_start3A_59] : memref<16x80x128xi32, #tpu.memory_space<hbm>> -> memref<1x16x128xi32, #tpu.memory_space<hbm>>
        %dma_start3A_61 = tpu.memref_squeeze %dma_start3A_60 : memref<1x16x128xi32, #tpu.memory_space<hbm>> -> memref<16x128xi32, #tpu.memory_space<hbm>>
        tpu.enqueue_dma source(%dma_start3A_61 : memref<16x128xi32, #tpu.memory_space<hbm>>) target(%arg12 : memref<16x128xi32, #tpu.memory_space<vmem>>) target_semaphore(%run_scoped3A : memref<!tpu.dma_semaphore, #tpu.memory_space<semaphore_mem>>)
        %dma_wait3A_62 = arith.constant 0 : i32
        %dma_wait3A_63 = tpu.memref_slice %arg4[%arg1, %mul3A_32, %dma_wait3A_62] : memref<16x80x128xi32, #tpu.memory_space<hbm>> -> memref<1x16x128xi32, #tpu.memory_space<hbm>>
        %dma_wait3A_64 = tpu.memref_squeeze %dma_wait3A_63 : memref<1x16x128xi32, #tpu.memory_space<hbm>> -> memref<16x128xi32, #tpu.memory_space<hbm>>
        %dma_wait3A_65 = arith.constant 0 : i32
        %dma_wait3A_66 = tpu.memref_slice %arg4[%arg1, %mul3A_32, %dma_wait3A_65] : memref<16x80x128xi32, #tpu.memory_space<hbm>> -> memref<1x16x128xi32, #tpu.memory_space<hbm>>
        %dma_wait3A_67 = tpu.memref_squeeze %dma_wait3A_66 : memref<1x16x128xi32, #tpu.memory_space<hbm>> -> memref<16x128xi32, #tpu.memory_space<hbm>>
        tpu.wait_dma2 semaphore(%run_scoped3A : memref<!tpu.dma_semaphore, #tpu.memory_space<semaphore_mem>>) src(%dma_wait3A_67 : memref<16x128xi32, #tpu.memory_space<hbm>>) dst(%arg12 : memref<16x128xi32, #tpu.memory_space<vmem>>)
        tpu.yield
      }) : () -> ()
      %mul3A_33 = arith.constant 16 : i32
      %mul3A_34 = arith.muli %scan3A_30, %mul3A_33 : i32
      "tpu.region"() ({
        %run_scoped3A = tpu.sem_alloc : memref<!tpu.dma_semaphore, #tpu.memory_space<semaphore_mem>>
        %dma_start3A = arith.constant 0 : i32
        %dma_start3A_57 = tpu.memref_slice %arg5[%arg1, %mul3A_34, %dma_start3A] : memref<16x80x128xi32, #tpu.memory_space<hbm>> -> memref<1x16x128xi32, #tpu.memory_space<hbm>>
        %dma_start3A_58 = tpu.memref_squeeze %dma_start3A_57 : memref<1x16x128xi32, #tpu.memory_space<hbm>> -> memref<16x128xi32, #tpu.memory_space<hbm>>
        %dma_start3A_59 = arith.constant 0 : i32
        %dma_start3A_60 = tpu.memref_slice %arg5[%arg1, %mul3A_34, %dma_start3A_59] : memref<16x80x128xi32, #tpu.memory_space<hbm>> -> memref<1x16x128xi32, #tpu.memory_space<hbm>>
        %dma_start3A_61 = tpu.memref_squeeze %dma_start3A_60 : memref<1x16x128xi32, #tpu.memory_space<hbm>> -> memref<16x128xi32, #tpu.memory_space<hbm>>
        tpu.enqueue_dma source(%dma_start3A_61 : memref<16x128xi32, #tpu.memory_space<hbm>>) target(%arg13 : memref<16x128xi32, #tpu.memory_space<vmem>>) target_semaphore(%run_scoped3A : memref<!tpu.dma_semaphore, #tpu.memory_space<semaphore_mem>>)
        %dma_wait3A_62 = arith.constant 0 : i32
        %dma_wait3A_63 = tpu.memref_slice %arg5[%arg1, %mul3A_34, %dma_wait3A_62] : memref<16x80x128xi32, #tpu.memory_space<hbm>> -> memref<1x16x128xi32, #tpu.memory_space<hbm>>
        %dma_wait3A_64 = tpu.memref_squeeze %dma_wait3A_63 : memref<1x16x128xi32, #tpu.memory_space<hbm>> -> memref<16x128xi32, #tpu.memory_space<hbm>>
        %dma_wait3A_65 = arith.constant 0 : i32
        %dma_wait3A_66 = tpu.memref_slice %arg5[%arg1, %mul3A_34, %dma_wait3A_65] : memref<16x80x128xi32, #tpu.memory_space<hbm>> -> memref<1x16x128xi32, #tpu.memory_space<hbm>>
        %dma_wait3A_67 = tpu.memref_squeeze %dma_wait3A_66 : memref<1x16x128xi32, #tpu.memory_space<hbm>> -> memref<16x128xi32, #tpu.memory_space<hbm>>
        tpu.wait_dma2 semaphore(%run_scoped3A : memref<!tpu.dma_semaphore, #tpu.memory_space<semaphore_mem>>) src(%dma_wait3A_67 : memref<16x128xi32, #tpu.memory_space<hbm>>) dst(%arg13 : memref<16x128xi32, #tpu.memory_space<vmem>>)
        tpu.yield
      }) : () -> ()
      %eq3A_35 = arith.constant 0 : i32
      %eq3A_36 = arith.cmpi eq, %arg0, %eq3A_35 : i32
      %convert_element_type3A_37 = arith.extui %eq3A_36 : i1 to i32
      %cond3A_38 = arith.constant 0 : i32
      %cond3A_39 = arith.cmpi ne, %convert_element_type3A_37, %cond3A_38 : i32
      scf.if %cond3A_39 {
        %dma_start3A = arith.constant 0 : i32
        %dma_start3A_57 = arith.constant 0 : i32
        %dma_start3A_58 = tpu.memref_slice %arg12[%dma_start3A, %dma_start3A_57] : memref<16x128xi32, #tpu.memory_space<vmem>> -> memref<1x128xi32, #tpu.memory_space<vmem>>
        %dma_start3A_59 = tpu.memref_squeeze %dma_start3A_58 : memref<1x128xi32, #tpu.memory_space<vmem>> -> memref<128xi32, #tpu.memory_space<vmem>>
        %dma_start3A_60 = arith.constant 0 : i32
        %dma_start3A_61 = arith.constant 0 : i32
        %dma_start3A_62 = tpu.memref_slice %arg2[%dma_start3A_60, %dma_start3A_61] : memref<10240x128xf32, #tpu.memory_space<hbm>> -> memref<10240x128xf32, #tpu.memory_space<hbm>>
        tpu.enqueue_indirect_dma source(%dma_start3A_62 : memref<10240x128xf32, #tpu.memory_space<hbm>>) target(%arg14 : memref<128x128xf32, #tpu.memory_space<vmem>>) offsets(%dma_start3A_59 : memref<128xi32, #tpu.memory_space<vmem>>) semaphore(%arg17 : memref<!tpu.dma_semaphore, #tpu.memory_space<semaphore_mem>>)
      } else {
      }
      %eq3A_40 = arith.constant 1 : i32
      %eq3A_41 = arith.cmpi eq, %arg0, %eq3A_40 : i32
      %convert_element_type3A_42 = arith.extui %eq3A_41 : i1 to i32
      %cond3A_43 = arith.constant 0 : i32
      %cond3A_44 = arith.cmpi ne, %convert_element_type3A_42, %cond3A_43 : i32
      scf.if %cond3A_44 {
        %dma_start3A = arith.constant 0 : i32
        %dma_start3A_57 = arith.constant 0 : i32
        %dma_start3A_58 = tpu.memref_slice %arg12[%dma_start3A, %dma_start3A_57] : memref<16x128xi32, #tpu.memory_space<vmem>> -> memref<1x128xi32, #tpu.memory_space<vmem>>
        %dma_start3A_59 = tpu.memref_squeeze %dma_start3A_58 : memref<1x128xi32, #tpu.memory_space<vmem>> -> memref<128xi32, #tpu.memory_space<vmem>>
        %dma_start3A_60 = arith.constant 0 : i32
        %dma_start3A_61 = arith.constant 0 : i32
        %dma_start3A_62 = tpu.memref_slice %arg3[%dma_start3A_60, %dma_start3A_61] : memref<10240x128xf32, #tpu.memory_space<hbm>> -> memref<10240x128xf32, #tpu.memory_space<hbm>>
        tpu.enqueue_indirect_dma source(%dma_start3A_62 : memref<10240x128xf32, #tpu.memory_space<hbm>>) target(%arg14 : memref<128x128xf32, #tpu.memory_space<vmem>>) offsets(%dma_start3A_59 : memref<128xi32, #tpu.memory_space<vmem>>) semaphore(%arg17 : memref<!tpu.dma_semaphore, #tpu.memory_space<semaphore_mem>>)
      } else {
      }
      %scan3A_45 = arith.constant 0 : i32
      %scan3A_46 = arith.constant 0 : i32
      %scan3A_47 = arith.constant 8 : i32
      %scan3A_48 = arith.addi %scan3A_46, %scan3A_47 : i32
      %scan3A_49 = arith.constant 1 : i32
      scf.for %scan3A_57 = %scan3A_46 to %scan3A_48 step %scan3A_49  : i32 {
        %mul3A_58 = arith.constant 2 : i32
        %mul3A_59 = arith.muli %scan3A_57, %mul3A_58 : i32
        %add3A = arith.constant 0 : i32
        %add3A_60 = arith.addi %mul3A_59, %add3A : i32
        %ge3A = arith.constant 1 : i32
        %ge3A_61 = arith.cmpi sge, %scan3A_57, %ge3A : i32
        %convert_element_type3A_62 = arith.extui %ge3A_61 : i1 to i32
        %cond3A_63 = arith.constant 0 : i32
        %cond3A_64 = arith.cmpi ne, %convert_element_type3A_62, %cond3A_63 : i32
        scf.if %cond3A_64 {
          %dma_wait3A_122 = arith.constant 0 : i32
          %dma_wait3A_123 = arith.constant 0 : i32
          %dma_wait3A_124 = tpu.memref_slice %arg13[%dma_wait3A_122, %dma_wait3A_123] : memref<16x128xi32, #tpu.memory_space<vmem>> -> memref<1x128xi32, #tpu.memory_space<vmem>>
          %dma_wait3A_125 = tpu.memref_squeeze %dma_wait3A_124 : memref<1x128xi32, #tpu.memory_space<vmem>> -> memref<128xi32, #tpu.memory_space<vmem>>
          %dma_wait3A_126 = arith.constant 0 : i32
          %dma_wait3A_127 = arith.constant 0 : i32
          %dma_wait3A_128 = tpu.memref_slice %arg16[%dma_wait3A_126, %dma_wait3A_127] : memref<10240x128xf32, #tpu.memory_space<vmem_shared>> -> memref<10240x128xf32, #tpu.memory_space<vmem_shared>>
          tpu.wait_indirect_dma semaphore(%arg20 : memref<!tpu.dma_semaphore, #tpu.memory_space<semaphore_mem>>) src(%arg15 : memref<128x128xf32, #tpu.memory_space<vmem>>) dst(%dma_wait3A_128 : memref<10240x128xf32, #tpu.memory_space<vmem_shared>>)
        } else {
        }
        %add3A_65 = arith.constant 1 : i32
        %add3A_66 = arith.addi %add3A_60, %add3A_65 : i32
        %lt3A = arith.constant 16 : i32
        %lt3A_67 = arith.cmpi slt, %add3A_66, %lt3A : i32
        %convert_element_type3A_68 = arith.extui %lt3A_67 : i1 to i32
        %cond3A_69 = arith.constant 0 : i32
        %cond3A_70 = arith.cmpi ne, %convert_element_type3A_68, %cond3A_69 : i32
        scf.if %cond3A_70 {
          %add3A_122 = arith.constant 1 : i32
          %add3A_123 = arith.addi %add3A_60, %add3A_122 : i32
          %eq3A_124 = arith.constant 0 : i32
          %eq3A_125 = arith.cmpi eq, %arg0, %eq3A_124 : i32
          %convert_element_type3A_126 = arith.extui %eq3A_125 : i1 to i32
          %cond3A_127 = arith.constant 0 : i32
          %cond3A_128 = arith.cmpi ne, %convert_element_type3A_126, %cond3A_127 : i32
          scf.if %cond3A_128 {
            %dma_start3A_134 = arith.constant 0 : i32
            %dma_start3A_135 = tpu.memref_slice %arg12[%add3A_123, %dma_start3A_134] : memref<16x128xi32, #tpu.memory_space<vmem>> -> memref<1x128xi32, #tpu.memory_space<vmem>>
            %dma_start3A_136 = tpu.memref_squeeze %dma_start3A_135 : memref<1x128xi32, #tpu.memory_space<vmem>> -> memref<128xi32, #tpu.memory_space<vmem>>
            %dma_start3A_137 = arith.constant 0 : i32
            %dma_start3A_138 = arith.constant 0 : i32
            %dma_start3A_139 = tpu.memref_slice %arg2[%dma_start3A_137, %dma_start3A_138] : memref<10240x128xf32, #tpu.memory_space<hbm>> -> memref<10240x128xf32, #tpu.memory_space<hbm>>
            tpu.enqueue_indirect_dma source(%dma_start3A_139 : memref<10240x128xf32, #tpu.memory_space<hbm>>) target(%arg15 : memref<128x128xf32, #tpu.memory_space<vmem>>) offsets(%dma_start3A_136 : memref<128xi32, #tpu.memory_space<vmem>>) semaphore(%arg18 : memref<!tpu.dma_semaphore, #tpu.memory_space<semaphore_mem>>)
          } else {
          }
          %eq3A_129 = arith.constant 1 : i32
          %eq3A_130 = arith.cmpi eq, %arg0, %eq3A_129 : i32
          %convert_element_type3A_131 = arith.extui %eq3A_130 : i1 to i32
          %cond3A_132 = arith.constant 0 : i32
          %cond3A_133 = arith.cmpi ne, %convert_element_type3A_131, %cond3A_132 : i32
          scf.if %cond3A_133 {
            %dma_start3A_134 = arith.constant 0 : i32
            %dma_start3A_135 = tpu.memref_slice %arg12[%add3A_123, %dma_start3A_134] : memref<16x128xi32, #tpu.memory_space<vmem>> -> memref<1x128xi32, #tpu.memory_space<vmem>>
            %dma_start3A_136 = tpu.memref_squeeze %dma_start3A_135 : memref<1x128xi32, #tpu.memory_space<vmem>> -> memref<128xi32, #tpu.memory_space<vmem>>
            %dma_start3A_137 = arith.constant 0 : i32
            %dma_start3A_138 = arith.constant 0 : i32
            %dma_start3A_139 = tpu.memref_slice %arg3[%dma_start3A_137, %dma_start3A_138] : memref<10240x128xf32, #tpu.memory_space<hbm>> -> memref<10240x128xf32, #tpu.memory_space<hbm>>
            tpu.enqueue_indirect_dma source(%dma_start3A_139 : memref<10240x128xf32, #tpu.memory_space<hbm>>) target(%arg15 : memref<128x128xf32, #tpu.memory_space<vmem>>) offsets(%dma_start3A_136 : memref<128xi32, #tpu.memory_space<vmem>>) semaphore(%arg18 : memref<!tpu.dma_semaphore, #tpu.memory_space<semaphore_mem>>)
          } else {
          }
        } else {
        }
        %dma_wait3A_71 = arith.constant 0 : i32
        %dma_wait3A_72 = tpu.memref_slice %arg12[%add3A_60, %dma_wait3A_71] : memref<16x128xi32, #tpu.memory_space<vmem>> -> memref<1x128xi32, #tpu.memory_space<vmem>>
        %dma_wait3A_73 = tpu.memref_squeeze %dma_wait3A_72 : memref<1x128xi32, #tpu.memory_space<vmem>> -> memref<128xi32, #tpu.memory_space<vmem>>
        %dma_wait3A_74 = arith.constant 0 : i32
        %dma_wait3A_75 = arith.constant 0 : i32
        %dma_wait3A_76 = tpu.memref_slice %arg2[%dma_wait3A_74, %dma_wait3A_75] : memref<10240x128xf32, #tpu.memory_space<hbm>> -> memref<10240x128xf32, #tpu.memory_space<hbm>>
        tpu.wait_indirect_dma semaphore(%arg17 : memref<!tpu.dma_semaphore, #tpu.memory_space<semaphore_mem>>) src(%dma_wait3A_76 : memref<10240x128xf32, #tpu.memory_space<hbm>>) dst(%arg14 : memref<128x128xf32, #tpu.memory_space<vmem>>)
        %dma_start3A = arith.constant 0 : i32
        %dma_start3A_77 = tpu.memref_slice %arg13[%add3A_60, %dma_start3A] : memref<16x128xi32, #tpu.memory_space<vmem>> -> memref<1x128xi32, #tpu.memory_space<vmem>>
        %dma_start3A_78 = tpu.memref_squeeze %dma_start3A_77 : memref<1x128xi32, #tpu.memory_space<vmem>> -> memref<128xi32, #tpu.memory_space<vmem>>
        %dma_start3A_79 = arith.constant 0 : i32
        %dma_start3A_80 = arith.constant 0 : i32
        %dma_start3A_81 = tpu.memref_slice %arg16[%dma_start3A_79, %dma_start3A_80] : memref<10240x128xf32, #tpu.memory_space<vmem_shared>> -> memref<10240x128xf32, #tpu.memory_space<vmem_shared>>
        tpu.enqueue_indirect_dma source(%arg14 : memref<128x128xf32, #tpu.memory_space<vmem>>) target(%dma_start3A_81 : memref<10240x128xf32, #tpu.memory_space<vmem_shared>>) offsets(%dma_start3A_78 : memref<128xi32, #tpu.memory_space<vmem>>) semaphore(%arg19 : memref<!tpu.dma_semaphore, #tpu.memory_space<semaphore_mem>>) {add = true}
        %eq3A_82 = arith.constant 0 : i32
        %eq3A_83 = arith.cmpi eq, %arg0, %eq3A_82 : i32
        %convert_element_type3A_84 = arith.extui %eq3A_83 : i1 to i32
        %cond3A_85 = arith.constant 0 : i32
        %cond3A_86 = arith.cmpi ne, %convert_element_type3A_84, %cond3A_85 : i32
        scf.if %cond3A_86 {
          %get3A = arith.index_cast %add3A_60 : i32 to index
          %get3A_122 = arith.constant 0 : index
          %get3A_123 = tpu.vector_load %arg13[%get3A, %get3A_122] {strides = array<i32>} : memref<16x128xi32, #tpu.memory_space<vmem>>, vector<16xi32>,
          tpu.vector_store_idx %arg21[%get3A_123], %broadcast_in_dim3A_3 {add = true} : memref<10240xf32, #tpu.memory_space<vmem>>[vector<16xi32>], vector<16xf32>,
          %get3A_124 = arith.index_cast %add3A_60 : i32 to index
          %get3A_125 = arith.constant 16 : index
          %get3A_126 = tpu.vector_load %arg13[%get3A_124, %get3A_125] {strides = array<i32>} : memref<16x128xi32, #tpu.memory_space<vmem>>, vector<16xi32>,
          tpu.vector_store_idx %arg21[%get3A_126], %broadcast_in_dim3A_3 {add = true} : memref<10240xf32, #tpu.memory_space<vmem>>[vector<16xi32>], vector<16xf32>,
          %get3A_127 = arith.index_cast %add3A_60 : i32 to index
          %get3A_128 = arith.constant 32 : index
          %get3A_129 = tpu.vector_load %arg13[%get3A_127, %get3A_128] {strides = array<i32>} : memref<16x128xi32, #tpu.memory_space<vmem>>, vector<16xi32>,
          tpu.vector_store_idx %arg21[%get3A_129], %broadcast_in_dim3A_3 {add = true} : memref<10240xf32, #tpu.memory_space<vmem>>[vector<16xi32>], vector<16xf32>,
          %get3A_130 = arith.index_cast %add3A_60 : i32 to index
          %get3A_131 = arith.constant 48 : index
          %get3A_132 = tpu.vector_load %arg13[%get3A_130, %get3A_131] {strides = array<i32>} : memref<16x128xi32, #tpu.memory_space<vmem>>, vector<16xi32>,
          tpu.vector_store_idx %arg21[%get3A_132], %broadcast_in_dim3A_3 {add = true} : memref<10240xf32, #tpu.memory_space<vmem>>[vector<16xi32>], vector<16xf32>,
          %get3A_133 = arith.index_cast %add3A_60 : i32 to index
          %get3A_134 = arith.constant 64 : index
          %get3A_135 = tpu.vector_load %arg13[%get3A_133, %get3A_134] {strides = array<i32>} : memref<16x128xi32, #tpu.memory_space<vmem>>, vector<16xi32>,
          tpu.vector_store_idx %arg21[%get3A_135], %broadcast_in_dim3A_3 {add = true} : memref<10240xf32, #tpu.memory_space<vmem>>[vector<16xi32>], vector<16xf32>,
          %get3A_136 = arith.index_cast %add3A_60 : i32 to index
          %get3A_137 = arith.constant 80 : index
          %get3A_138 = tpu.vector_load %arg13[%get3A_136, %get3A_137] {strides = array<i32>} : memref<16x128xi32, #tpu.memory_space<vmem>>, vector<16xi32>,
          tpu.vector_store_idx %arg21[%get3A_138], %broadcast_in_dim3A_3 {add = true} : memref<10240xf32, #tpu.memory_space<vmem>>[vector<16xi32>], vector<16xf32>,
          %get3A_139 = arith.index_cast %add3A_60 : i32 to index
          %get3A_140 = arith.constant 96 : index
          %get3A_141 = tpu.vector_load %arg13[%get3A_139, %get3A_140] {strides = array<i32>} : memref<16x128xi32, #tpu.memory_space<vmem>>, vector<16xi32>,
          tpu.vector_store_idx %arg21[%get3A_141], %broadcast_in_dim3A_3 {add = true} : memref<10240xf32, #tpu.memory_space<vmem>>[vector<16xi32>], vector<16xf32>,
          %get3A_142 = arith.index_cast %add3A_60 : i32 to index
          %get3A_143 = arith.constant 112 : index
          %get3A_144 = tpu.vector_load %arg13[%get3A_142, %get3A_143] {strides = array<i32>} : memref<16x128xi32, #tpu.memory_space<vmem>>, vector<16xi32>,
          tpu.vector_store_idx %arg21[%get3A_144], %broadcast_in_dim3A_3 {add = true} : memref<10240xf32, #tpu.memory_space<vmem>>[vector<16xi32>], vector<16xf32>,
        } else {
        }
        %mul3A_87 = arith.constant 2 : i32
        %mul3A_88 = arith.muli %scan3A_57, %mul3A_87 : i32
        %add3A_89 = arith.constant 1 : i32
        %add3A_90 = arith.addi %mul3A_88, %add3A_89 : i32
        %dma_wait3A_91 = arith.constant 0 : i32
        %dma_wait3A_92 = arith.constant 0 : i32
        %dma_wait3A_93 = tpu.memref_slice %arg13[%dma_wait3A_91, %dma_wait3A_92] : memref<16x128xi32, #tpu.memory_space<vmem>> -> memref<1x128xi32, #tpu.memory_space<vmem>>
        %dma_wait3A_94 = tpu.memref_squeeze %dma_wait3A_93 : memref<1x128xi32, #tpu.memory_space<vmem>> -> memref<128xi32, #tpu.memory_space<vmem>>
        %dma_wait3A_95 = arith.constant 0 : i32
        %dma_wait3A_96 = arith.constant 0 : i32
        %dma_wait3A_97 = tpu.memref_slice %arg16[%dma_wait3A_95, %dma_wait3A_96] : memref<10240x128xf32, #tpu.memory_space<vmem_shared>> -> memref<10240x128xf32, #tpu.memory_space<vmem_shared>>
        tpu.wait_indirect_dma semaphore(%arg19 : memref<!tpu.dma_semaphore, #tpu.memory_space<semaphore_mem>>) src(%arg14 : memref<128x128xf32, #tpu.memory_space<vmem>>) dst(%dma_wait3A_97 : memref<10240x128xf32, #tpu.memory_space<vmem_shared>>)
        %add3A_98 = arith.constant 1 : i32
        %add3A_99 = arith.addi %add3A_90, %add3A_98 : i32
        %lt3A_100 = arith.constant 16 : i32
        %lt3A_101 = arith.cmpi slt, %add3A_99, %lt3A_100 : i32
        %convert_element_type3A_102 = arith.extui %lt3A_101 : i1 to i32
        %cond3A_103 = arith.constant 0 : i32
        %cond3A_104 = arith.cmpi ne, %convert_element_type3A_102, %cond3A_103 : i32
        scf.if %cond3A_104 {
          %add3A_122 = arith.constant 1 : i32
          %add3A_123 = arith.addi %add3A_90, %add3A_122 : i32
          %eq3A_124 = arith.constant 0 : i32
          %eq3A_125 = arith.cmpi eq, %arg0, %eq3A_124 : i32
          %convert_element_type3A_126 = arith.extui %eq3A_125 : i1 to i32
          %cond3A_127 = arith.constant 0 : i32
          %cond3A_128 = arith.cmpi ne, %convert_element_type3A_126, %cond3A_127 : i32
          scf.if %cond3A_128 {
            %dma_start3A_134 = arith.constant 0 : i32
            %dma_start3A_135 = tpu.memref_slice %arg12[%add3A_123, %dma_start3A_134] : memref<16x128xi32, #tpu.memory_space<vmem>> -> memref<1x128xi32, #tpu.memory_space<vmem>>
            %dma_start3A_136 = tpu.memref_squeeze %dma_start3A_135 : memref<1x128xi32, #tpu.memory_space<vmem>> -> memref<128xi32, #tpu.memory_space<vmem>>
            %dma_start3A_137 = arith.constant 0 : i32
            %dma_start3A_138 = arith.constant 0 : i32
            %dma_start3A_139 = tpu.memref_slice %arg2[%dma_start3A_137, %dma_start3A_138] : memref<10240x128xf32, #tpu.memory_space<hbm>> -> memref<10240x128xf32, #tpu.memory_space<hbm>>
            tpu.enqueue_indirect_dma source(%dma_start3A_139 : memref<10240x128xf32, #tpu.memory_space<hbm>>) target(%arg14 : memref<128x128xf32, #tpu.memory_space<vmem>>) offsets(%dma_start3A_136 : memref<128xi32, #tpu.memory_space<vmem>>) semaphore(%arg17 : memref<!tpu.dma_semaphore, #tpu.memory_space<semaphore_mem>>)
          } else {
          }
          %eq3A_129 = arith.constant 1 : i32
          %eq3A_130 = arith.cmpi eq, %arg0, %eq3A_129 : i32
          %convert_element_type3A_131 = arith.extui %eq3A_130 : i1 to i32
          %cond3A_132 = arith.constant 0 : i32
          %cond3A_133 = arith.cmpi ne, %convert_element_type3A_131, %cond3A_132 : i32
          scf.if %cond3A_133 {
            %dma_start3A_134 = arith.constant 0 : i32
            %dma_start3A_135 = tpu.memref_slice %arg12[%add3A_123, %dma_start3A_134] : memref<16x128xi32, #tpu.memory_space<vmem>> -> memref<1x128xi32, #tpu.memory_space<vmem>>
            %dma_start3A_136 = tpu.memref_squeeze %dma_start3A_135 : memref<1x128xi32, #tpu.memory_space<vmem>> -> memref<128xi32, #tpu.memory_space<vmem>>
            %dma_start3A_137 = arith.constant 0 : i32
            %dma_start3A_138 = arith.constant 0 : i32
            %dma_start3A_139 = tpu.memref_slice %arg3[%dma_start3A_137, %dma_start3A_138] : memref<10240x128xf32, #tpu.memory_space<hbm>> -> memref<10240x128xf32, #tpu.memory_space<hbm>>
            tpu.enqueue_indirect_dma source(%dma_start3A_139 : memref<10240x128xf32, #tpu.memory_space<hbm>>) target(%arg14 : memref<128x128xf32, #tpu.memory_space<vmem>>) offsets(%dma_start3A_136 : memref<128xi32, #tpu.memory_space<vmem>>) semaphore(%arg17 : memref<!tpu.dma_semaphore, #tpu.memory_space<semaphore_mem>>)
          } else {
          }
        } else {
        }
        %dma_wait3A_105 = arith.constant 0 : i32
        %dma_wait3A_106 = tpu.memref_slice %arg12[%add3A_90, %dma_wait3A_105] : memref<16x128xi32, #tpu.memory_space<vmem>> -> memref<1x128xi32, #tpu.memory_space<vmem>>
        %dma_wait3A_107 = tpu.memref_squeeze %dma_wait3A_106 : memref<1x128xi32, #tpu.memory_space<vmem>> -> memref<128xi32, #tpu.memory_space<vmem>>
        %dma_wait3A_108 = arith.constant 0 : i32
        %dma_wait3A_109 = arith.constant 0 : i32
        %dma_wait3A_110 = tpu.memref_slice %arg2[%dma_wait3A_108, %dma_wait3A_109] : memref<10240x128xf32, #tpu.memory_space<hbm>> -> memref<10240x128xf32, #tpu.memory_space<hbm>>
        tpu.wait_indirect_dma semaphore(%arg18 : memref<!tpu.dma_semaphore, #tpu.memory_space<semaphore_mem>>) src(%dma_wait3A_110 : memref<10240x128xf32, #tpu.memory_space<hbm>>) dst(%arg15 : memref<128x128xf32, #tpu.memory_space<vmem>>)
        %dma_start3A_111 = arith.constant 0 : i32
        %dma_start3A_112 = tpu.memref_slice %arg13[%add3A_90, %dma_start3A_111] : memref<16x128xi32, #tpu.memory_space<vmem>> -> memref<1x128xi32, #tpu.memory_space<vmem>>
        %dma_start3A_113 = tpu.memref_squeeze %dma_start3A_112 : memref<1x128xi32, #tpu.memory_space<vmem>> -> memref<128xi32, #tpu.memory_space<vmem>>
        %dma_start3A_114 = arith.constant 0 : i32
        %dma_start3A_115 = arith.constant 0 : i32
        %dma_start3A_116 = tpu.memref_slice %arg16[%dma_start3A_114, %dma_start3A_115] : memref<10240x128xf32, #tpu.memory_space<vmem_shared>> -> memref<10240x128xf32, #tpu.memory_space<vmem_shared>>
        tpu.enqueue_indirect_dma source(%arg15 : memref<128x128xf32, #tpu.memory_space<vmem>>) target(%dma_start3A_116 : memref<10240x128xf32, #tpu.memory_space<vmem_shared>>) offsets(%dma_start3A_113 : memref<128xi32, #tpu.memory_space<vmem>>) semaphore(%arg20 : memref<!tpu.dma_semaphore, #tpu.memory_space<semaphore_mem>>) {add = true}
        %eq3A_117 = arith.constant 0 : i32
        %eq3A_118 = arith.cmpi eq, %arg0, %eq3A_117 : i32
        %convert_element_type3A_119 = arith.extui %eq3A_118 : i1 to i32
        %cond3A_120 = arith.constant 0 : i32
        %cond3A_121 = arith.cmpi ne, %convert_element_type3A_119, %cond3A_120 : i32
        scf.if %cond3A_121 {
          %get3A = arith.index_cast %add3A_90 : i32 to index
          %get3A_122 = arith.constant 0 : index
          %get3A_123 = tpu.vector_load %arg13[%get3A, %get3A_122] {strides = array<i32>} : memref<16x128xi32, #tpu.memory_space<vmem>>, vector<16xi32>,
          tpu.vector_store_idx %arg21[%get3A_123], %broadcast_in_dim3A_3 {add = true} : memref<10240xf32, #tpu.memory_space<vmem>>[vector<16xi32>], vector<16xf32>,
          %get3A_124 = arith.index_cast %add3A_90 : i32 to index
          %get3A_125 = arith.constant 16 : index
          %get3A_126 = tpu.vector_load %arg13[%get3A_124, %get3A_125] {strides = array<i32>} : memref<16x128xi32, #tpu.memory_space<vmem>>, vector<16xi32>,
          tpu.vector_store_idx %arg21[%get3A_126], %broadcast_in_dim3A_3 {add = true} : memref<10240xf32, #tpu.memory_space<vmem>>[vector<16xi32>], vector<16xf32>,
          %get3A_127 = arith.index_cast %add3A_90 : i32 to index
          %get3A_128 = arith.constant 32 : index
          %get3A_129 = tpu.vector_load %arg13[%get3A_127, %get3A_128] {strides = array<i32>} : memref<16x128xi32, #tpu.memory_space<vmem>>, vector<16xi32>,
          tpu.vector_store_idx %arg21[%get3A_129], %broadcast_in_dim3A_3 {add = true} : memref<10240xf32, #tpu.memory_space<vmem>>[vector<16xi32>], vector<16xf32>,
          %get3A_130 = arith.index_cast %add3A_90 : i32 to index
          %get3A_131 = arith.constant 48 : index
          %get3A_132 = tpu.vector_load %arg13[%get3A_130, %get3A_131] {strides = array<i32>} : memref<16x128xi32, #tpu.memory_space<vmem>>, vector<16xi32>,
          tpu.vector_store_idx %arg21[%get3A_132], %broadcast_in_dim3A_3 {add = true} : memref<10240xf32, #tpu.memory_space<vmem>>[vector<16xi32>], vector<16xf32>,
          %get3A_133 = arith.index_cast %add3A_90 : i32 to index
          %get3A_134 = arith.constant 64 : index
          %get3A_135 = tpu.vector_load %arg13[%get3A_133, %get3A_134] {strides = array<i32>} : memref<16x128xi32, #tpu.memory_space<vmem>>, vector<16xi32>,
          tpu.vector_store_idx %arg21[%get3A_135], %broadcast_in_dim3A_3 {add = true} : memref<10240xf32, #tpu.memory_space<vmem>>[vector<16xi32>], vector<16xf32>,
          %get3A_136 = arith.index_cast %add3A_90 : i32 to index
          %get3A_137 = arith.constant 80 : index
          %get3A_138 = tpu.vector_load %arg13[%get3A_136, %get3A_137] {strides = array<i32>} : memref<16x128xi32, #tpu.memory_space<vmem>>, vector<16xi32>,
          tpu.vector_store_idx %arg21[%get3A_138], %broadcast_in_dim3A_3 {add = true} : memref<10240xf32, #tpu.memory_space<vmem>>[vector<16xi32>], vector<16xf32>,
          %get3A_139 = arith.index_cast %add3A_90 : i32 to index
          %get3A_140 = arith.constant 96 : index
          %get3A_141 = tpu.vector_load %arg13[%get3A_139, %get3A_140] {strides = array<i32>} : memref<16x128xi32, #tpu.memory_space<vmem>>, vector<16xi32>,
          tpu.vector_store_idx %arg21[%get3A_141], %broadcast_in_dim3A_3 {add = true} : memref<10240xf32, #tpu.memory_space<vmem>>[vector<16xi32>], vector<16xf32>,
          %get3A_142 = arith.index_cast %add3A_90 : i32 to index
          %get3A_143 = arith.constant 112 : index
          %get3A_144 = tpu.vector_load %arg13[%get3A_142, %get3A_143] {strides = array<i32>} : memref<16x128xi32, #tpu.memory_space<vmem>>, vector<16xi32>,
          tpu.vector_store_idx %arg21[%get3A_144], %broadcast_in_dim3A_3 {add = true} : memref<10240xf32, #tpu.memory_space<vmem>>[vector<16xi32>], vector<16xf32>,
        } else {
        }
      }
      %scan3A_50 = arith.constant 8 : i32
      %dma_wait3A = arith.constant 0 : i32
      %dma_wait3A_51 = arith.constant 0 : i32
      %dma_wait3A_52 = tpu.memref_slice %arg13[%dma_wait3A, %dma_wait3A_51] : memref<16x128xi32, #tpu.memory_space<vmem>> -> memref<1x128xi32, #tpu.memory_space<vmem>>
      %dma_wait3A_53 = tpu.memref_squeeze %dma_wait3A_52 : memref<1x128xi32, #tpu.memory_space<vmem>> -> memref<128xi32, #tpu.memory_space<vmem>>
      %dma_wait3A_54 = arith.constant 0 : i32
      %dma_wait3A_55 = arith.constant 0 : i32
      %dma_wait3A_56 = tpu.memref_slice %arg16[%dma_wait3A_54, %dma_wait3A_55] : memref<10240x128xf32, #tpu.memory_space<vmem_shared>> -> memref<10240x128xf32, #tpu.memory_space<vmem_shared>>
      tpu.wait_indirect_dma semaphore(%arg20 : memref<!tpu.dma_semaphore, #tpu.memory_space<semaphore_mem>>) src(%arg15 : memref<128x128xf32, #tpu.memory_space<vmem>>) dst(%dma_wait3A_56 : memref<10240x128xf32, #tpu.memory_space<vmem_shared>>)
    }
    %scan3A_8 = arith.constant 5 : i32
    %eq3A_9 = arith.constant 0 : i32
    %eq3A_10 = arith.cmpi eq, %arg0, %eq3A_9 : i32
    %convert_element_type3A_11 = arith.extui %eq3A_10 : i1 to i32
    %cond3A_12 = arith.constant 0 : i32
    %cond3A_13 = arith.cmpi ne, %convert_element_type3A_11, %cond3A_12 : i32
    scf.if %cond3A_13 {
      %mul3A_30 = arith.constant 10240 : i32
      %mul3A_31 = arith.muli %arg1, %mul3A_30 : i32
      "tpu.region"() ({
        %run_scoped3A = tpu.sem_alloc : memref<!tpu.dma_semaphore, #tpu.memory_space<semaphore_mem>>
        %dma_start3A = tpu.memref_slice %arg11[%mul3A_31] : memref<163840xf32, #tpu.memory_space<hbm>> -> memref<10240xf32, #tpu.memory_space<hbm>>
        %dma_start3A_32 = tpu.memref_slice %arg11[%mul3A_31] : memref<163840xf32, #tpu.memory_space<hbm>> -> memref<10240xf32, #tpu.memory_space<hbm>>
        tpu.enqueue_dma source(%arg21 : memref<10240xf32, #tpu.memory_space<vmem>>) target(%dma_start3A_32 : memref<10240xf32, #tpu.memory_space<hbm>>) target_semaphore(%run_scoped3A : memref<!tpu.dma_semaphore, #tpu.memory_space<semaphore_mem>>)
        %dma_wait3A = tpu.memref_slice %arg11[%mul3A_31] : memref<163840xf32, #tpu.memory_space<hbm>> -> memref<10240xf32, #tpu.memory_space<hbm>>
        %dma_wait3A_33 = tpu.memref_slice %arg11[%mul3A_31] : memref<163840xf32, #tpu.memory_space<hbm>> -> memref<10240xf32, #tpu.memory_space<hbm>>
        tpu.wait_dma2 semaphore(%run_scoped3A : memref<!tpu.dma_semaphore, #tpu.memory_space<semaphore_mem>>) src(%arg21 : memref<10240xf32, #tpu.memory_space<vmem>>) dst(%dma_wait3A_33 : memref<10240xf32, #tpu.memory_space<hbm>>)
        tpu.yield
      }) : () -> ()
    } else {
    }
    %barrier3A_14 = arith.constant 0 : index
    tpu.barrier barrier_id(%barrier3A_14)
    %eq3A_15 = arith.constant 0 : i32
    %eq3A_16 = arith.cmpi eq, %arg0, %eq3A_15 : i32
    %convert_element_type3A_17 = arith.extui %eq3A_16 : i1 to i32
    %cond3A_18 = arith.constant 0 : i32
    %cond3A_19 = arith.cmpi ne, %convert_element_type3A_17, %cond3A_18 : i32
    scf.if %cond3A_19 {
      "tpu.region"() ({
        %run_scoped3A = tpu.sem_alloc : memref<!tpu.dma_semaphore, #tpu.memory_space<semaphore_mem>>
        %dma_start3A = arith.constant 0 : i32
        %dma_start3A_30 = tpu.memref_slice %arg8[%mul3A_0, %dma_start3A] : memref<10240x128xf32, #tpu.memory_space<hbm>> -> memref<640x128xf32, #tpu.memory_space<hbm>>
        %dma_start3A_31 = arith.constant 0 : i32
        %dma_start3A_32 = tpu.memref_slice %arg16[%mul3A_0, %dma_start3A_31] : memref<10240x128xf32, #tpu.memory_space<vmem_shared>> -> memref<640x128xf32, #tpu.memory_space<vmem_shared>>
        tpu.enqueue_dma source(%dma_start3A_32 : memref<640x128xf32, #tpu.memory_space<vmem_shared>>) target(%dma_start3A_30 : memref<640x128xf32, #tpu.memory_space<hbm>>) target_semaphore(%run_scoped3A : memref<!tpu.dma_semaphore, #tpu.memory_space<semaphore_mem>>)
        %dma_wait3A = arith.constant 0 : i32
        %dma_wait3A_33 = tpu.memref_slice %arg8[%mul3A_0, %dma_wait3A] : memref<10240x128xf32, #tpu.memory_space<hbm>> -> memref<640x128xf32, #tpu.memory_space<hbm>>
        %dma_wait3A_34 = arith.constant 0 : i32
        %dma_wait3A_35 = tpu.memref_slice %arg16[%mul3A_0, %dma_wait3A_34] : memref<10240x128xf32, #tpu.memory_space<vmem_shared>> -> memref<640x128xf32, #tpu.memory_space<vmem_shared>>
        tpu.wait_dma2 semaphore(%run_scoped3A : memref<!tpu.dma_semaphore, #tpu.memory_space<semaphore_mem>>) src(%dma_wait3A_35 : memref<640x128xf32, #tpu.memory_space<vmem_shared>>) dst(%dma_wait3A_33 : memref<640x128xf32, #tpu.memory_space<hbm>>)
        tpu.yield
      }) : () -> ()
    } else {
    }
    %eq3A_20 = arith.constant 1 : i32
    %eq3A_21 = arith.cmpi eq, %arg0, %eq3A_20 : i32
    %convert_element_type3A_22 = arith.extui %eq3A_21 : i1 to i32
    %cond3A_23 = arith.constant 0 : i32
    %cond3A_24 = arith.cmpi ne, %convert_element_type3A_22, %cond3A_23 : i32
    scf.if %cond3A_24 {
      "tpu.region"() ({
        %run_scoped3A = tpu.sem_alloc : memref<!tpu.dma_semaphore, #tpu.memory_space<semaphore_mem>>
        %dma_start3A = arith.constant 0 : i32
        %dma_start3A_30 = tpu.memref_slice %arg9[%mul3A_0, %dma_start3A] : memref<10240x128xf32, #tpu.memory_space<hbm>> -> memref<640x128xf32, #tpu.memory_space<hbm>>
        %dma_start3A_31 = arith.constant 0 : i32
        %dma_start3A_32 = tpu.memref_slice %arg16[%mul3A_0, %dma_start3A_31] : memref<10240x128xf32, #tpu.memory_space<vmem_shared>> -> memref<640x128xf32, #tpu.memory_space<vmem_shared>>
        tpu.enqueue_dma source(%dma_start3A_32 : memref<640x128xf32, #tpu.memory_space<vmem_shared>>) target(%dma_start3A_30 : memref<640x128xf32, #tpu.memory_space<hbm>>) target_semaphore(%run_scoped3A : memref<!tpu.dma_semaphore, #tpu.memory_space<semaphore_mem>>)
        %dma_wait3A = arith.constant 0 : i32
        %dma_wait3A_33 = tpu.memref_slice %arg9[%mul3A_0, %dma_wait3A] : memref<10240x128xf32, #tpu.memory_space<hbm>> -> memref<640x128xf32, #tpu.memory_space<hbm>>
        %dma_wait3A_34 = arith.constant 0 : i32
        %dma_wait3A_35 = tpu.memref_slice %arg16[%mul3A_0, %dma_wait3A_34] : memref<10240x128xf32, #tpu.memory_space<vmem_shared>> -> memref<640x128xf32, #tpu.memory_space<vmem_shared>>
        tpu.wait_dma2 semaphore(%run_scoped3A : memref<!tpu.dma_semaphore, #tpu.memory_space<semaphore_mem>>) src(%dma_wait3A_35 : memref<640x128xf32, #tpu.memory_space<vmem_shared>>) dst(%dma_wait3A_33 : memref<640x128xf32, #tpu.memory_space<hbm>>)
        tpu.yield
      }) : () -> ()
    } else {
    }
    %eq3A_25 = arith.constant 0 : i32
    %eq3A_26 = arith.cmpi eq, %arg0, %eq3A_25 : i32
    %convert_element_type3A_27 = arith.extui %eq3A_26 : i1 to i32
    %cond3A_28 = arith.constant 0 : i32
    %cond3A_29 = arith.cmpi ne, %convert_element_type3A_27, %cond3A_28 : i32
    scf.if %cond3A_29 {
      %mul3A_30 = arith.constant 640 : i32
      %mul3A_31 = arith.muli %arg1, %mul3A_30 : i32
      "tpu.region"() ({
        %run_scoped3A = tpu.sem_alloc : memref<!tpu.dma_semaphore, #tpu.memory_space<semaphore_mem>>
        %dma_start3A = tpu.memref_slice %arg11[%mul3A_31] : memref<163840xf32, #tpu.memory_space<hbm>> -> memref<640xf32, #tpu.memory_space<hbm>>
        %dma_start3A_181 = tpu.memref_slice %arg11[%mul3A_31] : memref<163840xf32, #tpu.memory_space<hbm>> -> memref<640xf32, #tpu.memory_space<hbm>>
        tpu.enqueue_dma source(%dma_start3A_181 : memref<640xf32, #tpu.memory_space<hbm>>) target(%arg22 : memref<640xf32, #tpu.memory_space<vmem>>) target_semaphore(%run_scoped3A : memref<!tpu.dma_semaphore, #tpu.memory_space<semaphore_mem>>)
        %dma_wait3A = tpu.memref_slice %arg11[%mul3A_31] : memref<163840xf32, #tpu.memory_space<hbm>> -> memref<640xf32, #tpu.memory_space<hbm>>
        %dma_wait3A_182 = tpu.memref_slice %arg11[%mul3A_31] : memref<163840xf32, #tpu.memory_space<hbm>> -> memref<640xf32, #tpu.memory_space<hbm>>
        tpu.wait_dma2 semaphore(%run_scoped3A : memref<!tpu.dma_semaphore, #tpu.memory_space<semaphore_mem>>) src(%dma_wait3A_182 : memref<640xf32, #tpu.memory_space<hbm>>) dst(%arg22 : memref<640xf32, #tpu.memory_space<vmem>>)
        tpu.yield
      }) : () -> ()
      %mul3A_32 = arith.constant 640 : i32
      %mul3A_33 = arith.muli %arg1, %mul3A_32 : i32
      %add3A = arith.constant 10240 : i32
      %add3A_34 = arith.addi %add3A, %mul3A_33 : i32
      "tpu.region"() ({
        %run_scoped3A = tpu.sem_alloc : memref<!tpu.dma_semaphore, #tpu.memory_space<semaphore_mem>>
        %dma_start3A = tpu.memref_slice %arg11[%add3A_34] : memref<163840xf32, #tpu.memory_space<hbm>> -> memref<640xf32, #tpu.memory_space<hbm>>
        %dma_start3A_181 = tpu.memref_slice %arg11[%add3A_34] : memref<163840xf32, #tpu.memory_space<hbm>> -> memref<640xf32, #tpu.memory_space<hbm>>
        tpu.enqueue_dma source(%dma_start3A_181 : memref<640xf32, #tpu.memory_space<hbm>>) target(%arg23 : memref<640xf32, #tpu.memory_space<vmem>>) target_semaphore(%run_scoped3A : memref<!tpu.dma_semaphore, #tpu.memory_space<semaphore_mem>>)
        %dma_wait3A = tpu.memref_slice %arg11[%add3A_34] : memref<163840xf32, #tpu.memory_space<hbm>> -> memref<640xf32, #tpu.memory_space<hbm>>
        %dma_wait3A_182 = tpu.memref_slice %arg11[%add3A_34] : memref<163840xf32, #tpu.memory_space<hbm>> -> memref<640xf32, #tpu.memory_space<hbm>>
        tpu.wait_dma2 semaphore(%run_scoped3A : memref<!tpu.dma_semaphore, #tpu.memory_space<semaphore_mem>>) src(%dma_wait3A_182 : memref<640xf32, #tpu.memory_space<hbm>>) dst(%arg23 : memref<640xf32, #tpu.memory_space<vmem>>)
        tpu.yield
      }) : () -> ()
      %scan3A_35 = arith.constant 0 : i32
      %scan3A_36 = arith.constant 0 : i32
      %scan3A_37 = arith.constant 40 : i32
      %scan3A_38 = arith.addi %scan3A_36, %scan3A_37 : i32
      %scan3A_39 = arith.constant 1 : i32
      scf.for %scan3A_181 = %scan3A_36 to %scan3A_38 step %scan3A_39  : i32 {
        %mul3A_182 = arith.constant 16 : i32
        %mul3A_183 = arith.muli %scan3A_181, %mul3A_182 : i32
        %get3A = arith.index_cast %mul3A_183 : i32 to index
        %get3A_184 = tpu.vector_load %arg22[%get3A] {strides = array<i32>} : memref<640xf32, #tpu.memory_space<vmem>>, vector<16xf32>,
        %get3A_185 = arith.index_cast %mul3A_183 : i32 to index
        %get3A_186 = tpu.vector_load %arg23[%get3A_185] {strides = array<i32>} : memref<640xf32, #tpu.memory_space<vmem>>, vector<16xf32>,
        %add3A_187 = arith.addf %get3A_184, %get3A_186 : vector<16xf32>
        %swap3A = arith.index_cast %mul3A_183 : i32 to index
        %swap3A_188 = tpu.vector_load %arg22[%swap3A] {strides = array<i32>} : memref<640xf32, #tpu.memory_space<vmem>>, vector<16xf32>,
        tpu.vector_store %arg22[%swap3A], %add3A_187 {strides = array<i32>} : memref<640xf32, #tpu.memory_space<vmem>>, vector<16xf32>,
      }
      %scan3A_40 = arith.constant 40 : i32
      %mul3A_41 = arith.constant 640 : i32
      %mul3A_42 = arith.muli %arg1, %mul3A_41 : i32
      %add3A_43 = arith.constant 20480 : i32
      %add3A_44 = arith.addi %add3A_43, %mul3A_42 : i32
      "tpu.region"() ({
        %run_scoped3A = tpu.sem_alloc : memref<!tpu.dma_semaphore, #tpu.memory_space<semaphore_mem>>
        %dma_start3A = tpu.memref_slice %arg11[%add3A_44] : memref<163840xf32, #tpu.memory_space<hbm>> -> memref<640xf32, #tpu.memory_space<hbm>>
        %dma_start3A_181 = tpu.memref_slice %arg11[%add3A_44] : memref<163840xf32, #tpu.memory_space<hbm>> -> memref<640xf32, #tpu.memory_space<hbm>>
        tpu.enqueue_dma source(%dma_start3A_181 : memref<640xf32, #tpu.memory_space<hbm>>) target(%arg23 : memref<640xf32, #tpu.memory_space<vmem>>) target_semaphore(%run_scoped3A : memref<!tpu.dma_semaphore, #tpu.memory_space<semaphore_mem>>)
        %dma_wait3A = tpu.memref_slice %arg11[%add3A_44] : memref<163840xf32, #tpu.memory_space<hbm>> -> memref<640xf32, #tpu.memory_space<hbm>>
        %dma_wait3A_182 = tpu.memref_slice %arg11[%add3A_44] : memref<163840xf32, #tpu.memory_space<hbm>> -> memref<640xf32, #tpu.memory_space<hbm>>
        tpu.wait_dma2 semaphore(%run_scoped3A : memref<!tpu.dma_semaphore, #tpu.memory_space<semaphore_mem>>) src(%dma_wait3A_182 : memref<640xf32, #tpu.memory_space<hbm>>) dst(%arg23 : memref<640xf32, #tpu.memory_space<vmem>>)
        tpu.yield
      }) : () -> ()
      %scan3A_45 = arith.constant 0 : i32
      %scan3A_46 = arith.constant 0 : i32
      %scan3A_47 = arith.constant 40 : i32
      %scan3A_48 = arith.addi %scan3A_46, %scan3A_47 : i32
      %scan3A_49 = arith.constant 1 : i32
      scf.for %scan3A_181 = %scan3A_46 to %scan3A_48 step %scan3A_49  : i32 {
        %mul3A_182 = arith.constant 16 : i32
        %mul3A_183 = arith.muli %scan3A_181, %mul3A_182 : i32
        %get3A = arith.index_cast %mul3A_183 : i32 to index
        %get3A_184 = tpu.vector_load %arg22[%get3A] {strides = array<i32>} : memref<640xf32, #tpu.memory_space<vmem>>, vector<16xf32>,
        %get3A_185 = arith.index_cast %mul3A_183 : i32 to index
        %get3A_186 = tpu.vector_load %arg23[%get3A_185] {strides = array<i32>} : memref<640xf32, #tpu.memory_space<vmem>>, vector<16xf32>,
        %add3A_187 = arith.addf %get3A_184, %get3A_186 : vector<16xf32>
        %swap3A = arith.index_cast %mul3A_183 : i32 to index
        %swap3A_188 = tpu.vector_load %arg22[%swap3A] {strides = array<i32>} : memref<640xf32, #tpu.memory_space<vmem>>, vector<16xf32>,
        tpu.vector_store %arg22[%swap3A], %add3A_187 {strides = array<i32>} : memref<640xf32, #tpu.memory_space<vmem>>, vector<16xf32>,
      }
      %scan3A_50 = arith.constant 40 : i32
      %mul3A_51 = arith.constant 640 : i32
      %mul3A_52 = arith.muli %arg1, %mul3A_51 : i32
      %add3A_53 = arith.constant 30720 : i32
      %add3A_54 = arith.addi %add3A_53, %mul3A_52 : i32
      "tpu.region"() ({
        %run_scoped3A = tpu.sem_alloc : memref<!tpu.dma_semaphore, #tpu.memory_space<semaphore_mem>>
        %dma_start3A = tpu.memref_slice %arg11[%add3A_54] : memref<163840xf32, #tpu.memory_space<hbm>> -> memref<640xf32, #tpu.memory_space<hbm>>
        %dma_start3A_181 = tpu.memref_slice %arg11[%add3A_54] : memref<163840xf32, #tpu.memory_space<hbm>> -> memref<640xf32, #tpu.memory_space<hbm>>
        tpu.enqueue_dma source(%dma_start3A_181 : memref<640xf32, #tpu.memory_space<hbm>>) target(%arg23 : memref<640xf32, #tpu.memory_space<vmem>>) target_semaphore(%run_scoped3A : memref<!tpu.dma_semaphore, #tpu.memory_space<semaphore_mem>>)
        %dma_wait3A = tpu.memref_slice %arg11[%add3A_54] : memref<163840xf32, #tpu.memory_space<hbm>> -> memref<640xf32, #tpu.memory_space<hbm>>
        %dma_wait3A_182 = tpu.memref_slice %arg11[%add3A_54] : memref<163840xf32, #tpu.memory_space<hbm>> -> memref<640xf32, #tpu.memory_space<hbm>>
        tpu.wait_dma2 semaphore(%run_scoped3A : memref<!tpu.dma_semaphore, #tpu.memory_space<semaphore_mem>>) src(%dma_wait3A_182 : memref<640xf32, #tpu.memory_space<hbm>>) dst(%arg23 : memref<640xf32, #tpu.memory_space<vmem>>)
        tpu.yield
      }) : () -> ()
      %scan3A_55 = arith.constant 0 : i32
      %scan3A_56 = arith.constant 0 : i32
      %scan3A_57 = arith.constant 40 : i32
      %scan3A_58 = arith.addi %scan3A_56, %scan3A_57 : i32
      %scan3A_59 = arith.constant 1 : i32
      scf.for %scan3A_181 = %scan3A_56 to %scan3A_58 step %scan3A_59  : i32 {
        %mul3A_182 = arith.constant 16 : i32
        %mul3A_183 = arith.muli %scan3A_181, %mul3A_182 : i32
        %get3A = arith.index_cast %mul3A_183 : i32 to index
        %get3A_184 = tpu.vector_load %arg22[%get3A] {strides = array<i32>} : memref<640xf32, #tpu.memory_space<vmem>>, vector<16xf32>,
        %get3A_185 = arith.index_cast %mul3A_183 : i32 to index
        %get3A_186 = tpu.vector_load %arg23[%get3A_185] {strides = array<i32>} : memref<640xf32, #tpu.memory_space<vmem>>, vector<16xf32>,
        %add3A_187 = arith.addf %get3A_184, %get3A_186 : vector<16xf32>
        %swap3A = arith.index_cast %mul3A_183 : i32 to index
        %swap3A_188 = tpu.vector_load %arg22[%swap3A] {strides = array<i32>} : memref<640xf32, #tpu.memory_space<vmem>>, vector<16xf32>,
        tpu.vector_store %arg22[%swap3A], %add3A_187 {strides = array<i32>} : memref<640xf32, #tpu.memory_space<vmem>>, vector<16xf32>,
      }
      %scan3A_60 = arith.constant 40 : i32
      %mul3A_61 = arith.constant 640 : i32
      %mul3A_62 = arith.muli %arg1, %mul3A_61 : i32
      %add3A_63 = arith.constant 40960 : i32
      %add3A_64 = arith.addi %add3A_63, %mul3A_62 : i32
      "tpu.region"() ({
        %run_scoped3A = tpu.sem_alloc : memref<!tpu.dma_semaphore, #tpu.memory_space<semaphore_mem>>
        %dma_start3A = tpu.memref_slice %arg11[%add3A_64] : memref<163840xf32, #tpu.memory_space<hbm>> -> memref<640xf32, #tpu.memory_space<hbm>>
        %dma_start3A_181 = tpu.memref_slice %arg11[%add3A_64] : memref<163840xf32, #tpu.memory_space<hbm>> -> memref<640xf32, #tpu.memory_space<hbm>>
        tpu.enqueue_dma source(%dma_start3A_181 : memref<640xf32, #tpu.memory_space<hbm>>) target(%arg23 : memref<640xf32, #tpu.memory_space<vmem>>) target_semaphore(%run_scoped3A : memref<!tpu.dma_semaphore, #tpu.memory_space<semaphore_mem>>)
        %dma_wait3A = tpu.memref_slice %arg11[%add3A_64] : memref<163840xf32, #tpu.memory_space<hbm>> -> memref<640xf32, #tpu.memory_space<hbm>>
        %dma_wait3A_182 = tpu.memref_slice %arg11[%add3A_64] : memref<163840xf32, #tpu.memory_space<hbm>> -> memref<640xf32, #tpu.memory_space<hbm>>
        tpu.wait_dma2 semaphore(%run_scoped3A : memref<!tpu.dma_semaphore, #tpu.memory_space<semaphore_mem>>) src(%dma_wait3A_182 : memref<640xf32, #tpu.memory_space<hbm>>) dst(%arg23 : memref<640xf32, #tpu.memory_space<vmem>>)
        tpu.yield
      }) : () -> ()
      %scan3A_65 = arith.constant 0 : i32
      %scan3A_66 = arith.constant 0 : i32
      %scan3A_67 = arith.constant 40 : i32
      %scan3A_68 = arith.addi %scan3A_66, %scan3A_67 : i32
      %scan3A_69 = arith.constant 1 : i32
      scf.for %scan3A_181 = %scan3A_66 to %scan3A_68 step %scan3A_69  : i32 {
        %mul3A_182 = arith.constant 16 : i32
        %mul3A_183 = arith.muli %scan3A_181, %mul3A_182 : i32
        %get3A = arith.index_cast %mul3A_183 : i32 to index
        %get3A_184 = tpu.vector_load %arg22[%get3A] {strides = array<i32>} : memref<640xf32, #tpu.memory_space<vmem>>, vector<16xf32>,
        %get3A_185 = arith.index_cast %mul3A_183 : i32 to index
        %get3A_186 = tpu.vector_load %arg23[%get3A_185] {strides = array<i32>} : memref<640xf32, #tpu.memory_space<vmem>>, vector<16xf32>,
        %add3A_187 = arith.addf %get3A_184, %get3A_186 : vector<16xf32>
        %swap3A = arith.index_cast %mul3A_183 : i32 to index
        %swap3A_188 = tpu.vector_load %arg22[%swap3A] {strides = array<i32>} : memref<640xf32, #tpu.memory_space<vmem>>, vector<16xf32>,
        tpu.vector_store %arg22[%swap3A], %add3A_187 {strides = array<i32>} : memref<640xf32, #tpu.memory_space<vmem>>, vector<16xf32>,
      }
      %scan3A_70 = arith.constant 40 : i32
      %mul3A_71 = arith.constant 640 : i32
      %mul3A_72 = arith.muli %arg1, %mul3A_71 : i32
      %add3A_73 = arith.constant 51200 : i32
      %add3A_74 = arith.addi %add3A_73, %mul3A_72 : i32
      "tpu.region"() ({
        %run_scoped3A = tpu.sem_alloc : memref<!tpu.dma_semaphore, #tpu.memory_space<semaphore_mem>>
        %dma_start3A = tpu.memref_slice %arg11[%add3A_74] : memref<163840xf32, #tpu.memory_space<hbm>> -> memref<640xf32, #tpu.memory_space<hbm>>
        %dma_start3A_181 = tpu.memref_slice %arg11[%add3A_74] : memref<163840xf32, #tpu.memory_space<hbm>> -> memref<640xf32, #tpu.memory_space<hbm>>
        tpu.enqueue_dma source(%dma_start3A_181 : memref<640xf32, #tpu.memory_space<hbm>>) target(%arg23 : memref<640xf32, #tpu.memory_space<vmem>>) target_semaphore(%run_scoped3A : memref<!tpu.dma_semaphore, #tpu.memory_space<semaphore_mem>>)
        %dma_wait3A = tpu.memref_slice %arg11[%add3A_74] : memref<163840xf32, #tpu.memory_space<hbm>> -> memref<640xf32, #tpu.memory_space<hbm>>
        %dma_wait3A_182 = tpu.memref_slice %arg11[%add3A_74] : memref<163840xf32, #tpu.memory_space<hbm>> -> memref<640xf32, #tpu.memory_space<hbm>>
        tpu.wait_dma2 semaphore(%run_scoped3A : memref<!tpu.dma_semaphore, #tpu.memory_space<semaphore_mem>>) src(%dma_wait3A_182 : memref<640xf32, #tpu.memory_space<hbm>>) dst(%arg23 : memref<640xf32, #tpu.memory_space<vmem>>)
        tpu.yield
      }) : () -> ()
      %scan3A_75 = arith.constant 0 : i32
      %scan3A_76 = arith.constant 0 : i32
      %scan3A_77 = arith.constant 40 : i32
      %scan3A_78 = arith.addi %scan3A_76, %scan3A_77 : i32
      %scan3A_79 = arith.constant 1 : i32
      scf.for %scan3A_181 = %scan3A_76 to %scan3A_78 step %scan3A_79  : i32 {
        %mul3A_182 = arith.constant 16 : i32
        %mul3A_183 = arith.muli %scan3A_181, %mul3A_182 : i32
        %get3A = arith.index_cast %mul3A_183 : i32 to index
        %get3A_184 = tpu.vector_load %arg22[%get3A] {strides = array<i32>} : memref<640xf32, #tpu.memory_space<vmem>>, vector<16xf32>,
        %get3A_185 = arith.index_cast %mul3A_183 : i32 to index
        %get3A_186 = tpu.vector_load %arg23[%get3A_185] {strides = array<i32>} : memref<640xf32, #tpu.memory_space<vmem>>, vector<16xf32>,
        %add3A_187 = arith.addf %get3A_184, %get3A_186 : vector<16xf32>
        %swap3A = arith.index_cast %mul3A_183 : i32 to index
        %swap3A_188 = tpu.vector_load %arg22[%swap3A] {strides = array<i32>} : memref<640xf32, #tpu.memory_space<vmem>>, vector<16xf32>,
        tpu.vector_store %arg22[%swap3A], %add3A_187 {strides = array<i32>} : memref<640xf32, #tpu.memory_space<vmem>>, vector<16xf32>,
      }
      %scan3A_80 = arith.constant 40 : i32
      %mul3A_81 = arith.constant 640 : i32
      %mul3A_82 = arith.muli %arg1, %mul3A_81 : i32
      %add3A_83 = arith.constant 61440 : i32
      %add3A_84 = arith.addi %add3A_83, %mul3A_82 : i32
      "tpu.region"() ({
        %run_scoped3A = tpu.sem_alloc : memref<!tpu.dma_semaphore, #tpu.memory_space<semaphore_mem>>
        %dma_start3A = tpu.memref_slice %arg11[%add3A_84] : memref<163840xf32, #tpu.memory_space<hbm>> -> memref<640xf32, #tpu.memory_space<hbm>>
        %dma_start3A_181 = tpu.memref_slice %arg11[%add3A_84] : memref<163840xf32, #tpu.memory_space<hbm>> -> memref<640xf32, #tpu.memory_space<hbm>>
        tpu.enqueue_dma source(%dma_start3A_181 : memref<640xf32, #tpu.memory_space<hbm>>) target(%arg23 : memref<640xf32, #tpu.memory_space<vmem>>) target_semaphore(%run_scoped3A : memref<!tpu.dma_semaphore, #tpu.memory_space<semaphore_mem>>)
        %dma_wait3A = tpu.memref_slice %arg11[%add3A_84] : memref<163840xf32, #tpu.memory_space<hbm>> -> memref<640xf32, #tpu.memory_space<hbm>>
        %dma_wait3A_182 = tpu.memref_slice %arg11[%add3A_84] : memref<163840xf32, #tpu.memory_space<hbm>> -> memref<640xf32, #tpu.memory_space<hbm>>
        tpu.wait_dma2 semaphore(%run_scoped3A : memref<!tpu.dma_semaphore, #tpu.memory_space<semaphore_mem>>) src(%dma_wait3A_182 : memref<640xf32, #tpu.memory_space<hbm>>) dst(%arg23 : memref<640xf32, #tpu.memory_space<vmem>>)
        tpu.yield
      }) : () -> ()
      %scan3A_85 = arith.constant 0 : i32
      %scan3A_86 = arith.constant 0 : i32
      %scan3A_87 = arith.constant 40 : i32
      %scan3A_88 = arith.addi %scan3A_86, %scan3A_87 : i32
      %scan3A_89 = arith.constant 1 : i32
      scf.for %scan3A_181 = %scan3A_86 to %scan3A_88 step %scan3A_89  : i32 {
        %mul3A_182 = arith.constant 16 : i32
        %mul3A_183 = arith.muli %scan3A_181, %mul3A_182 : i32
        %get3A = arith.index_cast %mul3A_183 : i32 to index
        %get3A_184 = tpu.vector_load %arg22[%get3A] {strides = array<i32>} : memref<640xf32, #tpu.memory_space<vmem>>, vector<16xf32>,
        %get3A_185 = arith.index_cast %mul3A_183 : i32 to index
        %get3A_186 = tpu.vector_load %arg23[%get3A_185] {strides = array<i32>} : memref<640xf32, #tpu.memory_space<vmem>>, vector<16xf32>,
        %add3A_187 = arith.addf %get3A_184, %get3A_186 : vector<16xf32>
        %swap3A = arith.index_cast %mul3A_183 : i32 to index
        %swap3A_188 = tpu.vector_load %arg22[%swap3A] {strides = array<i32>} : memref<640xf32, #tpu.memory_space<vmem>>, vector<16xf32>,
        tpu.vector_store %arg22[%swap3A], %add3A_187 {strides = array<i32>} : memref<640xf32, #tpu.memory_space<vmem>>, vector<16xf32>,
      }
      %scan3A_90 = arith.constant 40 : i32
      %mul3A_91 = arith.constant 640 : i32
      %mul3A_92 = arith.muli %arg1, %mul3A_91 : i32
      %add3A_93 = arith.constant 71680 : i32
      %add3A_94 = arith.addi %add3A_93, %mul3A_92 : i32
      "tpu.region"() ({
        %run_scoped3A = tpu.sem_alloc : memref<!tpu.dma_semaphore, #tpu.memory_space<semaphore_mem>>
        %dma_start3A = tpu.memref_slice %arg11[%add3A_94] : memref<163840xf32, #tpu.memory_space<hbm>> -> memref<640xf32, #tpu.memory_space<hbm>>
        %dma_start3A_181 = tpu.memref_slice %arg11[%add3A_94] : memref<163840xf32, #tpu.memory_space<hbm>> -> memref<640xf32, #tpu.memory_space<hbm>>
        tpu.enqueue_dma source(%dma_start3A_181 : memref<640xf32, #tpu.memory_space<hbm>>) target(%arg23 : memref<640xf32, #tpu.memory_space<vmem>>) target_semaphore(%run_scoped3A : memref<!tpu.dma_semaphore, #tpu.memory_space<semaphore_mem>>)
        %dma_wait3A = tpu.memref_slice %arg11[%add3A_94] : memref<163840xf32, #tpu.memory_space<hbm>> -> memref<640xf32, #tpu.memory_space<hbm>>
        %dma_wait3A_182 = tpu.memref_slice %arg11[%add3A_94] : memref<163840xf32, #tpu.memory_space<hbm>> -> memref<640xf32, #tpu.memory_space<hbm>>
        tpu.wait_dma2 semaphore(%run_scoped3A : memref<!tpu.dma_semaphore, #tpu.memory_space<semaphore_mem>>) src(%dma_wait3A_182 : memref<640xf32, #tpu.memory_space<hbm>>) dst(%arg23 : memref<640xf32, #tpu.memory_space<vmem>>)
        tpu.yield
      }) : () -> ()
      %scan3A_95 = arith.constant 0 : i32
      %scan3A_96 = arith.constant 0 : i32
      %scan3A_97 = arith.constant 40 : i32
      %scan3A_98 = arith.addi %scan3A_96, %scan3A_97 : i32
      %scan3A_99 = arith.constant 1 : i32
      scf.for %scan3A_181 = %scan3A_96 to %scan3A_98 step %scan3A_99  : i32 {
        %mul3A_182 = arith.constant 16 : i32
        %mul3A_183 = arith.muli %scan3A_181, %mul3A_182 : i32
        %get3A = arith.index_cast %mul3A_183 : i32 to index
        %get3A_184 = tpu.vector_load %arg22[%get3A] {strides = array<i32>} : memref<640xf32, #tpu.memory_space<vmem>>, vector<16xf32>,
        %get3A_185 = arith.index_cast %mul3A_183 : i32 to index
        %get3A_186 = tpu.vector_load %arg23[%get3A_185] {strides = array<i32>} : memref<640xf32, #tpu.memory_space<vmem>>, vector<16xf32>,
        %add3A_187 = arith.addf %get3A_184, %get3A_186 : vector<16xf32>
        %swap3A = arith.index_cast %mul3A_183 : i32 to index
        %swap3A_188 = tpu.vector_load %arg22[%swap3A] {strides = array<i32>} : memref<640xf32, #tpu.memory_space<vmem>>, vector<16xf32>,
        tpu.vector_store %arg22[%swap3A], %add3A_187 {strides = array<i32>} : memref<640xf32, #tpu.memory_space<vmem>>, vector<16xf32>,
      }
      %scan3A_100 = arith.constant 40 : i32
      %mul3A_101 = arith.constant 640 : i32
      %mul3A_102 = arith.muli %arg1, %mul3A_101 : i32
      %add3A_103 = arith.constant 81920 : i32
      %add3A_104 = arith.addi %add3A_103, %mul3A_102 : i32
      "tpu.region"() ({
        %run_scoped3A = tpu.sem_alloc : memref<!tpu.dma_semaphore, #tpu.memory_space<semaphore_mem>>
        %dma_start3A = tpu.memref_slice %arg11[%add3A_104] : memref<163840xf32, #tpu.memory_space<hbm>> -> memref<640xf32, #tpu.memory_space<hbm>>
        %dma_start3A_181 = tpu.memref_slice %arg11[%add3A_104] : memref<163840xf32, #tpu.memory_space<hbm>> -> memref<640xf32, #tpu.memory_space<hbm>>
        tpu.enqueue_dma source(%dma_start3A_181 : memref<640xf32, #tpu.memory_space<hbm>>) target(%arg23 : memref<640xf32, #tpu.memory_space<vmem>>) target_semaphore(%run_scoped3A : memref<!tpu.dma_semaphore, #tpu.memory_space<semaphore_mem>>)
        %dma_wait3A = tpu.memref_slice %arg11[%add3A_104] : memref<163840xf32, #tpu.memory_space<hbm>> -> memref<640xf32, #tpu.memory_space<hbm>>
        %dma_wait3A_182 = tpu.memref_slice %arg11[%add3A_104] : memref<163840xf32, #tpu.memory_space<hbm>> -> memref<640xf32, #tpu.memory_space<hbm>>
        tpu.wait_dma2 semaphore(%run_scoped3A : memref<!tpu.dma_semaphore, #tpu.memory_space<semaphore_mem>>) src(%dma_wait3A_182 : memref<640xf32, #tpu.memory_space<hbm>>) dst(%arg23 : memref<640xf32, #tpu.memory_space<vmem>>)
        tpu.yield
      }) : () -> ()
      %scan3A_105 = arith.constant 0 : i32
      %scan3A_106 = arith.constant 0 : i32
      %scan3A_107 = arith.constant 40 : i32
      %scan3A_108 = arith.addi %scan3A_106, %scan3A_107 : i32
      %scan3A_109 = arith.constant 1 : i32
      scf.for %scan3A_181 = %scan3A_106 to %scan3A_108 step %scan3A_109  : i32 {
        %mul3A_182 = arith.constant 16 : i32
        %mul3A_183 = arith.muli %scan3A_181, %mul3A_182 : i32
        %get3A = arith.index_cast %mul3A_183 : i32 to index
        %get3A_184 = tpu.vector_load %arg22[%get3A] {strides = array<i32>} : memref<640xf32, #tpu.memory_space<vmem>>, vector<16xf32>,
        %get3A_185 = arith.index_cast %mul3A_183 : i32 to index
        %get3A_186 = tpu.vector_load %arg23[%get3A_185] {strides = array<i32>} : memref<640xf32, #tpu.memory_space<vmem>>, vector<16xf32>,
        %add3A_187 = arith.addf %get3A_184, %get3A_186 : vector<16xf32>
        %swap3A = arith.index_cast %mul3A_183 : i32 to index
        %swap3A_188 = tpu.vector_load %arg22[%swap3A] {strides = array<i32>} : memref<640xf32, #tpu.memory_space<vmem>>, vector<16xf32>,
        tpu.vector_store %arg22[%swap3A], %add3A_187 {strides = array<i32>} : memref<640xf32, #tpu.memory_space<vmem>>, vector<16xf32>,
      }
      %scan3A_110 = arith.constant 40 : i32
      %mul3A_111 = arith.constant 640 : i32
      %mul3A_112 = arith.muli %arg1, %mul3A_111 : i32
      %add3A_113 = arith.constant 92160 : i32
      %add3A_114 = arith.addi %add3A_113, %mul3A_112 : i32
      "tpu.region"() ({
        %run_scoped3A = tpu.sem_alloc : memref<!tpu.dma_semaphore, #tpu.memory_space<semaphore_mem>>
        %dma_start3A = tpu.memref_slice %arg11[%add3A_114] : memref<163840xf32, #tpu.memory_space<hbm>> -> memref<640xf32, #tpu.memory_space<hbm>>
        %dma_start3A_181 = tpu.memref_slice %arg11[%add3A_114] : memref<163840xf32, #tpu.memory_space<hbm>> -> memref<640xf32, #tpu.memory_space<hbm>>
        tpu.enqueue_dma source(%dma_start3A_181 : memref<640xf32, #tpu.memory_space<hbm>>) target(%arg23 : memref<640xf32, #tpu.memory_space<vmem>>) target_semaphore(%run_scoped3A : memref<!tpu.dma_semaphore, #tpu.memory_space<semaphore_mem>>)
        %dma_wait3A = tpu.memref_slice %arg11[%add3A_114] : memref<163840xf32, #tpu.memory_space<hbm>> -> memref<640xf32, #tpu.memory_space<hbm>>
        %dma_wait3A_182 = tpu.memref_slice %arg11[%add3A_114] : memref<163840xf32, #tpu.memory_space<hbm>> -> memref<640xf32, #tpu.memory_space<hbm>>
        tpu.wait_dma2 semaphore(%run_scoped3A : memref<!tpu.dma_semaphore, #tpu.memory_space<semaphore_mem>>) src(%dma_wait3A_182 : memref<640xf32, #tpu.memory_space<hbm>>) dst(%arg23 : memref<640xf32, #tpu.memory_space<vmem>>)
        tpu.yield
      }) : () -> ()
      %scan3A_115 = arith.constant 0 : i32
      %scan3A_116 = arith.constant 0 : i32
      %scan3A_117 = arith.constant 40 : i32
      %scan3A_118 = arith.addi %scan3A_116, %scan3A_117 : i32
      %scan3A_119 = arith.constant 1 : i32
      scf.for %scan3A_181 = %scan3A_116 to %scan3A_118 step %scan3A_119  : i32 {
        %mul3A_182 = arith.constant 16 : i32
        %mul3A_183 = arith.muli %scan3A_181, %mul3A_182 : i32
        %get3A = arith.index_cast %mul3A_183 : i32 to index
        %get3A_184 = tpu.vector_load %arg22[%get3A] {strides = array<i32>} : memref<640xf32, #tpu.memory_space<vmem>>, vector<16xf32>,
        %get3A_185 = arith.index_cast %mul3A_183 : i32 to index
        %get3A_186 = tpu.vector_load %arg23[%get3A_185] {strides = array<i32>} : memref<640xf32, #tpu.memory_space<vmem>>, vector<16xf32>,
        %add3A_187 = arith.addf %get3A_184, %get3A_186 : vector<16xf32>
        %swap3A = arith.index_cast %mul3A_183 : i32 to index
        %swap3A_188 = tpu.vector_load %arg22[%swap3A] {strides = array<i32>} : memref<640xf32, #tpu.memory_space<vmem>>, vector<16xf32>,
        tpu.vector_store %arg22[%swap3A], %add3A_187 {strides = array<i32>} : memref<640xf32, #tpu.memory_space<vmem>>, vector<16xf32>,
      }
      %scan3A_120 = arith.constant 40 : i32
      %mul3A_121 = arith.constant 640 : i32
      %mul3A_122 = arith.muli %arg1, %mul3A_121 : i32
      %add3A_123 = arith.constant 102400 : i32
      %add3A_124 = arith.addi %add3A_123, %mul3A_122 : i32
      "tpu.region"() ({
        %run_scoped3A = tpu.sem_alloc : memref<!tpu.dma_semaphore, #tpu.memory_space<semaphore_mem>>
        %dma_start3A = tpu.memref_slice %arg11[%add3A_124] : memref<163840xf32, #tpu.memory_space<hbm>> -> memref<640xf32, #tpu.memory_space<hbm>>
        %dma_start3A_181 = tpu.memref_slice %arg11[%add3A_124] : memref<163840xf32, #tpu.memory_space<hbm>> -> memref<640xf32, #tpu.memory_space<hbm>>
        tpu.enqueue_dma source(%dma_start3A_181 : memref<640xf32, #tpu.memory_space<hbm>>) target(%arg23 : memref<640xf32, #tpu.memory_space<vmem>>) target_semaphore(%run_scoped3A : memref<!tpu.dma_semaphore, #tpu.memory_space<semaphore_mem>>)
        %dma_wait3A = tpu.memref_slice %arg11[%add3A_124] : memref<163840xf32, #tpu.memory_space<hbm>> -> memref<640xf32, #tpu.memory_space<hbm>>
        %dma_wait3A_182 = tpu.memref_slice %arg11[%add3A_124] : memref<163840xf32, #tpu.memory_space<hbm>> -> memref<640xf32, #tpu.memory_space<hbm>>
        tpu.wait_dma2 semaphore(%run_scoped3A : memref<!tpu.dma_semaphore, #tpu.memory_space<semaphore_mem>>) src(%dma_wait3A_182 : memref<640xf32, #tpu.memory_space<hbm>>) dst(%arg23 : memref<640xf32, #tpu.memory_space<vmem>>)
        tpu.yield
      }) : () -> ()
      %scan3A_125 = arith.constant 0 : i32
      %scan3A_126 = arith.constant 0 : i32
      %scan3A_127 = arith.constant 40 : i32
      %scan3A_128 = arith.addi %scan3A_126, %scan3A_127 : i32
      %scan3A_129 = arith.constant 1 : i32
      scf.for %scan3A_181 = %scan3A_126 to %scan3A_128 step %scan3A_129  : i32 {
        %mul3A_182 = arith.constant 16 : i32
        %mul3A_183 = arith.muli %scan3A_181, %mul3A_182 : i32
        %get3A = arith.index_cast %mul3A_183 : i32 to index
        %get3A_184 = tpu.vector_load %arg22[%get3A] {strides = array<i32>} : memref<640xf32, #tpu.memory_space<vmem>>, vector<16xf32>,
        %get3A_185 = arith.index_cast %mul3A_183 : i32 to index
        %get3A_186 = tpu.vector_load %arg23[%get3A_185] {strides = array<i32>} : memref<640xf32, #tpu.memory_space<vmem>>, vector<16xf32>,
        %add3A_187 = arith.addf %get3A_184, %get3A_186 : vector<16xf32>
        %swap3A = arith.index_cast %mul3A_183 : i32 to index
        %swap3A_188 = tpu.vector_load %arg22[%swap3A] {strides = array<i32>} : memref<640xf32, #tpu.memory_space<vmem>>, vector<16xf32>,
        tpu.vector_store %arg22[%swap3A], %add3A_187 {strides = array<i32>} : memref<640xf32, #tpu.memory_space<vmem>>, vector<16xf32>,
      }
      %scan3A_130 = arith.constant 40 : i32
      %mul3A_131 = arith.constant 640 : i32
      %mul3A_132 = arith.muli %arg1, %mul3A_131 : i32
      %add3A_133 = arith.constant 112640 : i32
      %add3A_134 = arith.addi %add3A_133, %mul3A_132 : i32
      "tpu.region"() ({
        %run_scoped3A = tpu.sem_alloc : memref<!tpu.dma_semaphore, #tpu.memory_space<semaphore_mem>>
        %dma_start3A = tpu.memref_slice %arg11[%add3A_134] : memref<163840xf32, #tpu.memory_space<hbm>> -> memref<640xf32, #tpu.memory_space<hbm>>
        %dma_start3A_181 = tpu.memref_slice %arg11[%add3A_134] : memref<163840xf32, #tpu.memory_space<hbm>> -> memref<640xf32, #tpu.memory_space<hbm>>
        tpu.enqueue_dma source(%dma_start3A_181 : memref<640xf32, #tpu.memory_space<hbm>>) target(%arg23 : memref<640xf32, #tpu.memory_space<vmem>>) target_semaphore(%run_scoped3A : memref<!tpu.dma_semaphore, #tpu.memory_space<semaphore_mem>>)
        %dma_wait3A = tpu.memref_slice %arg11[%add3A_134] : memref<163840xf32, #tpu.memory_space<hbm>> -> memref<640xf32, #tpu.memory_space<hbm>>
        %dma_wait3A_182 = tpu.memref_slice %arg11[%add3A_134] : memref<163840xf32, #tpu.memory_space<hbm>> -> memref<640xf32, #tpu.memory_space<hbm>>
        tpu.wait_dma2 semaphore(%run_scoped3A : memref<!tpu.dma_semaphore, #tpu.memory_space<semaphore_mem>>) src(%dma_wait3A_182 : memref<640xf32, #tpu.memory_space<hbm>>) dst(%arg23 : memref<640xf32, #tpu.memory_space<vmem>>)
        tpu.yield
      }) : () -> ()
      %scan3A_135 = arith.constant 0 : i32
      %scan3A_136 = arith.constant 0 : i32
      %scan3A_137 = arith.constant 40 : i32
      %scan3A_138 = arith.addi %scan3A_136, %scan3A_137 : i32
      %scan3A_139 = arith.constant 1 : i32
      scf.for %scan3A_181 = %scan3A_136 to %scan3A_138 step %scan3A_139  : i32 {
        %mul3A_182 = arith.constant 16 : i32
        %mul3A_183 = arith.muli %scan3A_181, %mul3A_182 : i32
        %get3A = arith.index_cast %mul3A_183 : i32 to index
        %get3A_184 = tpu.vector_load %arg22[%get3A] {strides = array<i32>} : memref<640xf32, #tpu.memory_space<vmem>>, vector<16xf32>,
        %get3A_185 = arith.index_cast %mul3A_183 : i32 to index
        %get3A_186 = tpu.vector_load %arg23[%get3A_185] {strides = array<i32>} : memref<640xf32, #tpu.memory_space<vmem>>, vector<16xf32>,
        %add3A_187 = arith.addf %get3A_184, %get3A_186 : vector<16xf32>
        %swap3A = arith.index_cast %mul3A_183 : i32 to index
        %swap3A_188 = tpu.vector_load %arg22[%swap3A] {strides = array<i32>} : memref<640xf32, #tpu.memory_space<vmem>>, vector<16xf32>,
        tpu.vector_store %arg22[%swap3A], %add3A_187 {strides = array<i32>} : memref<640xf32, #tpu.memory_space<vmem>>, vector<16xf32>,
      }
      %scan3A_140 = arith.constant 40 : i32
      %mul3A_141 = arith.constant 640 : i32
      %mul3A_142 = arith.muli %arg1, %mul3A_141 : i32
      %add3A_143 = arith.constant 122880 : i32
      %add3A_144 = arith.addi %add3A_143, %mul3A_142 : i32
      "tpu.region"() ({
        %run_scoped3A = tpu.sem_alloc : memref<!tpu.dma_semaphore, #tpu.memory_space<semaphore_mem>>
        %dma_start3A = tpu.memref_slice %arg11[%add3A_144] : memref<163840xf32, #tpu.memory_space<hbm>> -> memref<640xf32, #tpu.memory_space<hbm>>
        %dma_start3A_181 = tpu.memref_slice %arg11[%add3A_144] : memref<163840xf32, #tpu.memory_space<hbm>> -> memref<640xf32, #tpu.memory_space<hbm>>
        tpu.enqueue_dma source(%dma_start3A_181 : memref<640xf32, #tpu.memory_space<hbm>>) target(%arg23 : memref<640xf32, #tpu.memory_space<vmem>>) target_semaphore(%run_scoped3A : memref<!tpu.dma_semaphore, #tpu.memory_space<semaphore_mem>>)
        %dma_wait3A = tpu.memref_slice %arg11[%add3A_144] : memref<163840xf32, #tpu.memory_space<hbm>> -> memref<640xf32, #tpu.memory_space<hbm>>
        %dma_wait3A_182 = tpu.memref_slice %arg11[%add3A_144] : memref<163840xf32, #tpu.memory_space<hbm>> -> memref<640xf32, #tpu.memory_space<hbm>>
        tpu.wait_dma2 semaphore(%run_scoped3A : memref<!tpu.dma_semaphore, #tpu.memory_space<semaphore_mem>>) src(%dma_wait3A_182 : memref<640xf32, #tpu.memory_space<hbm>>) dst(%arg23 : memref<640xf32, #tpu.memory_space<vmem>>)
        tpu.yield
      }) : () -> ()
      %scan3A_145 = arith.constant 0 : i32
      %scan3A_146 = arith.constant 0 : i32
      %scan3A_147 = arith.constant 40 : i32
      %scan3A_148 = arith.addi %scan3A_146, %scan3A_147 : i32
      %scan3A_149 = arith.constant 1 : i32
      scf.for %scan3A_181 = %scan3A_146 to %scan3A_148 step %scan3A_149  : i32 {
        %mul3A_182 = arith.constant 16 : i32
        %mul3A_183 = arith.muli %scan3A_181, %mul3A_182 : i32
        %get3A = arith.index_cast %mul3A_183 : i32 to index
        %get3A_184 = tpu.vector_load %arg22[%get3A] {strides = array<i32>} : memref<640xf32, #tpu.memory_space<vmem>>, vector<16xf32>,
        %get3A_185 = arith.index_cast %mul3A_183 : i32 to index
        %get3A_186 = tpu.vector_load %arg23[%get3A_185] {strides = array<i32>} : memref<640xf32, #tpu.memory_space<vmem>>, vector<16xf32>,
        %add3A_187 = arith.addf %get3A_184, %get3A_186 : vector<16xf32>
        %swap3A = arith.index_cast %mul3A_183 : i32 to index
        %swap3A_188 = tpu.vector_load %arg22[%swap3A] {strides = array<i32>} : memref<640xf32, #tpu.memory_space<vmem>>, vector<16xf32>,
        tpu.vector_store %arg22[%swap3A], %add3A_187 {strides = array<i32>} : memref<640xf32, #tpu.memory_space<vmem>>, vector<16xf32>,
      }
      %scan3A_150 = arith.constant 40 : i32
      %mul3A_151 = arith.constant 640 : i32
      %mul3A_152 = arith.muli %arg1, %mul3A_151 : i32
      %add3A_153 = arith.constant 133120 : i32
      %add3A_154 = arith.addi %add3A_153, %mul3A_152 : i32
      "tpu.region"() ({
        %run_scoped3A = tpu.sem_alloc : memref<!tpu.dma_semaphore, #tpu.memory_space<semaphore_mem>>
        %dma_start3A = tpu.memref_slice %arg11[%add3A_154] : memref<163840xf32, #tpu.memory_space<hbm>> -> memref<640xf32, #tpu.memory_space<hbm>>
        %dma_start3A_181 = tpu.memref_slice %arg11[%add3A_154] : memref<163840xf32, #tpu.memory_space<hbm>> -> memref<640xf32, #tpu.memory_space<hbm>>
        tpu.enqueue_dma source(%dma_start3A_181 : memref<640xf32, #tpu.memory_space<hbm>>) target(%arg23 : memref<640xf32, #tpu.memory_space<vmem>>) target_semaphore(%run_scoped3A : memref<!tpu.dma_semaphore, #tpu.memory_space<semaphore_mem>>)
        %dma_wait3A = tpu.memref_slice %arg11[%add3A_154] : memref<163840xf32, #tpu.memory_space<hbm>> -> memref<640xf32, #tpu.memory_space<hbm>>
        %dma_wait3A_182 = tpu.memref_slice %arg11[%add3A_154] : memref<163840xf32, #tpu.memory_space<hbm>> -> memref<640xf32, #tpu.memory_space<hbm>>
        tpu.wait_dma2 semaphore(%run_scoped3A : memref<!tpu.dma_semaphore, #tpu.memory_space<semaphore_mem>>) src(%dma_wait3A_182 : memref<640xf32, #tpu.memory_space<hbm>>) dst(%arg23 : memref<640xf32, #tpu.memory_space<vmem>>)
        tpu.yield
      }) : () -> ()
      %scan3A_155 = arith.constant 0 : i32
      %scan3A_156 = arith.constant 0 : i32
      %scan3A_157 = arith.constant 40 : i32
      %scan3A_158 = arith.addi %scan3A_156, %scan3A_157 : i32
      %scan3A_159 = arith.constant 1 : i32
      scf.for %scan3A_181 = %scan3A_156 to %scan3A_158 step %scan3A_159  : i32 {
        %mul3A_182 = arith.constant 16 : i32
        %mul3A_183 = arith.muli %scan3A_181, %mul3A_182 : i32
        %get3A = arith.index_cast %mul3A_183 : i32 to index
        %get3A_184 = tpu.vector_load %arg22[%get3A] {strides = array<i32>} : memref<640xf32, #tpu.memory_space<vmem>>, vector<16xf32>,
        %get3A_185 = arith.index_cast %mul3A_183 : i32 to index
        %get3A_186 = tpu.vector_load %arg23[%get3A_185] {strides = array<i32>} : memref<640xf32, #tpu.memory_space<vmem>>, vector<16xf32>,
        %add3A_187 = arith.addf %get3A_184, %get3A_186 : vector<16xf32>
        %swap3A = arith.index_cast %mul3A_183 : i32 to index
        %swap3A_188 = tpu.vector_load %arg22[%swap3A] {strides = array<i32>} : memref<640xf32, #tpu.memory_space<vmem>>, vector<16xf32>,
        tpu.vector_store %arg22[%swap3A], %add3A_187 {strides = array<i32>} : memref<640xf32, #tpu.memory_space<vmem>>, vector<16xf32>,
      }
      %scan3A_160 = arith.constant 40 : i32
      %mul3A_161 = arith.constant 640 : i32
      %mul3A_162 = arith.muli %arg1, %mul3A_161 : i32
      %add3A_163 = arith.constant 143360 : i32
      %add3A_164 = arith.addi %add3A_163, %mul3A_162 : i32
      "tpu.region"() ({
        %run_scoped3A = tpu.sem_alloc : memref<!tpu.dma_semaphore, #tpu.memory_space<semaphore_mem>>
        %dma_start3A = tpu.memref_slice %arg11[%add3A_164] : memref<163840xf32, #tpu.memory_space<hbm>> -> memref<640xf32, #tpu.memory_space<hbm>>
        %dma_start3A_181 = tpu.memref_slice %arg11[%add3A_164] : memref<163840xf32, #tpu.memory_space<hbm>> -> memref<640xf32, #tpu.memory_space<hbm>>
        tpu.enqueue_dma source(%dma_start3A_181 : memref<640xf32, #tpu.memory_space<hbm>>) target(%arg23 : memref<640xf32, #tpu.memory_space<vmem>>) target_semaphore(%run_scoped3A : memref<!tpu.dma_semaphore, #tpu.memory_space<semaphore_mem>>)
        %dma_wait3A = tpu.memref_slice %arg11[%add3A_164] : memref<163840xf32, #tpu.memory_space<hbm>> -> memref<640xf32, #tpu.memory_space<hbm>>
        %dma_wait3A_182 = tpu.memref_slice %arg11[%add3A_164] : memref<163840xf32, #tpu.memory_space<hbm>> -> memref<640xf32, #tpu.memory_space<hbm>>
        tpu.wait_dma2 semaphore(%run_scoped3A : memref<!tpu.dma_semaphore, #tpu.memory_space<semaphore_mem>>) src(%dma_wait3A_182 : memref<640xf32, #tpu.memory_space<hbm>>) dst(%arg23 : memref<640xf32, #tpu.memory_space<vmem>>)
        tpu.yield
      }) : () -> ()
      %scan3A_165 = arith.constant 0 : i32
      %scan3A_166 = arith.constant 0 : i32
      %scan3A_167 = arith.constant 40 : i32
      %scan3A_168 = arith.addi %scan3A_166, %scan3A_167 : i32
      %scan3A_169 = arith.constant 1 : i32
      scf.for %scan3A_181 = %scan3A_166 to %scan3A_168 step %scan3A_169  : i32 {
        %mul3A_182 = arith.constant 16 : i32
        %mul3A_183 = arith.muli %scan3A_181, %mul3A_182 : i32
        %get3A = arith.index_cast %mul3A_183 : i32 to index
        %get3A_184 = tpu.vector_load %arg22[%get3A] {strides = array<i32>} : memref<640xf32, #tpu.memory_space<vmem>>, vector<16xf32>,
        %get3A_185 = arith.index_cast %mul3A_183 : i32 to index
        %get3A_186 = tpu.vector_load %arg23[%get3A_185] {strides = array<i32>} : memref<640xf32, #tpu.memory_space<vmem>>, vector<16xf32>,
        %add3A_187 = arith.addf %get3A_184, %get3A_186 : vector<16xf32>
        %swap3A = arith.index_cast %mul3A_183 : i32 to index
        %swap3A_188 = tpu.vector_load %arg22[%swap3A] {strides = array<i32>} : memref<640xf32, #tpu.memory_space<vmem>>, vector<16xf32>,
        tpu.vector_store %arg22[%swap3A], %add3A_187 {strides = array<i32>} : memref<640xf32, #tpu.memory_space<vmem>>, vector<16xf32>,
      }
      %scan3A_170 = arith.constant 40 : i32
      %mul3A_171 = arith.constant 640 : i32
      %mul3A_172 = arith.muli %arg1, %mul3A_171 : i32
      %add3A_173 = arith.constant 153600 : i32
      %add3A_174 = arith.addi %add3A_173, %mul3A_172 : i32
      "tpu.region"() ({
        %run_scoped3A = tpu.sem_alloc : memref<!tpu.dma_semaphore, #tpu.memory_space<semaphore_mem>>
        %dma_start3A = tpu.memref_slice %arg11[%add3A_174] : memref<163840xf32, #tpu.memory_space<hbm>> -> memref<640xf32, #tpu.memory_space<hbm>>
        %dma_start3A_181 = tpu.memref_slice %arg11[%add3A_174] : memref<163840xf32, #tpu.memory_space<hbm>> -> memref<640xf32, #tpu.memory_space<hbm>>
        tpu.enqueue_dma source(%dma_start3A_181 : memref<640xf32, #tpu.memory_space<hbm>>) target(%arg23 : memref<640xf32, #tpu.memory_space<vmem>>) target_semaphore(%run_scoped3A : memref<!tpu.dma_semaphore, #tpu.memory_space<semaphore_mem>>)
        %dma_wait3A = tpu.memref_slice %arg11[%add3A_174] : memref<163840xf32, #tpu.memory_space<hbm>> -> memref<640xf32, #tpu.memory_space<hbm>>
        %dma_wait3A_182 = tpu.memref_slice %arg11[%add3A_174] : memref<163840xf32, #tpu.memory_space<hbm>> -> memref<640xf32, #tpu.memory_space<hbm>>
        tpu.wait_dma2 semaphore(%run_scoped3A : memref<!tpu.dma_semaphore, #tpu.memory_space<semaphore_mem>>) src(%dma_wait3A_182 : memref<640xf32, #tpu.memory_space<hbm>>) dst(%arg23 : memref<640xf32, #tpu.memory_space<vmem>>)
        tpu.yield
      }) : () -> ()
      %scan3A_175 = arith.constant 0 : i32
      %scan3A_176 = arith.constant 0 : i32
      %scan3A_177 = arith.constant 40 : i32
      %scan3A_178 = arith.addi %scan3A_176, %scan3A_177 : i32
      %scan3A_179 = arith.constant 1 : i32
      scf.for %scan3A_181 = %scan3A_176 to %scan3A_178 step %scan3A_179  : i32 {
        %mul3A_182 = arith.constant 16 : i32
        %mul3A_183 = arith.muli %scan3A_181, %mul3A_182 : i32
        %get3A = arith.index_cast %mul3A_183 : i32 to index
        %get3A_184 = tpu.vector_load %arg22[%get3A] {strides = array<i32>} : memref<640xf32, #tpu.memory_space<vmem>>, vector<16xf32>,
        %get3A_185 = arith.index_cast %mul3A_183 : i32 to index
        %get3A_186 = tpu.vector_load %arg23[%get3A_185] {strides = array<i32>} : memref<640xf32, #tpu.memory_space<vmem>>, vector<16xf32>,
        %add3A_187 = arith.addf %get3A_184, %get3A_186 : vector<16xf32>
        %swap3A = arith.index_cast %mul3A_183 : i32 to index
        %swap3A_188 = tpu.vector_load %arg22[%swap3A] {strides = array<i32>} : memref<640xf32, #tpu.memory_space<vmem>>, vector<16xf32>,
        tpu.vector_store %arg22[%swap3A], %add3A_187 {strides = array<i32>} : memref<640xf32, #tpu.memory_space<vmem>>, vector<16xf32>,
      }
      %scan3A_180 = arith.constant 40 : i32
      "tpu.region"() ({
        %run_scoped3A = tpu.sem_alloc : memref<!tpu.dma_semaphore, #tpu.memory_space<semaphore_mem>>
        %dma_start3A = tpu.memref_slice %arg10[%mul3A_0] : memref<10240xf32, #tpu.memory_space<hbm>> -> memref<640xf32, #tpu.memory_space<hbm>>
        %dma_start3A_181 = tpu.memref_slice %arg10[%mul3A_0] : memref<10240xf32, #tpu.memory_space<hbm>> -> memref<640xf32, #tpu.memory_space<hbm>>
        tpu.enqueue_dma source(%arg22 : memref<640xf32, #tpu.memory_space<vmem>>) target(%dma_start3A_181 : memref<640xf32, #tpu.memory_space<hbm>>) target_semaphore(%run_scoped3A : memref<!tpu.dma_semaphore, #tpu.memory_space<semaphore_mem>>)
        %dma_wait3A = tpu.memref_slice %arg10[%mul3A_0] : memref<10240xf32, #tpu.memory_space<hbm>> -> memref<640xf32, #tpu.memory_space<hbm>>
        %dma_wait3A_182 = tpu.memref_slice %arg10[%mul3A_0] : memref<10240xf32, #tpu.memory_space<hbm>> -> memref<640xf32, #tpu.memory_space<hbm>>
        tpu.wait_dma2 semaphore(%run_scoped3A : memref<!tpu.dma_semaphore, #tpu.memory_space<semaphore_mem>>) src(%arg22 : memref<640xf32, #tpu.memory_space<vmem>>) dst(%dma_wait3A_182 : memref<640xf32, #tpu.memory_space<hbm>>)
        tpu.yield
      }) : () -> ()
    } else {
    }
    return
  }
}

#map = affine_map<(d0, d1) -> (0, 0)>
#map1 = affine_map<(d0, d1) -> (0, 0, 0)>
#map2 = affine_map<(d0, d1) -> (0)>
module attributes {stable_mosaic.version = 14 : i64} {
  func.func @body(%arg0: i32, %arg1: i32, %arg2: memref<10240x128xf32, #tpu.memory_space<hbm>>, %arg3: memref<10240x128xf32, #tpu.memory_space<hbm>>, %arg4: memref<16x80x128xi32, #tpu.memory_space<hbm>>, %arg5: memref<16x80x128xi32, #tpu.memory_space<hbm>>, %arg6: memref<640x128xf32, #tpu.memory_space<hbm>>, %arg7: memref<10240xf32, #tpu.memory_space<hbm>>, %arg8: memref<10240x128xf32, #tpu.memory_space<hbm>>, %arg9: memref<10240x128xf32, #tpu.memory_space<hbm>>, %arg10: memref<16x128xi32, #tpu.memory_space<vmem>>, %arg11: memref<16x128xi32, #tpu.memory_space<vmem>>, %arg12: memref<128x128xf32, #tpu.memory_space<vmem>>, %arg13: memref<128x128xf32, #tpu.memory_space<vmem>>, %arg14: memref<10240x128xf32, #tpu.memory_space<vmem_shared>>, %arg15: memref<!tpu.dma_semaphore, #tpu.memory_space<semaphore_mem>>, %arg16: memref<!tpu.dma_semaphore, #tpu.memory_space<semaphore_mem>>, %arg17: memref<!tpu.dma_semaphore, #tpu.memory_space<semaphore_mem>>, %arg18: memref<!tpu.dma_semaphore, #tpu.memory_space<semaphore_mem>>) attributes {dimension_semantics = [#tpu.dimension_semantics<core_parallel>, #tpu.dimension_semantics<subcore_parallel>], iteration_bounds = array<i64: 2, 16>, scalar_prefetch = 0 : i64, scratch_operands = 9 : i64, tpu.core_type = #tpu.core_type<sc_vector_subcore>, window_params = [{transform_indices = #map}, {transform_indices = #map}, {transform_indices = #map1}, {transform_indices = #map1}, {transform_indices = #map}, {transform_indices = #map2}, {transform_indices = #map}, {transform_indices = #map}]} {
    %mul3A = arith.constant 640 : i32
    %mul3A_0 = arith.muli %arg1, %mul3A : i32
    "tpu.region"() ({
      %run_scoped3A = tpu.sem_alloc : memref<!tpu.dma_semaphore, #tpu.memory_space<semaphore_mem>>
      %dma_start3A = arith.constant 0 : i32
      %dma_start3A_15 = tpu.memref_slice %arg14[%mul3A_0, %dma_start3A] : memref<10240x128xf32, #tpu.memory_space<vmem_shared>> -> memref<640x128xf32, #tpu.memory_space<vmem_shared>>
      tpu.enqueue_dma source(%arg6 : memref<640x128xf32, #tpu.memory_space<hbm>>) target(%dma_start3A_15 : memref<640x128xf32, #tpu.memory_space<vmem_shared>>) target_semaphore(%run_scoped3A : memref<!tpu.dma_semaphore, #tpu.memory_space<semaphore_mem>>)
      %dma_wait3A = arith.constant 0 : i32
      %dma_wait3A_16 = tpu.memref_slice %arg14[%mul3A_0, %dma_wait3A] : memref<10240x128xf32, #tpu.memory_space<vmem_shared>> -> memref<640x128xf32, #tpu.memory_space<vmem_shared>>
      tpu.wait_dma2 semaphore(%run_scoped3A : memref<!tpu.dma_semaphore, #tpu.memory_space<semaphore_mem>>) src(%arg6 : memref<640x128xf32, #tpu.memory_space<hbm>>) dst(%dma_wait3A_16 : memref<640x128xf32, #tpu.memory_space<vmem_shared>>)
      tpu.yield
    }) : () -> ()
    %barrier3A = arith.constant 0 : index
    tpu.barrier barrier_id(%barrier3A)
    %broadcast_in_dim3A = arith.constant 1.000000e+00 : f32
    %broadcast_in_dim3A_1 = vector.broadcast %broadcast_in_dim3A : f32 to vector<16xf32>
    %scan3A = arith.constant 0 : i32
    %scan3A_2 = arith.constant 0 : i32
    %scan3A_3 = arith.constant 5 : i32
    %scan3A_4 = arith.addi %scan3A_2, %scan3A_3 : i32
    %scan3A_5 = arith.constant 1 : i32
    scf.for %scan3A_15 = %scan3A_2 to %scan3A_4 step %scan3A_5  : i32 {
      %mul3A_16 = arith.constant 16 : i32
      %mul3A_17 = arith.muli %scan3A_15, %mul3A_16 : i32
      "tpu.region"() ({
        %run_scoped3A = tpu.sem_alloc : memref<!tpu.dma_semaphore, #tpu.memory_space<semaphore_mem>>
        %dma_start3A = arith.constant 0 : i32
        %dma_start3A_42 = tpu.memref_slice %arg4[%arg1, %mul3A_17, %dma_start3A] : memref<16x80x128xi32, #tpu.memory_space<hbm>> -> memref<1x16x128xi32, #tpu.memory_space<hbm>>
        %dma_start3A_43 = tpu.memref_squeeze %dma_start3A_42 : memref<1x16x128xi32, #tpu.memory_space<hbm>> -> memref<16x128xi32, #tpu.memory_space<hbm>>
        %dma_start3A_44 = arith.constant 0 : i32
        %dma_start3A_45 = tpu.memref_slice %arg4[%arg1, %mul3A_17, %dma_start3A_44] : memref<16x80x128xi32, #tpu.memory_space<hbm>> -> memref<1x16x128xi32, #tpu.memory_space<hbm>>
        %dma_start3A_46 = tpu.memref_squeeze %dma_start3A_45 : memref<1x16x128xi32, #tpu.memory_space<hbm>> -> memref<16x128xi32, #tpu.memory_space<hbm>>
        tpu.enqueue_dma source(%dma_start3A_46 : memref<16x128xi32, #tpu.memory_space<hbm>>) target(%arg10 : memref<16x128xi32, #tpu.memory_space<vmem>>) target_semaphore(%run_scoped3A : memref<!tpu.dma_semaphore, #tpu.memory_space<semaphore_mem>>)
        %dma_wait3A_47 = arith.constant 0 : i32
        %dma_wait3A_48 = tpu.memref_slice %arg4[%arg1, %mul3A_17, %dma_wait3A_47] : memref<16x80x128xi32, #tpu.memory_space<hbm>> -> memref<1x16x128xi32, #tpu.memory_space<hbm>>
        %dma_wait3A_49 = tpu.memref_squeeze %dma_wait3A_48 : memref<1x16x128xi32, #tpu.memory_space<hbm>> -> memref<16x128xi32, #tpu.memory_space<hbm>>
        %dma_wait3A_50 = arith.constant 0 : i32
        %dma_wait3A_51 = tpu.memref_slice %arg4[%arg1, %mul3A_17, %dma_wait3A_50] : memref<16x80x128xi32, #tpu.memory_space<hbm>> -> memref<1x16x128xi32, #tpu.memory_space<hbm>>
        %dma_wait3A_52 = tpu.memref_squeeze %dma_wait3A_51 : memref<1x16x128xi32, #tpu.memory_space<hbm>> -> memref<16x128xi32, #tpu.memory_space<hbm>>
        tpu.wait_dma2 semaphore(%run_scoped3A : memref<!tpu.dma_semaphore, #tpu.memory_space<semaphore_mem>>) src(%dma_wait3A_52 : memref<16x128xi32, #tpu.memory_space<hbm>>) dst(%arg10 : memref<16x128xi32, #tpu.memory_space<vmem>>)
        tpu.yield
      }) : () -> ()
      %mul3A_18 = arith.constant 16 : i32
      %mul3A_19 = arith.muli %scan3A_15, %mul3A_18 : i32
      "tpu.region"() ({
        %run_scoped3A = tpu.sem_alloc : memref<!tpu.dma_semaphore, #tpu.memory_space<semaphore_mem>>
        %dma_start3A = arith.constant 0 : i32
        %dma_start3A_42 = tpu.memref_slice %arg5[%arg1, %mul3A_19, %dma_start3A] : memref<16x80x128xi32, #tpu.memory_space<hbm>> -> memref<1x16x128xi32, #tpu.memory_space<hbm>>
        %dma_start3A_43 = tpu.memref_squeeze %dma_start3A_42 : memref<1x16x128xi32, #tpu.memory_space<hbm>> -> memref<16x128xi32, #tpu.memory_space<hbm>>
        %dma_start3A_44 = arith.constant 0 : i32
        %dma_start3A_45 = tpu.memref_slice %arg5[%arg1, %mul3A_19, %dma_start3A_44] : memref<16x80x128xi32, #tpu.memory_space<hbm>> -> memref<1x16x128xi32, #tpu.memory_space<hbm>>
        %dma_start3A_46 = tpu.memref_squeeze %dma_start3A_45 : memref<1x16x128xi32, #tpu.memory_space<hbm>> -> memref<16x128xi32, #tpu.memory_space<hbm>>
        tpu.enqueue_dma source(%dma_start3A_46 : memref<16x128xi32, #tpu.memory_space<hbm>>) target(%arg11 : memref<16x128xi32, #tpu.memory_space<vmem>>) target_semaphore(%run_scoped3A : memref<!tpu.dma_semaphore, #tpu.memory_space<semaphore_mem>>)
        %dma_wait3A_47 = arith.constant 0 : i32
        %dma_wait3A_48 = tpu.memref_slice %arg5[%arg1, %mul3A_19, %dma_wait3A_47] : memref<16x80x128xi32, #tpu.memory_space<hbm>> -> memref<1x16x128xi32, #tpu.memory_space<hbm>>
        %dma_wait3A_49 = tpu.memref_squeeze %dma_wait3A_48 : memref<1x16x128xi32, #tpu.memory_space<hbm>> -> memref<16x128xi32, #tpu.memory_space<hbm>>
        %dma_wait3A_50 = arith.constant 0 : i32
        %dma_wait3A_51 = tpu.memref_slice %arg5[%arg1, %mul3A_19, %dma_wait3A_50] : memref<16x80x128xi32, #tpu.memory_space<hbm>> -> memref<1x16x128xi32, #tpu.memory_space<hbm>>
        %dma_wait3A_52 = tpu.memref_squeeze %dma_wait3A_51 : memref<1x16x128xi32, #tpu.memory_space<hbm>> -> memref<16x128xi32, #tpu.memory_space<hbm>>
        tpu.wait_dma2 semaphore(%run_scoped3A : memref<!tpu.dma_semaphore, #tpu.memory_space<semaphore_mem>>) src(%dma_wait3A_52 : memref<16x128xi32, #tpu.memory_space<hbm>>) dst(%arg11 : memref<16x128xi32, #tpu.memory_space<vmem>>)
        tpu.yield
      }) : () -> ()
      %eq3A_20 = arith.constant 0 : i32
      %eq3A_21 = arith.cmpi eq, %arg0, %eq3A_20 : i32
      %convert_element_type3A_22 = arith.extui %eq3A_21 : i1 to i32
      %cond3A_23 = arith.constant 0 : i32
      %cond3A_24 = arith.cmpi ne, %convert_element_type3A_22, %cond3A_23 : i32
      scf.if %cond3A_24 {
        %dma_start3A = arith.constant 0 : i32
        %dma_start3A_42 = arith.constant 0 : i32
        %dma_start3A_43 = tpu.memref_slice %arg10[%dma_start3A, %dma_start3A_42] : memref<16x128xi32, #tpu.memory_space<vmem>> -> memref<1x128xi32, #tpu.memory_space<vmem>>
        %dma_start3A_44 = tpu.memref_squeeze %dma_start3A_43 : memref<1x128xi32, #tpu.memory_space<vmem>> -> memref<128xi32, #tpu.memory_space<vmem>>
        %dma_start3A_45 = arith.constant 0 : i32
        %dma_start3A_46 = arith.constant 0 : i32
        %dma_start3A_47 = tpu.memref_slice %arg2[%dma_start3A_45, %dma_start3A_46] : memref<10240x128xf32, #tpu.memory_space<hbm>> -> memref<10240x128xf32, #tpu.memory_space<hbm>>
        tpu.enqueue_indirect_dma source(%dma_start3A_47 : memref<10240x128xf32, #tpu.memory_space<hbm>>) target(%arg12 : memref<128x128xf32, #tpu.memory_space<vmem>>) offsets(%dma_start3A_44 : memref<128xi32, #tpu.memory_space<vmem>>) semaphore(%arg15 : memref<!tpu.dma_semaphore, #tpu.memory_space<semaphore_mem>>)
      } else {
      }
      %eq3A_25 = arith.constant 1 : i32
      %eq3A_26 = arith.cmpi eq, %arg0, %eq3A_25 : i32
      %convert_element_type3A_27 = arith.extui %eq3A_26 : i1 to i32
      %cond3A_28 = arith.constant 0 : i32
      %cond3A_29 = arith.cmpi ne, %convert_element_type3A_27, %cond3A_28 : i32
      scf.if %cond3A_29 {
        %dma_start3A = arith.constant 0 : i32
        %dma_start3A_42 = arith.constant 0 : i32
        %dma_start3A_43 = tpu.memref_slice %arg10[%dma_start3A, %dma_start3A_42] : memref<16x128xi32, #tpu.memory_space<vmem>> -> memref<1x128xi32, #tpu.memory_space<vmem>>
        %dma_start3A_44 = tpu.memref_squeeze %dma_start3A_43 : memref<1x128xi32, #tpu.memory_space<vmem>> -> memref<128xi32, #tpu.memory_space<vmem>>
        %dma_start3A_45 = arith.constant 0 : i32
        %dma_start3A_46 = arith.constant 0 : i32
        %dma_start3A_47 = tpu.memref_slice %arg3[%dma_start3A_45, %dma_start3A_46] : memref<10240x128xf32, #tpu.memory_space<hbm>> -> memref<10240x128xf32, #tpu.memory_space<hbm>>
        tpu.enqueue_indirect_dma source(%dma_start3A_47 : memref<10240x128xf32, #tpu.memory_space<hbm>>) target(%arg12 : memref<128x128xf32, #tpu.memory_space<vmem>>) offsets(%dma_start3A_44 : memref<128xi32, #tpu.memory_space<vmem>>) semaphore(%arg15 : memref<!tpu.dma_semaphore, #tpu.memory_space<semaphore_mem>>)
      } else {
      }
      %scan3A_30 = arith.constant 0 : i32
      %scan3A_31 = arith.constant 0 : i32
      %scan3A_32 = arith.constant 8 : i32
      %scan3A_33 = arith.addi %scan3A_31, %scan3A_32 : i32
      %scan3A_34 = arith.constant 1 : i32
      scf.for %scan3A_42 = %scan3A_31 to %scan3A_33 step %scan3A_34  : i32 {
        %mul3A_43 = arith.constant 2 : i32
        %mul3A_44 = arith.muli %scan3A_42, %mul3A_43 : i32
        %add3A = arith.constant 0 : i32
        %add3A_45 = arith.addi %mul3A_44, %add3A : i32
        %ge3A = arith.constant 1 : i32
        %ge3A_46 = arith.cmpi sge, %scan3A_42, %ge3A : i32
        %convert_element_type3A_47 = arith.extui %ge3A_46 : i1 to i32
        %cond3A_48 = arith.constant 0 : i32
        %cond3A_49 = arith.cmpi ne, %convert_element_type3A_47, %cond3A_48 : i32
        scf.if %cond3A_49 {
          %dma_wait3A_97 = arith.constant 0 : i32
          %dma_wait3A_98 = arith.constant 0 : i32
          %dma_wait3A_99 = tpu.memref_slice %arg11[%dma_wait3A_97, %dma_wait3A_98] : memref<16x128xi32, #tpu.memory_space<vmem>> -> memref<1x128xi32, #tpu.memory_space<vmem>>
          %dma_wait3A_100 = tpu.memref_squeeze %dma_wait3A_99 : memref<1x128xi32, #tpu.memory_space<vmem>> -> memref<128xi32, #tpu.memory_space<vmem>>
          %dma_wait3A_101 = arith.constant 0 : i32
          %dma_wait3A_102 = arith.constant 0 : i32
          %dma_wait3A_103 = tpu.memref_slice %arg14[%dma_wait3A_101, %dma_wait3A_102] : memref<10240x128xf32, #tpu.memory_space<vmem_shared>> -> memref<10240x128xf32, #tpu.memory_space<vmem_shared>>
          tpu.wait_indirect_dma semaphore(%arg18 : memref<!tpu.dma_semaphore, #tpu.memory_space<semaphore_mem>>) src(%arg13 : memref<128x128xf32, #tpu.memory_space<vmem>>) dst(%dma_wait3A_103 : memref<10240x128xf32, #tpu.memory_space<vmem_shared>>)
        } else {
        }
        %add3A_50 = arith.constant 1 : i32
        %add3A_51 = arith.addi %add3A_45, %add3A_50 : i32
        %lt3A = arith.constant 16 : i32
        %lt3A_52 = arith.cmpi slt, %add3A_51, %lt3A : i32
        %convert_element_type3A_53 = arith.extui %lt3A_52 : i1 to i32
        %cond3A_54 = arith.constant 0 : i32
        %cond3A_55 = arith.cmpi ne, %convert_element_type3A_53, %cond3A_54 : i32
        scf.if %cond3A_55 {
          %add3A_97 = arith.constant 1 : i32
          %add3A_98 = arith.addi %add3A_45, %add3A_97 : i32
          %eq3A_99 = arith.constant 0 : i32
          %eq3A_100 = arith.cmpi eq, %arg0, %eq3A_99 : i32
          %convert_element_type3A_101 = arith.extui %eq3A_100 : i1 to i32
          %cond3A_102 = arith.constant 0 : i32
          %cond3A_103 = arith.cmpi ne, %convert_element_type3A_101, %cond3A_102 : i32
          scf.if %cond3A_103 {
            %dma_start3A_109 = arith.constant 0 : i32
            %dma_start3A_110 = tpu.memref_slice %arg10[%add3A_98, %dma_start3A_109] : memref<16x128xi32, #tpu.memory_space<vmem>> -> memref<1x128xi32, #tpu.memory_space<vmem>>
            %dma_start3A_111 = tpu.memref_squeeze %dma_start3A_110 : memref<1x128xi32, #tpu.memory_space<vmem>> -> memref<128xi32, #tpu.memory_space<vmem>>
            %dma_start3A_112 = arith.constant 0 : i32
            %dma_start3A_113 = arith.constant 0 : i32
            %dma_start3A_114 = tpu.memref_slice %arg2[%dma_start3A_112, %dma_start3A_113] : memref<10240x128xf32, #tpu.memory_space<hbm>> -> memref<10240x128xf32, #tpu.memory_space<hbm>>
            tpu.enqueue_indirect_dma source(%dma_start3A_114 : memref<10240x128xf32, #tpu.memory_space<hbm>>) target(%arg13 : memref<128x128xf32, #tpu.memory_space<vmem>>) offsets(%dma_start3A_111 : memref<128xi32, #tpu.memory_space<vmem>>) semaphore(%arg16 : memref<!tpu.dma_semaphore, #tpu.memory_space<semaphore_mem>>)
          } else {
          }
          %eq3A_104 = arith.constant 1 : i32
          %eq3A_105 = arith.cmpi eq, %arg0, %eq3A_104 : i32
          %convert_element_type3A_106 = arith.extui %eq3A_105 : i1 to i32
          %cond3A_107 = arith.constant 0 : i32
          %cond3A_108 = arith.cmpi ne, %convert_element_type3A_106, %cond3A_107 : i32
          scf.if %cond3A_108 {
            %dma_start3A_109 = arith.constant 0 : i32
            %dma_start3A_110 = tpu.memref_slice %arg10[%add3A_98, %dma_start3A_109] : memref<16x128xi32, #tpu.memory_space<vmem>> -> memref<1x128xi32, #tpu.memory_space<vmem>>
            %dma_start3A_111 = tpu.memref_squeeze %dma_start3A_110 : memref<1x128xi32, #tpu.memory_space<vmem>> -> memref<128xi32, #tpu.memory_space<vmem>>
            %dma_start3A_112 = arith.constant 0 : i32
            %dma_start3A_113 = arith.constant 0 : i32
            %dma_start3A_114 = tpu.memref_slice %arg3[%dma_start3A_112, %dma_start3A_113] : memref<10240x128xf32, #tpu.memory_space<hbm>> -> memref<10240x128xf32, #tpu.memory_space<hbm>>
            tpu.enqueue_indirect_dma source(%dma_start3A_114 : memref<10240x128xf32, #tpu.memory_space<hbm>>) target(%arg13 : memref<128x128xf32, #tpu.memory_space<vmem>>) offsets(%dma_start3A_111 : memref<128xi32, #tpu.memory_space<vmem>>) semaphore(%arg16 : memref<!tpu.dma_semaphore, #tpu.memory_space<semaphore_mem>>)
          } else {
          }
        } else {
        }
        %dma_wait3A_56 = arith.constant 0 : i32
        %dma_wait3A_57 = tpu.memref_slice %arg10[%add3A_45, %dma_wait3A_56] : memref<16x128xi32, #tpu.memory_space<vmem>> -> memref<1x128xi32, #tpu.memory_space<vmem>>
        %dma_wait3A_58 = tpu.memref_squeeze %dma_wait3A_57 : memref<1x128xi32, #tpu.memory_space<vmem>> -> memref<128xi32, #tpu.memory_space<vmem>>
        %dma_wait3A_59 = arith.constant 0 : i32
        %dma_wait3A_60 = arith.constant 0 : i32
        %dma_wait3A_61 = tpu.memref_slice %arg2[%dma_wait3A_59, %dma_wait3A_60] : memref<10240x128xf32, #tpu.memory_space<hbm>> -> memref<10240x128xf32, #tpu.memory_space<hbm>>
        tpu.wait_indirect_dma semaphore(%arg15 : memref<!tpu.dma_semaphore, #tpu.memory_space<semaphore_mem>>) src(%dma_wait3A_61 : memref<10240x128xf32, #tpu.memory_space<hbm>>) dst(%arg12 : memref<128x128xf32, #tpu.memory_space<vmem>>)
        %dma_start3A = arith.constant 0 : i32
        %dma_start3A_62 = tpu.memref_slice %arg11[%add3A_45, %dma_start3A] : memref<16x128xi32, #tpu.memory_space<vmem>> -> memref<1x128xi32, #tpu.memory_space<vmem>>
        %dma_start3A_63 = tpu.memref_squeeze %dma_start3A_62 : memref<1x128xi32, #tpu.memory_space<vmem>> -> memref<128xi32, #tpu.memory_space<vmem>>
        %dma_start3A_64 = arith.constant 0 : i32
        %dma_start3A_65 = arith.constant 0 : i32
        %dma_start3A_66 = tpu.memref_slice %arg14[%dma_start3A_64, %dma_start3A_65] : memref<10240x128xf32, #tpu.memory_space<vmem_shared>> -> memref<10240x128xf32, #tpu.memory_space<vmem_shared>>
        tpu.enqueue_indirect_dma source(%arg12 : memref<128x128xf32, #tpu.memory_space<vmem>>) target(%dma_start3A_66 : memref<10240x128xf32, #tpu.memory_space<vmem_shared>>) offsets(%dma_start3A_63 : memref<128xi32, #tpu.memory_space<vmem>>) semaphore(%arg17 : memref<!tpu.dma_semaphore, #tpu.memory_space<semaphore_mem>>) {add = true}
        %mul3A_67 = arith.constant 2 : i32
        %mul3A_68 = arith.muli %scan3A_42, %mul3A_67 : i32
        %add3A_69 = arith.constant 1 : i32
        %add3A_70 = arith.addi %mul3A_68, %add3A_69 : i32
        %dma_wait3A_71 = arith.constant 0 : i32
        %dma_wait3A_72 = arith.constant 0 : i32
        %dma_wait3A_73 = tpu.memref_slice %arg11[%dma_wait3A_71, %dma_wait3A_72] : memref<16x128xi32, #tpu.memory_space<vmem>> -> memref<1x128xi32, #tpu.memory_space<vmem>>
        %dma_wait3A_74 = tpu.memref_squeeze %dma_wait3A_73 : memref<1x128xi32, #tpu.memory_space<vmem>> -> memref<128xi32, #tpu.memory_space<vmem>>
        %dma_wait3A_75 = arith.constant 0 : i32
        %dma_wait3A_76 = arith.constant 0 : i32
        %dma_wait3A_77 = tpu.memref_slice %arg14[%dma_wait3A_75, %dma_wait3A_76] : memref<10240x128xf32, #tpu.memory_space<vmem_shared>> -> memref<10240x128xf32, #tpu.memory_space<vmem_shared>>
        tpu.wait_indirect_dma semaphore(%arg17 : memref<!tpu.dma_semaphore, #tpu.memory_space<semaphore_mem>>) src(%arg12 : memref<128x128xf32, #tpu.memory_space<vmem>>) dst(%dma_wait3A_77 : memref<10240x128xf32, #tpu.memory_space<vmem_shared>>)
        %add3A_78 = arith.constant 1 : i32
        %add3A_79 = arith.addi %add3A_70, %add3A_78 : i32
        %lt3A_80 = arith.constant 16 : i32
        %lt3A_81 = arith.cmpi slt, %add3A_79, %lt3A_80 : i32
        %convert_element_type3A_82 = arith.extui %lt3A_81 : i1 to i32
        %cond3A_83 = arith.constant 0 : i32
        %cond3A_84 = arith.cmpi ne, %convert_element_type3A_82, %cond3A_83 : i32
        scf.if %cond3A_84 {
          %add3A_97 = arith.constant 1 : i32
          %add3A_98 = arith.addi %add3A_70, %add3A_97 : i32
          %eq3A_99 = arith.constant 0 : i32
          %eq3A_100 = arith.cmpi eq, %arg0, %eq3A_99 : i32
          %convert_element_type3A_101 = arith.extui %eq3A_100 : i1 to i32
          %cond3A_102 = arith.constant 0 : i32
          %cond3A_103 = arith.cmpi ne, %convert_element_type3A_101, %cond3A_102 : i32
          scf.if %cond3A_103 {
            %dma_start3A_109 = arith.constant 0 : i32
            %dma_start3A_110 = tpu.memref_slice %arg10[%add3A_98, %dma_start3A_109] : memref<16x128xi32, #tpu.memory_space<vmem>> -> memref<1x128xi32, #tpu.memory_space<vmem>>
            %dma_start3A_111 = tpu.memref_squeeze %dma_start3A_110 : memref<1x128xi32, #tpu.memory_space<vmem>> -> memref<128xi32, #tpu.memory_space<vmem>>
            %dma_start3A_112 = arith.constant 0 : i32
            %dma_start3A_113 = arith.constant 0 : i32
            %dma_start3A_114 = tpu.memref_slice %arg2[%dma_start3A_112, %dma_start3A_113] : memref<10240x128xf32, #tpu.memory_space<hbm>> -> memref<10240x128xf32, #tpu.memory_space<hbm>>
            tpu.enqueue_indirect_dma source(%dma_start3A_114 : memref<10240x128xf32, #tpu.memory_space<hbm>>) target(%arg12 : memref<128x128xf32, #tpu.memory_space<vmem>>) offsets(%dma_start3A_111 : memref<128xi32, #tpu.memory_space<vmem>>) semaphore(%arg15 : memref<!tpu.dma_semaphore, #tpu.memory_space<semaphore_mem>>)
          } else {
          }
          %eq3A_104 = arith.constant 1 : i32
          %eq3A_105 = arith.cmpi eq, %arg0, %eq3A_104 : i32
          %convert_element_type3A_106 = arith.extui %eq3A_105 : i1 to i32
          %cond3A_107 = arith.constant 0 : i32
          %cond3A_108 = arith.cmpi ne, %convert_element_type3A_106, %cond3A_107 : i32
          scf.if %cond3A_108 {
            %dma_start3A_109 = arith.constant 0 : i32
            %dma_start3A_110 = tpu.memref_slice %arg10[%add3A_98, %dma_start3A_109] : memref<16x128xi32, #tpu.memory_space<vmem>> -> memref<1x128xi32, #tpu.memory_space<vmem>>
            %dma_start3A_111 = tpu.memref_squeeze %dma_start3A_110 : memref<1x128xi32, #tpu.memory_space<vmem>> -> memref<128xi32, #tpu.memory_space<vmem>>
            %dma_start3A_112 = arith.constant 0 : i32
            %dma_start3A_113 = arith.constant 0 : i32
            %dma_start3A_114 = tpu.memref_slice %arg3[%dma_start3A_112, %dma_start3A_113] : memref<10240x128xf32, #tpu.memory_space<hbm>> -> memref<10240x128xf32, #tpu.memory_space<hbm>>
            tpu.enqueue_indirect_dma source(%dma_start3A_114 : memref<10240x128xf32, #tpu.memory_space<hbm>>) target(%arg12 : memref<128x128xf32, #tpu.memory_space<vmem>>) offsets(%dma_start3A_111 : memref<128xi32, #tpu.memory_space<vmem>>) semaphore(%arg15 : memref<!tpu.dma_semaphore, #tpu.memory_space<semaphore_mem>>)
          } else {
          }
        } else {
        }
        %dma_wait3A_85 = arith.constant 0 : i32
        %dma_wait3A_86 = tpu.memref_slice %arg10[%add3A_70, %dma_wait3A_85] : memref<16x128xi32, #tpu.memory_space<vmem>> -> memref<1x128xi32, #tpu.memory_space<vmem>>
        %dma_wait3A_87 = tpu.memref_squeeze %dma_wait3A_86 : memref<1x128xi32, #tpu.memory_space<vmem>> -> memref<128xi32, #tpu.memory_space<vmem>>
        %dma_wait3A_88 = arith.constant 0 : i32
        %dma_wait3A_89 = arith.constant 0 : i32
        %dma_wait3A_90 = tpu.memref_slice %arg2[%dma_wait3A_88, %dma_wait3A_89] : memref<10240x128xf32, #tpu.memory_space<hbm>> -> memref<10240x128xf32, #tpu.memory_space<hbm>>
        tpu.wait_indirect_dma semaphore(%arg16 : memref<!tpu.dma_semaphore, #tpu.memory_space<semaphore_mem>>) src(%dma_wait3A_90 : memref<10240x128xf32, #tpu.memory_space<hbm>>) dst(%arg13 : memref<128x128xf32, #tpu.memory_space<vmem>>)
        %dma_start3A_91 = arith.constant 0 : i32
        %dma_start3A_92 = tpu.memref_slice %arg11[%add3A_70, %dma_start3A_91] : memref<16x128xi32, #tpu.memory_space<vmem>> -> memref<1x128xi32, #tpu.memory_space<vmem>>
        %dma_start3A_93 = tpu.memref_squeeze %dma_start3A_92 : memref<1x128xi32, #tpu.memory_space<vmem>> -> memref<128xi32, #tpu.memory_space<vmem>>
        %dma_start3A_94 = arith.constant 0 : i32
        %dma_start3A_95 = arith.constant 0 : i32
        %dma_start3A_96 = tpu.memref_slice %arg14[%dma_start3A_94, %dma_start3A_95] : memref<10240x128xf32, #tpu.memory_space<vmem_shared>> -> memref<10240x128xf32, #tpu.memory_space<vmem_shared>>
        tpu.enqueue_indirect_dma source(%arg13 : memref<128x128xf32, #tpu.memory_space<vmem>>) target(%dma_start3A_96 : memref<10240x128xf32, #tpu.memory_space<vmem_shared>>) offsets(%dma_start3A_93 : memref<128xi32, #tpu.memory_space<vmem>>) semaphore(%arg18 : memref<!tpu.dma_semaphore, #tpu.memory_space<semaphore_mem>>) {add = true}
      }
      %scan3A_35 = arith.constant 8 : i32
      %dma_wait3A = arith.constant 0 : i32
      %dma_wait3A_36 = arith.constant 0 : i32
      %dma_wait3A_37 = tpu.memref_slice %arg11[%dma_wait3A, %dma_wait3A_36] : memref<16x128xi32, #tpu.memory_space<vmem>> -> memref<1x128xi32, #tpu.memory_space<vmem>>
      %dma_wait3A_38 = tpu.memref_squeeze %dma_wait3A_37 : memref<1x128xi32, #tpu.memory_space<vmem>> -> memref<128xi32, #tpu.memory_space<vmem>>
      %dma_wait3A_39 = arith.constant 0 : i32
      %dma_wait3A_40 = arith.constant 0 : i32
      %dma_wait3A_41 = tpu.memref_slice %arg14[%dma_wait3A_39, %dma_wait3A_40] : memref<10240x128xf32, #tpu.memory_space<vmem_shared>> -> memref<10240x128xf32, #tpu.memory_space<vmem_shared>>
      tpu.wait_indirect_dma semaphore(%arg18 : memref<!tpu.dma_semaphore, #tpu.memory_space<semaphore_mem>>) src(%arg13 : memref<128x128xf32, #tpu.memory_space<vmem>>) dst(%dma_wait3A_41 : memref<10240x128xf32, #tpu.memory_space<vmem_shared>>)
    }
    %scan3A_6 = arith.constant 5 : i32
    %barrier3A_7 = arith.constant 0 : index
    tpu.barrier barrier_id(%barrier3A_7)
    %eq3A = arith.constant 0 : i32
    %eq3A_8 = arith.cmpi eq, %arg0, %eq3A : i32
    %convert_element_type3A = arith.extui %eq3A_8 : i1 to i32
    %cond3A = arith.constant 0 : i32
    %cond3A_9 = arith.cmpi ne, %convert_element_type3A, %cond3A : i32
    scf.if %cond3A_9 {
      "tpu.region"() ({
        %run_scoped3A = tpu.sem_alloc : memref<!tpu.dma_semaphore, #tpu.memory_space<semaphore_mem>>
        %dma_start3A = arith.constant 0 : i32
        %dma_start3A_15 = tpu.memref_slice %arg8[%mul3A_0, %dma_start3A] : memref<10240x128xf32, #tpu.memory_space<hbm>> -> memref<640x128xf32, #tpu.memory_space<hbm>>
        %dma_start3A_16 = arith.constant 0 : i32
        %dma_start3A_17 = tpu.memref_slice %arg14[%mul3A_0, %dma_start3A_16] : memref<10240x128xf32, #tpu.memory_space<vmem_shared>> -> memref<640x128xf32, #tpu.memory_space<vmem_shared>>
        tpu.enqueue_dma source(%dma_start3A_17 : memref<640x128xf32, #tpu.memory_space<vmem_shared>>) target(%dma_start3A_15 : memref<640x128xf32, #tpu.memory_space<hbm>>) target_semaphore(%run_scoped3A : memref<!tpu.dma_semaphore, #tpu.memory_space<semaphore_mem>>)
        %dma_wait3A = arith.constant 0 : i32
        %dma_wait3A_18 = tpu.memref_slice %arg8[%mul3A_0, %dma_wait3A] : memref<10240x128xf32, #tpu.memory_space<hbm>> -> memref<640x128xf32, #tpu.memory_space<hbm>>
        %dma_wait3A_19 = arith.constant 0 : i32
        %dma_wait3A_20 = tpu.memref_slice %arg14[%mul3A_0, %dma_wait3A_19] : memref<10240x128xf32, #tpu.memory_space<vmem_shared>> -> memref<640x128xf32, #tpu.memory_space<vmem_shared>>
        tpu.wait_dma2 semaphore(%run_scoped3A : memref<!tpu.dma_semaphore, #tpu.memory_space<semaphore_mem>>) src(%dma_wait3A_20 : memref<640x128xf32, #tpu.memory_space<vmem_shared>>) dst(%dma_wait3A_18 : memref<640x128xf32, #tpu.memory_space<hbm>>)
        tpu.yield
      }) : () -> ()
    } else {
    }
    %eq3A_10 = arith.constant 1 : i32
    %eq3A_11 = arith.cmpi eq, %arg0, %eq3A_10 : i32
    %convert_element_type3A_12 = arith.extui %eq3A_11 : i1 to i32
    %cond3A_13 = arith.constant 0 : i32
    %cond3A_14 = arith.cmpi ne, %convert_element_type3A_12, %cond3A_13 : i32
    scf.if %cond3A_14 {
      "tpu.region"() ({
        %run_scoped3A = tpu.sem_alloc : memref<!tpu.dma_semaphore, #tpu.memory_space<semaphore_mem>>
        %dma_start3A = arith.constant 0 : i32
        %dma_start3A_15 = tpu.memref_slice %arg9[%mul3A_0, %dma_start3A] : memref<10240x128xf32, #tpu.memory_space<hbm>> -> memref<640x128xf32, #tpu.memory_space<hbm>>
        %dma_start3A_16 = arith.constant 0 : i32
        %dma_start3A_17 = tpu.memref_slice %arg14[%mul3A_0, %dma_start3A_16] : memref<10240x128xf32, #tpu.memory_space<vmem_shared>> -> memref<640x128xf32, #tpu.memory_space<vmem_shared>>
        tpu.enqueue_dma source(%dma_start3A_17 : memref<640x128xf32, #tpu.memory_space<vmem_shared>>) target(%dma_start3A_15 : memref<640x128xf32, #tpu.memory_space<hbm>>) target_semaphore(%run_scoped3A : memref<!tpu.dma_semaphore, #tpu.memory_space<semaphore_mem>>)
        %dma_wait3A = arith.constant 0 : i32
        %dma_wait3A_18 = tpu.memref_slice %arg9[%mul3A_0, %dma_wait3A] : memref<10240x128xf32, #tpu.memory_space<hbm>> -> memref<640x128xf32, #tpu.memory_space<hbm>>
        %dma_wait3A_19 = arith.constant 0 : i32
        %dma_wait3A_20 = tpu.memref_slice %arg14[%mul3A_0, %dma_wait3A_19] : memref<10240x128xf32, #tpu.memory_space<vmem_shared>> -> memref<640x128xf32, #tpu.memory_space<vmem_shared>>
        tpu.wait_dma2 semaphore(%run_scoped3A : memref<!tpu.dma_semaphore, #tpu.memory_space<semaphore_mem>>) src(%dma_wait3A_20 : memref<640x128xf32, #tpu.memory_space<vmem_shared>>) dst(%dma_wait3A_18 : memref<640x128xf32, #tpu.memory_space<hbm>>)
        tpu.yield
      }) : () -> ()
    } else {
    }
    return
  }
}

module attributes {stable_mosaic.version = 14 : i64} {
  func.func @_tc_layer_body(%arg0: i32, %arg1: memref<1000x128xf32, #tpu.memory_space<vmem>>, %arg2: memref<1000x128xf32, #tpu.memory_space<vmem>>, %arg3: memref<1000x128xf32, #tpu.memory_space<vmem>>, %arg4: memref<1000x128xf32, #tpu.memory_space<vmem>>, %arg5: memref<1000x1xf32, #tpu.memory_space<vmem>>, %arg6: memref<256x256xf32, #tpu.memory_space<vmem>>, %arg7: memref<256x256xf32, #tpu.memory_space<vmem>>, %arg8: memref<1x256xf32, #tpu.memory_space<vmem>>, %arg9: memref<1000x128xf32, #tpu.memory_space<vmem>>, %arg10: memref<1000x128xf32, #tpu.memory_space<vmem>>) attributes {dimension_semantics = [#tpu.dimension_semantics<arbitrary>], iteration_bounds = array<i64: 10>, scalar_prefetch = 0 : i64, scratch_operands = 0 : i64, tpu.core_type = #tpu.core_type<tc>, window_params = [{transform_indices = @transform_0, window_bounds = array<i64: 1000, 128>}, {transform_indices = @transform_1, window_bounds = array<i64: 1000, 128>}, {transform_indices = @transform_2, window_bounds = array<i64: 1000, 128>}, {transform_indices = @transform_3, window_bounds = array<i64: 1000, 128>}, {transform_indices = @transform_4, window_bounds = array<i64: 1000, 1>}, {pipeline_mode = #tpu.pipeline_mode<synchronous>, transform_indices = @transform_5, window_bounds = array<i64: 256, 256>}, {pipeline_mode = #tpu.pipeline_mode<synchronous>, transform_indices = @transform_6, window_bounds = array<i64: 256, 256>}, {pipeline_mode = #tpu.pipeline_mode<synchronous>, transform_indices = @transform_7, window_bounds = array<i64: 1, 256>}, {transform_indices = @transform_8, window_bounds = array<i64: 1000, 128>}, {transform_indices = @transform_9, window_bounds = array<i64: 1000, 128>}]} {
    %get3A = arith.constant 0 : index
    %get3A_0 = arith.constant 0 : index
    %get3A_1 = vector.load %arg1[%get3A, %get3A_0] : memref<1000x128xf32, #tpu.memory_space<vmem>>, vector<1000x128xf32>
    %get3A_2 = arith.constant 0 : index
    %get3A_3 = arith.constant 0 : index
    %get3A_4 = vector.load %arg2[%get3A_2, %get3A_3] : memref<1000x128xf32, #tpu.memory_space<vmem>>, vector<1000x128xf32>
    %concatenate3A = tpu.concatenate %get3A_1, %get3A_4 in 1 : vector<1000x128xf32>, vector<1000x128xf32> -> vector<1000x256xf32>
    %get3A_5 = arith.constant 0 : index
    %get3A_6 = arith.constant 0 : index
    %get3A_7 = vector.load %arg3[%get3A_5, %get3A_6] : memref<1000x128xf32, #tpu.memory_space<vmem>>, vector<1000x128xf32>
    %get3A_8 = arith.constant 0 : index
    %get3A_9 = arith.constant 0 : index
    %get3A_10 = vector.load %arg4[%get3A_8, %get3A_9] : memref<1000x128xf32, #tpu.memory_space<vmem>>, vector<1000x128xf32>
    %concatenate3A_11 = tpu.concatenate %get3A_7, %get3A_10 in 1 : vector<1000x128xf32>, vector<1000x128xf32> -> vector<1000x256xf32>
    %get3A_12 = arith.constant 0 : index
    %get3A_13 = arith.constant 0 : index
    %get3A_14 = vector.load %arg5[%get3A_12, %get3A_13] : memref<1000x1xf32, #tpu.memory_space<vmem>>, vector<1000x1xf32>
    %max3A = arith.constant 1.000000e+00 : f32
    %max3A_15 = vector.broadcast %max3A : f32 to vector<1000x1xf32>
    %max3A_16 = arith.maximumf %get3A_14, %max3A_15 : vector<1000x1xf32>
    %div3A = vector.broadcast %max3A_16 : vector<1000x1xf32> to vector<1000x256xf32>
    %div3A_17 = arith.divf %concatenate3A_11, %div3A : vector<1000x256xf32>
    %get3A_18 = arith.constant 0 : index
    %get3A_19 = arith.constant 0 : index
    %get3A_20 = vector.load %arg6[%get3A_18, %get3A_19] : memref<256x256xf32, #tpu.memory_space<vmem>>, vector<256x256xf32>
    %dot_general3A = arith.constant dense<0.000000e+00> : vector<1000x256xf32>
    %dot_general3A_21 = tpu.matmul %concatenate3A, %get3A_20, %dot_general3A {dimension_numbers = #tpu.dot_dimension_numbers<[1], [0], [0], [1], [0, 0, 1, 1], [], []>, transpose_lhs_hint = false} : vector<1000x256xf32>, vector<256x256xf32>, vector<1000x256xf32> -> vector<1000x256xf32>
    %get3A_22 = arith.constant 0 : index
    %get3A_23 = arith.constant 0 : index
    %get3A_24 = vector.load %arg7[%get3A_22, %get3A_23] : memref<256x256xf32, #tpu.memory_space<vmem>>, vector<256x256xf32>
    %dot_general3A_25 = arith.constant dense<0.000000e+00> : vector<1000x256xf32>
    %dot_general3A_26 = tpu.matmul %div3A_17, %get3A_24, %dot_general3A_25 {dimension_numbers = #tpu.dot_dimension_numbers<[1], [0], [0], [1], [0, 0, 1, 1], [], []>, transpose_lhs_hint = false} : vector<1000x256xf32>, vector<256x256xf32>, vector<1000x256xf32> -> vector<1000x256xf32>
    %add3A = arith.addf %dot_general3A_21, %dot_general3A_26 : vector<1000x256xf32>
    %get3A_27 = arith.constant 0 : index
    %get3A_28 = arith.constant 0 : index
    %get3A_29 = vector.load %arg8[%get3A_27, %get3A_28] : memref<1x256xf32, #tpu.memory_space<vmem>>, vector<1x256xf32>
    %add3A_30 = vector.broadcast %get3A_29 : vector<1x256xf32> to vector<1000x256xf32>
    %add3A_31 = arith.addf %add3A, %add3A_30 : vector<1000x256xf32>
    %max3A_32 = arith.constant 0.000000e+00 : f32
    %max3A_33 = vector.broadcast %max3A_32 : f32 to vector<1000x256xf32>
    %max3A_34 = arith.maximumf %add3A_31, %max3A_33 : vector<1000x256xf32>
    %slice3A = vector.extract_strided_slice %max3A_34 {offsets = [0, 0], sizes = [1000, 128], strides = [1, 1]} : vector<1000x256xf32> to vector<1000x128xf32>
    %swap3A = arith.constant 0 : index
    %swap3A_35 = arith.constant 0 : index
    %swap3A_36 = vector.load %arg9[%swap3A, %swap3A_35] : memref<1000x128xf32, #tpu.memory_space<vmem>>, vector<1000x128xf32>
    tpu.vector_store %arg9[%swap3A, %swap3A_35], %slice3A {strides = array<i32>} : memref<1000x128xf32, #tpu.memory_space<vmem>>, vector<1000x128xf32>,
    %slice3A_37 = vector.extract_strided_slice %max3A_34 {offsets = [0, 128], sizes = [1000, 128], strides = [1, 1]} : vector<1000x256xf32> to vector<1000x128xf32>
    %swap3A_38 = arith.constant 0 : index
    %swap3A_39 = arith.constant 0 : index
    %swap3A_40 = vector.load %arg10[%swap3A_38, %swap3A_39] : memref<1000x128xf32, #tpu.memory_space<vmem>>, vector<1000x128xf32>
    tpu.vector_store %arg10[%swap3A_38, %swap3A_39], %slice3A_37 {strides = array<i32>} : memref<1000x128xf32, #tpu.memory_space<vmem>>, vector<1000x128xf32>,
    return
  }
  func.func @transform_0(%arg0: i32) -> (i32, i32) {
    %c0_i32 = arith.constant 0 : i32
    %c0_i32_0 = arith.constant 0 : i32
    return %arg0, %c0_i32 : i32, i32
  }
  func.func @transform_1(%arg0: i32) -> (i32, i32) {
    %c0_i32 = arith.constant 0 : i32
    %c0_i32_0 = arith.constant 0 : i32
    return %arg0, %c0_i32 : i32, i32
  }
  func.func @transform_2(%arg0: i32) -> (i32, i32) {
    %c0_i32 = arith.constant 0 : i32
    %c0_i32_0 = arith.constant 0 : i32
    return %arg0, %c0_i32 : i32, i32
  }
  func.func @transform_3(%arg0: i32) -> (i32, i32) {
    %c0_i32 = arith.constant 0 : i32
    %c0_i32_0 = arith.constant 0 : i32
    return %arg0, %c0_i32 : i32, i32
  }
  func.func @transform_4(%arg0: i32) -> (i32, i32) {
    %c0_i32 = arith.constant 0 : i32
    %c0_i32_0 = arith.constant 0 : i32
    return %arg0, %c0_i32 : i32, i32
  }
  func.func @transform_5(%arg0: i32) -> (i32, i32) {
    %c0_i32 = arith.constant 0 : i32
    %c0_i32_0 = arith.constant 0 : i32
    %c0_i32_1 = arith.constant 0 : i32
    return %c0_i32, %c0_i32_0 : i32, i32
  }
  func.func @transform_6(%arg0: i32) -> (i32, i32) {
    %c0_i32 = arith.constant 0 : i32
    %c0_i32_0 = arith.constant 0 : i32
    %c0_i32_1 = arith.constant 0 : i32
    return %c0_i32, %c0_i32_0 : i32, i32
  }
  func.func @transform_7(%arg0: i32) -> (i32, i32) {
    %c0_i32 = arith.constant 0 : i32
    %c0_i32_0 = arith.constant 0 : i32
    %c0_i32_1 = arith.constant 0 : i32
    return %c0_i32, %c0_i32_0 : i32, i32
  }
  func.func @transform_8(%arg0: i32) -> (i32, i32) {
    %c0_i32 = arith.constant 0 : i32
    %c0_i32_0 = arith.constant 0 : i32
    return %arg0, %c0_i32 : i32, i32
  }
  func.func @transform_9(%arg0: i32) -> (i32, i32) {
    %c0_i32 = arith.constant 0 : i32
    %c0_i32_0 = arith.constant 0 : i32
    return %arg0, %c0_i32 : i32, i32
  }
}

module attributes {stable_mosaic.version = 14 : i64} {
  func.func @_tc_layer_body(%arg0: i32, %arg1: memref<1000x128xf32, #tpu.memory_space<vmem>>, %arg2: memref<1000x128xf32, #tpu.memory_space<vmem>>, %arg3: memref<1000x128xf32, #tpu.memory_space<vmem>>, %arg4: memref<1000x128xf32, #tpu.memory_space<vmem>>, %arg5: memref<1000x1xf32, #tpu.memory_space<vmem>>, %arg6: memref<256x256xf32, #tpu.memory_space<vmem>>, %arg7: memref<256x256xf32, #tpu.memory_space<vmem>>, %arg8: memref<1x256xf32, #tpu.memory_space<vmem>>, %arg9: memref<1000x256xf32, #tpu.memory_space<vmem>>) attributes {dimension_semantics = [#tpu.dimension_semantics<arbitrary>], iteration_bounds = array<i64: 10>, scalar_prefetch = 0 : i64, scratch_operands = 0 : i64, tpu.core_type = #tpu.core_type<tc>, window_params = [{transform_indices = @transform_0, window_bounds = array<i64: 1000, 128>}, {transform_indices = @transform_1, window_bounds = array<i64: 1000, 128>}, {transform_indices = @transform_2, window_bounds = array<i64: 1000, 128>}, {transform_indices = @transform_3, window_bounds = array<i64: 1000, 128>}, {transform_indices = @transform_4, window_bounds = array<i64: 1000, 1>}, {pipeline_mode = #tpu.pipeline_mode<synchronous>, transform_indices = @transform_5, window_bounds = array<i64: 256, 256>}, {pipeline_mode = #tpu.pipeline_mode<synchronous>, transform_indices = @transform_6, window_bounds = array<i64: 256, 256>}, {pipeline_mode = #tpu.pipeline_mode<synchronous>, transform_indices = @transform_7, window_bounds = array<i64: 1, 256>}, {transform_indices = @transform_8, window_bounds = array<i64: 1000, 256>}]} {
    %get3A = arith.constant 0 : index
    %get3A_0 = arith.constant 0 : index
    %get3A_1 = vector.load %arg1[%get3A, %get3A_0] : memref<1000x128xf32, #tpu.memory_space<vmem>>, vector<1000x128xf32>
    %get3A_2 = arith.constant 0 : index
    %get3A_3 = arith.constant 0 : index
    %get3A_4 = vector.load %arg2[%get3A_2, %get3A_3] : memref<1000x128xf32, #tpu.memory_space<vmem>>, vector<1000x128xf32>
    %concatenate3A = tpu.concatenate %get3A_1, %get3A_4 in 1 : vector<1000x128xf32>, vector<1000x128xf32> -> vector<1000x256xf32>
    %get3A_5 = arith.constant 0 : index
    %get3A_6 = arith.constant 0 : index
    %get3A_7 = vector.load %arg3[%get3A_5, %get3A_6] : memref<1000x128xf32, #tpu.memory_space<vmem>>, vector<1000x128xf32>
    %get3A_8 = arith.constant 0 : index
    %get3A_9 = arith.constant 0 : index
    %get3A_10 = vector.load %arg4[%get3A_8, %get3A_9] : memref<1000x128xf32, #tpu.memory_space<vmem>>, vector<1000x128xf32>
    %concatenate3A_11 = tpu.concatenate %get3A_7, %get3A_10 in 1 : vector<1000x128xf32>, vector<1000x128xf32> -> vector<1000x256xf32>
    %get3A_12 = arith.constant 0 : index
    %get3A_13 = arith.constant 0 : index
    %get3A_14 = vector.load %arg5[%get3A_12, %get3A_13] : memref<1000x1xf32, #tpu.memory_space<vmem>>, vector<1000x1xf32>
    %max3A = arith.constant 1.000000e+00 : f32
    %max3A_15 = vector.broadcast %max3A : f32 to vector<1000x1xf32>
    %max3A_16 = arith.maximumf %get3A_14, %max3A_15 : vector<1000x1xf32>
    %div3A = vector.broadcast %max3A_16 : vector<1000x1xf32> to vector<1000x256xf32>
    %div3A_17 = arith.divf %concatenate3A_11, %div3A : vector<1000x256xf32>
    %get3A_18 = arith.constant 0 : index
    %get3A_19 = arith.constant 0 : index
    %get3A_20 = vector.load %arg6[%get3A_18, %get3A_19] : memref<256x256xf32, #tpu.memory_space<vmem>>, vector<256x256xf32>
    %dot_general3A = arith.constant dense<0.000000e+00> : vector<1000x256xf32>
    %dot_general3A_21 = tpu.matmul %concatenate3A, %get3A_20, %dot_general3A {dimension_numbers = #tpu.dot_dimension_numbers<[1], [0], [0], [1], [0, 0, 1, 1], [], []>, transpose_lhs_hint = false} : vector<1000x256xf32>, vector<256x256xf32>, vector<1000x256xf32> -> vector<1000x256xf32>
    %get3A_22 = arith.constant 0 : index
    %get3A_23 = arith.constant 0 : index
    %get3A_24 = vector.load %arg7[%get3A_22, %get3A_23] : memref<256x256xf32, #tpu.memory_space<vmem>>, vector<256x256xf32>
    %dot_general3A_25 = arith.constant dense<0.000000e+00> : vector<1000x256xf32>
    %dot_general3A_26 = tpu.matmul %div3A_17, %get3A_24, %dot_general3A_25 {dimension_numbers = #tpu.dot_dimension_numbers<[1], [0], [0], [1], [0, 0, 1, 1], [], []>, transpose_lhs_hint = false} : vector<1000x256xf32>, vector<256x256xf32>, vector<1000x256xf32> -> vector<1000x256xf32>
    %add3A = arith.addf %dot_general3A_21, %dot_general3A_26 : vector<1000x256xf32>
    %get3A_27 = arith.constant 0 : index
    %get3A_28 = arith.constant 0 : index
    %get3A_29 = vector.load %arg8[%get3A_27, %get3A_28] : memref<1x256xf32, #tpu.memory_space<vmem>>, vector<1x256xf32>
    %add3A_30 = vector.broadcast %get3A_29 : vector<1x256xf32> to vector<1000x256xf32>
    %add3A_31 = arith.addf %add3A, %add3A_30 : vector<1000x256xf32>
    %max3A_32 = arith.constant 0.000000e+00 : f32
    %max3A_33 = vector.broadcast %max3A_32 : f32 to vector<1000x256xf32>
    %max3A_34 = arith.maximumf %add3A_31, %max3A_33 : vector<1000x256xf32>
    %swap3A = arith.constant 0 : index
    %swap3A_35 = arith.constant 0 : index
    %swap3A_36 = vector.load %arg9[%swap3A, %swap3A_35] : memref<1000x256xf32, #tpu.memory_space<vmem>>, vector<1000x256xf32>
    tpu.vector_store %arg9[%swap3A, %swap3A_35], %max3A_34 {strides = array<i32>} : memref<1000x256xf32, #tpu.memory_space<vmem>>, vector<1000x256xf32>,
    return
  }
  func.func @transform_0(%arg0: i32) -> (i32, i32) {
    %c0_i32 = arith.constant 0 : i32
    %c0_i32_0 = arith.constant 0 : i32
    return %arg0, %c0_i32 : i32, i32
  }
  func.func @transform_1(%arg0: i32) -> (i32, i32) {
    %c0_i32 = arith.constant 0 : i32
    %c0_i32_0 = arith.constant 0 : i32
    return %arg0, %c0_i32 : i32, i32
  }
  func.func @transform_2(%arg0: i32) -> (i32, i32) {
    %c0_i32 = arith.constant 0 : i32
    %c0_i32_0 = arith.constant 0 : i32
    return %arg0, %c0_i32 : i32, i32
  }
  func.func @transform_3(%arg0: i32) -> (i32, i32) {
    %c0_i32 = arith.constant 0 : i32
    %c0_i32_0 = arith.constant 0 : i32
    return %arg0, %c0_i32 : i32, i32
  }
  func.func @transform_4(%arg0: i32) -> (i32, i32) {
    %c0_i32 = arith.constant 0 : i32
    %c0_i32_0 = arith.constant 0 : i32
    return %arg0, %c0_i32 : i32, i32
  }
  func.func @transform_5(%arg0: i32) -> (i32, i32) {
    %c0_i32 = arith.constant 0 : i32
    %c0_i32_0 = arith.constant 0 : i32
    %c0_i32_1 = arith.constant 0 : i32
    return %c0_i32, %c0_i32_0 : i32, i32
  }
  func.func @transform_6(%arg0: i32) -> (i32, i32) {
    %c0_i32 = arith.constant 0 : i32
    %c0_i32_0 = arith.constant 0 : i32
    %c0_i32_1 = arith.constant 0 : i32
    return %c0_i32, %c0_i32_0 : i32, i32
  }
  func.func @transform_7(%arg0: i32) -> (i32, i32) {
    %c0_i32 = arith.constant 0 : i32
    %c0_i32_0 = arith.constant 0 : i32
    %c0_i32_1 = arith.constant 0 : i32
    return %c0_i32, %c0_i32_0 : i32, i32
  }
  func.func @transform_8(%arg0: i32) -> (i32, i32) {
    %c0_i32 = arith.constant 0 : i32
    %c0_i32_0 = arith.constant 0 : i32
    return %arg0, %c0_i32 : i32, i32
  }
}

</mosaic_0001>

<sc_bundles>
// kernel: kernel.6.cloned.1.call-start
scs
__scs_entry_jumppad:
0x0: {  	(pc) =	sbr.rel $0x88, $3  }
0x1: {  	(tag) =	ssettag $0x0;
	lr =	simm.s32 $0x1  }
0x2: {  	[smem:$0x3F99] =	sst lr;
	_ =	strace $0xD0000000  }
0x3: {  	_ = 	snop  }
0x4: {  	_ = 	snop  }
0x5: {  	_ = 	snop  }
0x6: {  	_ = 	snop  }
0x7: {  	_ = 	snop  }
__scs_overlays_trampoline_lowered:
0x8: {  	[smem:$0x3FA8] =	sst s0  }
0x9: {  	[smem:$0x3FA9] =	sst s1  }
0xa: {  	[smem:$0x3FAA] =	sst s2  }
0xb: {  	[smem:$0x3FAB] =	sst s3  }
0xc: {  	[smem:$0x3FAC] =	sst s4  }
0xd: {  	[smem:$0x3FAD] =	sst s5  }
0xe: {  	[smem:$0x3FAE] =	sst s6  }
0xf: {  	[smem:$0x3FAF] =	sst s7  }
0x10: {  	[smem:$0x3FB0] =	sst s8  }
0x11: {  	[smem:$0x3FB1] =	sst s9;
	s0 =	simm.s32 @!p0 $0x0  }
0x12: {  	s1 =	sld [smem:$0x3F97];
	s0 =	simm.s32 @p0 $0x1  }
0x13: {  	[smem:$0x3FB2] =	sst s0;
	s0 =	simm.s32 @!p1 $0x0  }
0x14: {  	s2 =	sld [smem:$0x3F96];
	s0 =	simm.s32 @p1 $0x1  }
0x15: {  	[smem:$0x3FB3] =	sst s0;
	s0 =	simm.s32 @!p2 $0x0  }
0x16: {  	s3 =	sld [smem:$0x3FDB];
	s0 =	simm.s32 @p2 $0x1  }
0x17: {  	s4 =	simm.s32 $0x1BF5;
	[smem:$0x3FB5] =	sst s0  }
0x18: {  	s0 =	sld [smem:$0x3F98];
	_ =	swait.ge [sflag:s4], $0x0  }
0x19: {  	s7 =	sld [smem:$0x3F99]  }
0x1a: {  	s8 =	sadd.s32 $0xFFFFE003, lr  }
0x1b: {  	s9 =	sadd.s32 $0xFFFFFEF7, lr;
	s5 =	simm.s32 $0xFFFFFFFF;
	p2 =	slt.u32 s8, $0xFFFFF086  }
0x1c: {  	p1 =	slt.u32 s9, $0xF7A;
	s5 =	simm.s32 @!p2 $0x0  }
0x1d: {  	s5 =	simm.s32 @p1 $0x1;
	p0 =	seq.s32 s7, s2  }
0x1e: {  	s7 =	smul.u32 @!p0 $0xF7A, s2;
	p2 =	seq.s32 @!p0 s5, $0x0  }
0x1f: {  	s9 =	smul.u32 $0xF7A, s1;
	s8 =	simm.s32 @!p0 $0x1BF5;
	p2 =	por !p2, p0  }
0x20: {  	[sflag:s8] =	ssyncset.s32 @!p0 $0xFFFFF086;
	s6 =	sadd.s32 @!p0 s3, s7;
	s7 =	simm.s32 @!p0 $0x108  }
0x21: {  	s3 =	sadd.s32 s3, s9;
	s6 =	sadd.s32 @!p0 $0x88, s6;
	s7 =	simm.s32 @p2 $0x1082  }
0x22: {  	[simem:s7], [sflag:s8] =	dma.local @!p0 [hbm:s6], $0xF7A  }
0x23: {  	s9 =	sor.u32 $0xD0000000, s2;
	s6 =	simm.s32 $0x108;
	_ =	swait.ge @!p0 [sflag:s8], $0x0  }
0x24: {  	s3 =	sadd.s32 $0x88, s3;
	s6 =	simm.s32 @!p1 $0x1082;
	[sflag:s4] =	ssyncset.s32 $0xFFFFF086  }
0x25: {  	[simem:s6], [sflag:s4] =	dma.local [hbm:s3], $0xF7A  }
0x26: {  	[smem:$0x3F99] =	sst s1;
	(tag) =	ssettag s2;
	_ =	strace s9  }
0x27: {  	s1 =	sld [smem:$0x3FA9]  }
0x28: {  	s2 =	sld [smem:$0x3FAA]  }
0x29: {  	s4 =	sld [smem:$0x3FAC]  }
0x2a: {  	p0 =	seq.s32 s5, $0x0;
	s5 =	sld [smem:$0x3FAD]  }
0x2b: {  	s6 =	sld [smem:$0x3FAE]  }
0x2c: {  	s7 =	sld [smem:$0x3FAF]  }
0x2d: {  	s3 =	simm.s32 $0x108;
	s8 =	sld [smem:$0x3FB0]  }
0x2e: {  	s3 =	simm.s32 @!p0 $0x1082;
	s9 =	sld [smem:$0x3FB1]  }
0x2f: {  	lr =	sadd.s32 s0, s3;
	s0 =	sld [smem:$0x3FA8]  }
0x30: {  	s3 =	sld [smem:$0x3FAB]  }
0x31: {  	[smem:$0x3FB4] =	sst s10  }
0x32: {  	s10 =	sld [smem:$0x3FB2];
	_ =	sdelay $0x3  }
0x33: {  	p0 =	seq.s32 s10, $0x1;
	s10 =	sld [smem:$0x3FB4];
	_ =	sdelay $0x3  }
0x34: {  	[smem:$0x3FB4] =	sst s10  }
0x35: {  	s10 =	sld [smem:$0x3FB3];
	_ =	sdelay $0x3  }
0x36: {  	p1 =	seq.s32 s10, $0x1;
	s10 =	sld [smem:$0x3FB4];
	_ =	sdelay $0x3  }
0x37: {  	[smem:$0x3FB4] =	sst s10  }
0x38: {  	s10 =	sld [smem:$0x3FB5]  }
0x39: {  	_ = 	snop;
	(pc) =	sbr.ind lr, $3  }
0x3a: {  	_ = 	snop  }
0x3b: {  	_ = 	snop  }
0x3c: {  	p2 =	seq.s32 s10, $0x1;
	s10 =	sld [smem:$0x3FB4]  }
0x3d: {  	_ =	shalt  }
0x3e: {  	_ =	shalt  }
0x3f: {  	_ =	shalt  }
0x40: {  	_ =	shalt  }
0x41: {  	_ =	shalt  }
0x42: {  	_ =	shalt  }
0x43: {  	_ =	shalt  }
0x44: {  	_ =	shalt  }
0x45: {  	_ =	shalt  }
0x46: {  	_ =	shalt  }
0x47: {  	_ =	shalt  }
0x48: {  	_ =	shalt  }
0x49: {  	_ =	shalt  }
0x4a: {  	_ =	shalt  }
0x4b: {  	_ =	shalt  }
0x4c: {  	_ =	shalt  }
0x4d: {  	_ =	shalt  }
0x4e: {  	_ =	shalt  }
0x4f: {  	_ =	shalt  }
0x50: {  	_ =	shalt  }
0x51: {  	_ =	shalt  }
0x52: {  	_ =	shalt  }
0x53: {  	_ =	shalt  }
0x54: {  	_ =	shalt  }
0x55: {  	_ =	shalt  }
0x56: {  	_ =	shalt  }
0x57: {  	_ =	shalt  }
0x58: {  	_ =	shalt  }
0x59: {  	_ =	shalt  }
0x5a: {  	_ =	shalt  }
0x5b: {  	_ =	shalt  }
0x5c: {  	_ =	shalt  }
0x5d: {  	_ =	shalt  }
0x5e: {  	_ =	shalt  }
0x5f: {  	_ =	shalt  }
0x60: {  	_ =	shalt  }
0x61: {  	_ =	shalt  }
0x62: {  	_ =	shalt  }
0x63: {  	_ =	shalt  }
0x64: {  	_ =	shalt  }
0x65: {  	_ =	shalt  }
0x66: {  	_ =	shalt  }
0x67: {  	_ =	shalt  }
0x68: {  	_ =	shalt  }
0x69: {  	_ =	shalt  }
0x6a: {  	_ =	shalt  }
0x6b: {  	_ =	shalt  }
0x6c: {  	_ =	shalt  }
0x6d: {  	_ =	shalt  }
0x6e: {  	_ =	shalt  }
0x6f: {  	_ =	shalt  }
0x70: {  	_ =	shalt  }
0x71: {  	_ =	shalt  }
0x72: {  	_ =	shalt  }
0x73: {  	_ =	shalt  }
0x74: {  	_ =	shalt  }
0x75: {  	_ =	shalt  }
0x76: {  	_ =	shalt  }
0x77: {  	_ =	shalt  }
0x78: {  	_ =	shalt  }
0x79: {  	_ =	shalt  }
0x7a: {  	_ =	shalt  }
0x7b: {  	_ =	shalt  }
0x7c: {  	_ =	shalt  }
0x7d: {  	_ =	shalt  }
0x7e: {  	_ =	shalt  }
0x7f: {  	_ =	shalt  }
0x80: {  	_ =	shalt  }
0x81: {  	_ =	shalt  }
0x82: {  	_ =	shalt  }
0x83: {  	_ =	shalt  }
0x84: {  	_ =	shalt  }
0x85: {  	_ =	shalt  }
0x86: {  	_ =	shalt  }
0x87: {  	_ =	shalt  }
.Lfunc_end0:
.L_simem_size_0:
called_computation_lowered:
.L_overlay_start_0:
0x88: {  	s2 =	sld [smem:$0x3FD9]  }
0x89: {  	s3 =	sld [smem:$0x3FFE];
	_ =	sdelay $0x1  }
0x8a: {  	s1 =	srdreg.scid  }
0x8b: {  	s0 =	sand.u32 $0x1, s1  }
0x8c: {  	s17 =	sshll.u32 s0, $0xA;
	s2 =	sadd.s32 s3, s2  }
0x8d: {  	s2 =	sadd.s32 s2, s17  }
0x8e: {  	[smem:$0x3FC0] =	sst s2  }
0x8f: {  	_ = 	snop  }
0x90: {  	s2 =	sld [smem:$0x3FD0];
	(tm) =	ssettm $0x1  }
0x91: {  	s18 =	sld [smem:$0x3FFB];
	_ =	sdelay $0x3  }
0x92: {  	_ =	strace s18  }
0x93: {  	s3 =	sld [smem:$0x3FFC];
	_ =	sdelay $0x3  }
0x94: {  	_ =	strace s3  }
0x95: {  	s3 =	sld [smem:$0x3FFD];
	_ =	sdelay $0x3  }
0x96: {  	_ =	strace s3  }
0x97: {  	_ =	strace $0x8FFFFFFF  }
0x98: {  	s19 =	sld [smem:$0x3FDB];
	_ =	sdelay $0x1  }
0x99: {  	s4 =	simm.s32 $_scs_section_size  }
0x9a: {  	s5 =	simm.s32 $_size__tile_overlayer_lowered;
	s6 =	simm.s32 $_tile_overlayer_lowered  }
0x9b: {  	s22 =	simm.s32 $0x1BFF;
	s21 =	sshll.u32 s6, $0x1;
	s3 =	sadd.s32 s4, s19  }
0x9c: {  	s7 =	simm.s32 $0x0;
	s20 =	sshll.u32 s5, $0x1;
	s5 =	sadd.s32 s21, s3  }
0x9d: {  	[timem:s7], [sflag:s22] =	dma.local [hbm:s5], s20  }
0x9e: {  	_ =	swait.ge [sflag:s22], s20  }
0x9f: {  	s4 =	ssub.s32 $0x0, s20;
	[sflag:s22] =	ssyncset.done $0x0  }
0xa0: {  	[sflag:s22] =	ssyncadd.s32 s4;
	_ =	sdelay $0x1  }
0xa1: {  	s23 =	simm.s32 $0x1B8B  }
0xa2: {  	_ =	swait.ge [sflag:s23], $0x1  }
0xa3: {  	[sflag:s23] =	ssyncset.done $0x0  }
0xa4: {  	s25 =	simm.s32 $0x1B8E;
	s24 =	sld [smem:$0x3FFE];
	[sflag:s23] =	ssyncadd.s32 $0xFFFFFFFF  }
0xa5: {  	s26 =	simm.s32 $execute0_lowered;
	[smem:$0x3FD2] =	sst s25  }
0xa6: {  	s5 =	sshll.u32 s26, $0x1;
	_ =	strace $0x80000046;
	[dreg:$0x1] =	wrdreg $0xFFFFFFFF  }
0xa7: {  	s28 =	simm.s32 $_size_execute0_lowered;
	s3 =	sadd.s32 s3, s5;
	[dreg:$0x0] =	wrdreg $0x0  }
0xa8: {  	s5 =	sshll.u32 s28, $0x1;
	[dreg:$0x2] =	wrdreg s3  }
0xa9: {  	[dreg:$0x3] =	wrdreg s5  }
0xaa: {  	[dreg:$0x4] =	wrdreg $0xC0  }
0xab: {  	_ =	task [dreg:s7], $0x5FFFF  }
0xac: {  	[dreg:$0x1] =	wrdreg $0xFFFFFFFF  }
0xad: {  	[dreg:$0x0] =	wrdreg $0x60  }
0xae: {  	[dreg:$0x2] =	wrdreg s24  }
0xaf: {  	[dreg:$0x3] =	wrdreg s2  }
0xb0: {  	[dreg:$0x4] =	wrdreg $0x90000  }
0xb1: {  	[dreg:$0x5] =	wrdreg $0x9  }
0xb2: {  	_ =	task.clear_ibuf [dreg:s7], $0x6FFFF;
	_ =	strace $0x90000046  }
0xb3: {  	s29 =	simm.s32 $0x9;
	_ =	strace $0x80000048  }
0xb4: {  	_ =	swait.ge [sflag:s29], $0x1  }
0xb5: {  	[sflag:s29] =	ssyncadd.s32 $0xFFFFFFFF  }
0xb6: {  	_ =	strace $0x90000048  }
0xb7: {  	_ =	sfence  }
0xb8: {  	s30 =	sld [smem:$0x0];
	_ =	sdelay $0x2  }
0xb9: {  	s31 =	sshll.u32 s1, $0xD;
	s1 =	sshrl.u32 s1, $0x2  }
0xba: {  	s3 =	sand.u32 $0x4000, s31;
	s1 =	sadd.s32 s1, s30  }
0xbb: {  	s0 =	sor.u32 s3, s0;
	s1 =	sshll.u32 s1, $0x11  }
0xbc: {  	s0 =	sor.u32 s1, s0  }
0xbd: {  	s0 =	sadd.s32 $0x8F2B, s0  }
0xbe: {  	[sflag:s0] =	ssyncadd.remote.s32 $0x1  }
0xbf: {  	_ =	sfence.sel $0xFFFF  }
0xc0: {  	[dreg:$0x0] =	wrdreg $0xFFFFFFFF;
	(pc) =	sbr.abs _section_cstart, $3  }
0xc1: {  	[dreg:$0x1] =	wrdreg $0xFFFFFFFF  }
0xc2: {  	_ =	task.clear_ibuf [dreg:s7], $0x2FFFF;
	_ =	strace $0x9FFFFFFF  }
0xc3: {  	(tm) =	ssettm $0x7FFFFFFF  }
tec
execute0_lowered:
.L_overlay_start_1:
0x0: {  	(tag) =	ssettag $0x1  }
0x1: {  	s0 =	rddreg [dreg:$0x0]  }
0x2: {  	s1 =	rddreg [dreg:$0x1]  }
0x3: {  	s2 =	rddreg [dreg:$0x2];
	s3 =	simm.s32 $0x0;
	s8 =	stileid.u32  }
0x4: {  	s9 =	srdreg.scid;
	[smem:$0x7FF] =	sst s3  }
0x5: {  	s4 =	sadd.s32 $0x2C00, s0;
	s5 =	sadd.s32 $0x2AC00, s0;
	s7 =	smul.u32 $0x2800, s8  }
0x6: {  	s6 =	sadd.s32 $0x2FC00, s0;
	s10 =	sadd.s32 $0x34C00, s0;
	s23 =	smul.u32 $0x280, s8  }
0x7: {  	s12 =	sand.u32 $0x1, s9;
	s9 =	sadd.s32 $0x37400, s0;
	s28 =	smul.u32 $0x500, s8  }
0x8: {  	_ =	strace $0x80000047;
	s13 =	sadd.s32 s7, s0;
	s14 =	sshrl.u32 s23, $0x3  }
0x9: {  	[dreg:$0x4] =	wrdreg s10;
	s16 =	sadd.s32 s14, s0;
	s29 =	sadd.s32 $0x65000, s13  }
0xa: {  	s0 =	sadd.s32 $0x37A00, s0;
	s31 =	sadd.s32 $0x3D000, s13;
	[dreg:$0x5] =	wrdreg s29  }
0xb: {  	s30 =	sadd.s32 s0, s28;
	[dreg:$0x8] =	wrdreg s31  }
0xc: {  	s23 =	sadd.s32 $0x3CA00, s16;
	[dreg:$0x6] =	wrdreg s30  }
0xd: {  	s15 =	smul.u32 $0x50000, s8;
	s0 =	sadd.s32 s0, s14;
	[dreg:$0x11] =	wrdreg s23  }
0xe: {  	s26 =	sshll.u32 s8, $0x6;
	s13 =	sadd.s32 $0x500, s0;
	[dreg:$0x7] =	wrdreg s0  }
0xf: {  	s11 =	ssub.s32 $0x2, s12;
	s14 =	sadd.s32 $0xA00, s0;
	[dreg:$0x9] =	wrdreg s13  }
0x10: {  	s25 =	sshrl.u32 s15, $0x2;
	s15 =	sadd.s32 $0xF00, s0;
	[dreg:$0xa] =	wrdreg s14  }
0x11: {  	p0 =	seq.s32 s12, $0x0;
	s18 =	sadd.s32 $0x1400, s0;
	[dreg:$0xb] =	wrdreg s15  }
0x12: {  	p1 =	sne.s32 s12, $0x0;
	s19 =	sadd.s32 $0x1900, s0;
	[dreg:$0xc] =	wrdreg s18  }
0x13: {  	s12 =	simm.s32 $0x5;
	s20 =	sadd.s32 $0x1E00, s0;
	[dreg:$0xd] =	wrdreg s19  }
0x14: {  	s24 =	sshrl.u32 s11, $0x1;
	s21 =	sadd.s32 $0x2300, s0;
	[dreg:$0xe] =	wrdreg s20  }
0x15: {  	s1 =	smov.u32 @p0 s4;
	s22 =	sadd.s32 $0x2800, s0;
	[dreg:$0xf] =	wrdreg s21  }
0x16: {  	s17 =	ssub.s32 s11, s24;
	s24 =	sadd.s32 $0x2D00, s0;
	[dreg:$0x10] =	wrdreg s22  }
0x17: {  	s11 =	sor.u32 $0x1C05, s26;
	s26 =	sadd.s32 $0x3200, s0;
	[dreg:$0x12] =	wrdreg s24  }
0x18: {  	s10 =	sadd.s32 s25, s2;
	s28 =	sadd.s32 $0x3700, s0;
	[dreg:$0x13] =	wrdreg s26  }
0x19: {  	s25 =	smax.u32 s17, $0x1;
	s29 =	sadd.s32 $0x3C00, s0;
	[dreg:$0x14] =	wrdreg s28  }
0x1a: {  	s16 =	simm.s32 $0x1000;
	s30 =	sadd.s32 $0x4100, s0;
	[dreg:$0x15] =	wrdreg s29  }
.Ltmp0:
0x1b: {  	s31 =	sadd.s32 $0x4600, s0;
	[dreg:$0x16] =	wrdreg s30;
	(pc) =	sbr.rel .LBB2_1-.Ltmp0, $4  }
0x1c: {  	s17 =	simm.s32 $0x5000;
	s0 =	sadd.s32 $0x4B00, s0;
	[dreg:$0x17] =	wrdreg s31  }
0x1d: {  	s23 =	simm.s32 $0x0;
	[dreg:$0x18] =	wrdreg s0;
	s13 =	simm.s32 $0x800  }
0x1e: {  	s15 =	simm.s32 $0x80;
	s18 =	simm.s32 $0x1;
	s19 =	simm.s32 $0x4  }
0x1f: {  	s20 =	simm.s32 $0x3;
	s21 =	simm.s32 $0x2;
	s22 =	simm.s32 $0x1FA80  }
.LBB2_6:
0x20: {  	[bflag:$0x0] =	sbarrier.arrive $0xFFFF  }
0x21: {  	s0 =	rddreg [dreg:$0x5]  }
0x22: {  	[hbm:s0], [sflag:s11] =	dma.local [spmem:s24], $0x2800  }
0x23: {  	_ =	swait.ge [sflag:s12], $0x2800  }
0x24: {  	[sflag:s12] =	ssyncset.done $0x0  }
0x25: {  	[sflag:s12] =	ssyncadd.s32 $0xFFFFD800  }
.LBB2_38:
0x26: {  	s23 =	sadd.s32 $0x1, s23  }
0x27: {  	p2 =	sne.s32 s23, s25  }
.Ltmp1:
0x28: {  	_ = 	snop;
	(pc) =	sbr.rel @!p2 .LBB2_39-.Ltmp1, $1  }
0x29: {  	_ =	sdelay $0x3  }
.LBB2_1:
0x2a: {  	s24 =	sshrl.u32 s10, $0x3;
	s0 =	rddreg [dreg:$0x4]  }
0x2b: {  	[spmem:s24], [sflag:s11] =	dma.local [hbm:s0], $0x2800  }
0x2c: {  	_ =	swait.ge [sflag:s12], $0x2800  }
0x2d: {  	[sflag:s12] =	ssyncset.done $0x0  }
0x2e: {  	s28 =	simm.s32 @!p1 $0x0;
	s26 =	simm.s32 @!p1 $0x1D000;
	[sflag:s12] =	ssyncadd.s32 $0xFFFFD800  }
0x2f: {  	[tilespmem:s26], [sflag:$0x5] =	stream.linear.gather @!p1 [hbm4b:s9+s28], $0x2800, $0x38;
	[tilespmem:$0x1FD00] =	vst v63  }
0x30: {  	s28 =	simm.s32 @!p1 $0x5  }
0x31: {  	_ =	swait.ge @!p1 [sflag:s28], $0x2800  }
0x32: {  	[sflag:s28] =	ssyncset.done @!p1 $0x0  }
0x33: {  	[sflag:s28] =	ssyncadd.s32 @!p1 $0xFFFFD800  }
0x34: {  	s28 =	simm.s32 $0x0;
	[bflag:$0x0] =	sbarrier.arrive $0xFFFF  }
.LBB2_2:
0x35: {  	s29 =	sshll.u32 s28, $0xB  }
0x36: {  	s29 =	sadd.s32 s7, s29  }
0x37: {  	s29 =	sshrl.u32 s29, $0x3  }
0x38: {  	s30 =	sadd.s32 s5, s29  }
0x39: {  	[tilespmem:s3], [sflag:$0x5] =	stream.linear.gather [hbm4b:s30+s3], $0x800, $0x38;
	[tilespmem:$0x1FD00] =	vst v63  }
0x3a: {  	_ =	swait.ge [sflag:s12], $0x800  }
0x3b: {  	[sflag:s12] =	ssyncset.done $0x0  }
0x3c: {  	s29 =	sadd.s32 s6, s29;
	[sflag:s12] =	ssyncadd.s32 $0xFFFFF800  }
0x3d: {  	[tilespmem:s13], [sflag:$0x5] =	stream.linear.gather [hbm4b:s29+s3], $0x800, $0x38;
	[tilespmem:$0x1FD00] =	vst v63  }
0x3e: {  	_ =	swait.ge [sflag:s12], $0x800  }
0x3f: {  	[sflag:s12] =	ssyncset.done $0x0  }
0x40: {  	[sflag:s12] =	ssyncadd.s32 $0xFFFFF800  }
0x41: {  	[tilespmem:s16], [sflag:$0x1] =	stream.indirect.gather [hbm4b:s1+s15], $0x80, s3, s15, $0xb8;
	[tilespmem:$0x1FD00] =	vst v63  }
0x42: {  	_ = 	snop  }
0x43: {  	[tilespmem:s17], [sflag:$0x2] =	stream.indirect.gather [hbm4b:s1+s15], $0x80, s15, s15, $0xb8;
	[tilespmem:$0x1FD00] =	vst v63  }
0x44: {  	_ =	swait.ge [sflag:s18], $0x4000  }
0x45: {  	[sflag:s18] =	ssyncset.done $0x0  }
0x46: {  	s29 =	simm.s32 @p1 $0x3;
	[sflag:s18] =	ssyncadd.s32 $0xFFFFC000  }
0x47: {  	[spmem:s2] =	stream.indirect.scatter.add.f32 [tilespmem:s16], [sflag:$0x3], $0x80, s13, s15, $0xb8;
	[tilespmem:$0x1FD00] =	vst v63  }
0x48: {  	_ =	swait.ge @p1 [sflag:s29], $0x4000  }
0x49: {  	s31 =	simm.s32 @p1 $0x1000;
	[sflag:s29] =	ssyncset.done @p1 $0x0  }
0x4a: {  	s30 =	simm.s32 @p1 $0x100;
	[sflag:s29] =	ssyncadd.s32 @p1 $0xFFFFC000;
	s29 =	simm.s32 @p1 $0x80  }
0x4b: {  	[tilespmem:s31], [sflag:$0x1] =	stream.indirect.gather @p1 [hbm4b:s1+s29], $0x80, s30, s29, $0xb8;
	[tilespmem:$0x1FD00] =	vst v63  }
0x4c: {  	s30 =	simm.s32 @p1 $0x2  }
0x4d: {  	_ =	swait.ge @p1 [sflag:s30], $0x4000  }
0x4e: {  	[sflag:s30] =	ssyncset.done @p1 $0x0  }
0x4f: {  	s31 =	simm.s32 @p1 $0x5000;
	[sflag:s30] =	ssyncadd.s32 @p1 $0xFFFFC000;
	s30 =	simm.s32 @p1 $0x880  }
0x50: {  	[spmem:s2] =	stream.indirect.scatter.add.f32 @p1 [tilespmem:s31], [sflag:$0x4], $0x80, s30, s29, $0xb8;
	[tilespmem:$0x1FD00] =	vst v63  }
0x51: {  	v1 =	vld @!p1 [tilespmem:$0x800];
	_ =	sdelay $0x6  }
0x52: {  	v0 =	vimm.f32 @!p1 $1.000000000e+00  }
0x53: {  	[tilespmem:v1+s26+$0x0] =	vst.idx.add.f32.msk @!p1 $0xffff, v0  }
0x54: {  	v1 =	vld @!p1 [tilespmem:$0x810];
	_ =	sdelay $0x7  }
0x55: {  	[tilespmem:v1+s26+$0x0] =	vst.idx.add.f32.msk @!p1 $0xffff, v0  }
0x56: {  	v1 =	vld @!p1 [tilespmem:$0x820];
	_ =	sdelay $0x7  }
0x57: {  	[tilespmem:v1+s26+$0x0] =	vst.idx.add.f32.msk @!p1 $0xffff, v0  }
0x58: {  	v1 =	vld @!p1 [tilespmem:$0x830];
	_ =	sdelay $0x7  }
0x59: {  	[tilespmem:v1+s26+$0x0] =	vst.idx.add.f32.msk @!p1 $0xffff, v0  }
0x5a: {  	v1 =	vld @!p1 [tilespmem:$0x840];
	_ =	sdelay $0x7  }
0x5b: {  	[tilespmem:v1+s26+$0x0] =	vst.idx.add.f32.msk @!p1 $0xffff, v0  }
0x5c: {  	v1 =	vld @!p1 [tilespmem:$0x850];
	_ =	sdelay $0x7  }
0x5d: {  	[tilespmem:v1+s26+$0x0] =	vst.idx.add.f32.msk @!p1 $0xffff, v0  }
0x5e: {  	v1 =	vld @!p1 [tilespmem:$0x860];
	_ =	sdelay $0x7  }
0x5f: {  	[tilespmem:v1+s26+$0x0] =	vst.idx.add.f32.msk @!p1 $0xffff, v0  }
0x60: {  	v1 =	vld @!p1 [tilespmem:$0x870];
	_ =	sdelay $0x7  }
0x61: {  	s29 =	simm.s32 @!p1 $0x3;
	[tilespmem:v1+s26+$0x0] =	vst.idx.add.f32.msk @!p1 $0xffff, v0  }
0x62: {  	_ =	swait.ge @!p1 [sflag:s29], $0x4000  }
0x63: {  	s30 =	simm.s32 @!p1 $0x100;
	[sflag:s29] =	ssyncset.done @!p1 $0x0  }
0x64: {  	s31 =	simm.s32 @!p1 $0x1000;
	[sflag:s29] =	ssyncadd.s32 @!p1 $0xFFFFC000;
	s29 =	simm.s32 @!p1 $0x80  }
0x65: {  	[tilespmem:s31], [sflag:$0x1] =	stream.indirect.gather @!p1 [hbm4b:s1+s29], $0x80, s30, s29, $0xb8;
	[tilespmem:$0x1FD00] =	vst v63  }
0x66: {  	s30 =	simm.s32 @!p1 $0x2  }
0x67: {  	_ =	swait.ge @!p1 [sflag:s30], $0x4000  }
0x68: {  	[sflag:s30] =	ssyncset.done @!p1 $0x0  }
0x69: {  	s31 =	simm.s32 @!p1 $0x5000;
	[sflag:s30] =	ssyncadd.s32 @!p1 $0xFFFFC000;
	s30 =	simm.s32 @!p1 $0x880  }
0x6a: {  	[spmem:s2] =	stream.indirect.scatter.add.f32 @!p1 [tilespmem:s31], [sflag:$0x4], $0x80, s30, s29, $0xb8;
	[tilespmem:$0x1FD00] =	vst v63  }
0x6b: {  	v1 =	vld @!p1 [tilespmem:$0x880];
	_ =	sdelay $0x7  }
0x6c: {  	[tilespmem:v1+s26+$0x0] =	vst.idx.add.f32.msk @!p1 $0xffff, v0  }
0x6d: {  	v1 =	vld @!p1 [tilespmem:$0x890];
	_ =	sdelay $0x7  }
0x6e: {  	[tilespmem:v1+s26+$0x0] =	vst.idx.add.f32.msk @!p1 $0xffff, v0  }
0x6f: {  	v1 =	vld @!p1 [tilespmem:$0x8A0];
	_ =	sdelay $0x7  }
0x70: {  	[tilespmem:v1+s26+$0x0] =	vst.idx.add.f32.msk @!p1 $0xffff, v0  }
0x71: {  	v1 =	vld @!p1 [tilespmem:$0x8B0];
	_ =	sdelay $0x7  }
0x72: {  	[tilespmem:v1+s26+$0x0] =	vst.idx.add.f32.msk @!p1 $0xffff, v0  }
0x73: {  	v1 =	vld @!p1 [tilespmem:$0x8C0];
	_ =	sdelay $0x7  }
0x74: {  	[tilespmem:v1+s26+$0x0] =	vst.idx.add.f32.msk @!p1 $0xffff, v0  }
0x75: {  	v1 =	vld @!p1 [tilespmem:$0x8D0];
	_ =	sdelay $0x7  }
0x76: {  	[tilespmem:v1+s26+$0x0] =	vst.idx.add.f32.msk @!p1 $0xffff, v0  }
0x77: {  	v1 =	vld @!p1 [tilespmem:$0x8E0];
	_ =	sdelay $0x7  }
0x78: {  	[tilespmem:v1+s26+$0x0] =	vst.idx.add.f32.msk @!p1 $0xffff, v0  }
0x79: {  	v1 =	vld @!p1 [tilespmem:$0x8F0];
	_ =	sdelay $0x7  }
0x7a: {  	s29 =	simm.s32 $0x0;
	[tilespmem:v1+s26+$0x0] =	vst.idx.add.f32.msk @!p1 $0xffff, v0  }
.LBB2_3:
0x7b: {  	_ =	swait.ge [sflag:s19], $0x4000  }
0x7c: {  	s30 =	sshra.s32 s29, $0x2;
	[sflag:s19] =	ssyncset.done $0x0  }
0x7d: {  	s31 =	sadd.s32 $0x180, s30;
	[sflag:s19] =	ssyncadd.s32 $0xFFFFC000  }
0x7e: {  	[tilespmem:s17], [sflag:$0x2] =	stream.indirect.gather [hbm4b:s1+s15], $0x80, s31, s15, $0xb8;
	[tilespmem:$0x1FD00] =	vst v63  }
0x7f: {  	_ =	swait.ge [sflag:s18], $0x4000  }
0x80: {  	[sflag:s18] =	ssyncset.done $0x0  }
0x81: {  	s8 =	sadd.s32 $0x900, s30;
	[sflag:s18] =	ssyncadd.s32 $0xFFFFC000  }
0x82: {  	[spmem:s2] =	stream.indirect.scatter.add.f32 [tilespmem:s16], [sflag:$0x3], $0x80, s8, s15, $0xb8;
	[tilespmem:$0x1FD00] =	vst v63  }
0x83: {  	v1 =	vld @!p1 [tilespmem:s30+$0x900];
	_ =	sdelay $0x6  }
0x84: {  	s31 =	simm.s32 @!p1 $0x1D000  }
0x85: {  	s0 =	sshra.s32 @!p1 s29, $0x2;
	[tilespmem:v1+s31+$0x0] =	vst.idx.add.f32.msk @!p1 $0xffff, v0  }
0x86: {  	v1 =	vld @!p1 [tilespmem:s0+$0x910];
	_ =	sdelay $0x7  }
0x87: {  	[tilespmem:v1+s31+$0x0] =	vst.idx.add.f32.msk @!p1 $0xffff, v0  }
0x88: {  	v1 =	vld @!p1 [tilespmem:s0+$0x920];
	_ =	sdelay $0x7  }
0x89: {  	[tilespmem:v1+s31+$0x0] =	vst.idx.add.f32.msk @!p1 $0xffff, v0  }
0x8a: {  	v1 =	vld @!p1 [tilespmem:s0+$0x930];
	_ =	sdelay $0x7  }
0x8b: {  	[tilespmem:v1+s31+$0x0] =	vst.idx.add.f32.msk @!p1 $0xffff, v0  }
0x8c: {  	v1 =	vld @!p1 [tilespmem:s0+$0x940];
	_ =	sdelay $0x7  }
0x8d: {  	[tilespmem:v1+s31+$0x0] =	vst.idx.add.f32.msk @!p1 $0xffff, v0  }
0x8e: {  	v1 =	vld @!p1 [tilespmem:s0+$0x950];
	_ =	sdelay $0x7  }
0x8f: {  	[tilespmem:v1+s31+$0x0] =	vst.idx.add.f32.msk @!p1 $0xffff, v0  }
0x90: {  	v1 =	vld @!p1 [tilespmem:s0+$0x960];
	_ =	sdelay $0x7  }
0x91: {  	[tilespmem:v1+s31+$0x0] =	vst.idx.add.f32.msk @!p1 $0xffff, v0  }
0x92: {  	v1 =	vld @!p1 [tilespmem:s0+$0x970];
	_ =	sdelay $0x7  }
0x93: {  	[tilespmem:v1+s31+$0x0] =	vst.idx.add.f32.msk @!p1 $0xffff, v0  }
0x94: {  	p2 =	seq.s32 s29, $0x1800;
	_ =	swait.ge [sflag:s20], $0x4000  }
0x95: {  	s4 =	sshra.s32 @!p2 s29, $0x2;
	s14 =	simm.s32 @!p2 $0x80;
	[sflag:s20] =	ssyncset.done $0x0  }
0x96: {  	s4 =	sadd.s32 @!p2 $0x200, s4;
	s8 =	simm.s32 @!p2 $0x1000;
	[sflag:s20] =	ssyncadd.s32 $0xFFFFC000  }
0x97: {  	[tilespmem:s8], [sflag:$0x1] =	stream.indirect.gather @!p2 [hbm4b:s1+s14], $0x80, s4, s14, $0xb8;
	[tilespmem:$0x1FD00] =	vst v63  }
0x98: {  	_ =	swait.ge [sflag:s21], $0x4000  }
0x99: {  	[sflag:s21] =	ssyncset.done $0x0  }
0x9a: {  	s14 =	sadd.s32 $0x980, s30;
	[sflag:s21] =	ssyncadd.s32 $0xFFFFC000  }
0x9b: {  	[spmem:s2] =	stream.indirect.scatter.add.f32 [tilespmem:s17], [sflag:$0x4], $0x80, s14, s15, $0xb8;
	[tilespmem:$0x1FD00] =	vst v63  }
0x9c: {  	v1 =	vld @!p1 [tilespmem:s30+$0x980];
	_ =	sdelay $0x7  }
0x9d: {  	[tilespmem:v1+s31+$0x0] =	vst.idx.add.f32.msk @!p1 $0xffff, v0  }
0x9e: {  	v1 =	vld @!p1 [tilespmem:s0+$0x990];
	_ =	sdelay $0x7  }
0x9f: {  	[tilespmem:v1+s31+$0x0] =	vst.idx.add.f32.msk @!p1 $0xffff, v0  }
0xa0: {  	v1 =	vld @!p1 [tilespmem:s0+$0x9A0];
	_ =	sdelay $0x7  }
0xa1: {  	[tilespmem:v1+s31+$0x0] =	vst.idx.add.f32.msk @!p1 $0xffff, v0  }
0xa2: {  	v1 =	vld @!p1 [tilespmem:s0+$0x9B0];
	_ =	sdelay $0x7  }
0xa3: {  	[tilespmem:v1+s31+$0x0] =	vst.idx.add.f32.msk @!p1 $0xffff, v0  }
0xa4: {  	v1 =	vld @!p1 [tilespmem:s0+$0x9C0];
	_ =	sdelay $0x7  }
0xa5: {  	[tilespmem:v1+s31+$0x0] =	vst.idx.add.f32.msk @!p1 $0xffff, v0  }
0xa6: {  	v1 =	vld @!p1 [tilespmem:s0+$0x9D0];
	_ =	sdelay $0x7  }
0xa7: {  	[tilespmem:v1+s31+$0x0] =	vst.idx.add.f32.msk @!p1 $0xffff, v0  }
0xa8: {  	v1 =	vld @!p1 [tilespmem:s0+$0x9E0];
	_ =	sdelay $0x7  }
0xa9: {  	[tilespmem:v1+s31+$0x0] =	vst.idx.add.f32.msk @!p1 $0xffff, v0  }
0xaa: {  	v1 =	vld @!p1 [tilespmem:s0+$0x9F0];
	_ =	sdelay $0x1  }
0xab: {  	s29 =	sadd.s32 $0x400, s29  }
0xac: {  	p2 =	sne.s32 s29, $0x1C00  }
.Ltmp2:
0xad: {  	_ = 	snop;
	(pc) =	sbr.rel @p2 .LBB2_3-.Ltmp2, $2  }
0xae: {  	_ =	sdelay $0x2  }
0xaf: {  	[tilespmem:v1+s31+$0x0] =	vst.idx.add.f32.msk @!p1 $0xffff, v0  }
0xb0: {  	s28 =	sadd.s32 $0x1, s28  }
0xb1: {  	p2 =	sne.s32 s28, $0x5  }
.Ltmp3:
0xb2: {  	_ = 	snop;
	(pc) =	sbr.rel @p2 .LBB2_2-.Ltmp3, $4  }
0xb3: {  	_ = 	snop  }
0xb4: {  	_ =	swait.ge [sflag:s19], $0x4000  }
0xb5: {  	[sflag:s19] =	ssyncset.done $0x0  }
0xb6: {  	[sflag:s19] =	ssyncadd.s32 $0xFFFFC000  }
.Ltmp4:
0xb7: {  	(pc) =	sbr.rel @!p0 .LBB2_6-.Ltmp4, $1  }
0xb8: {  	_ =	sdelay $0x3  }
0xb9: {  	s0 =	simm.s32 $0x0;
	s4 =	rddreg [dreg:$0x6];
	s8 =	simm.s32 $0x1D000  }
0xba: {  	[hbm4b:s4+s0] =	stream.linear.scatter [tilespmem:s8], [sflag:$0x5], $0x2800, $0x38;
	[tilespmem:$0x1FD00] =	vst v63  }
0xbb: {  	_ =	swait.ge [sflag:s12], $0x2800  }
0xbc: {  	[sflag:s12] =	ssyncset.done $0x0  }
0xbd: {  	[sflag:s12] =	ssyncadd.s32 $0xFFFFD800  }
0xbe: {  	[bflag:$0x0] =	sbarrier.arrive $0xFFFF  }
0xbf: {  	s28 =	rddreg [dreg:$0x8]  }
0xc0: {  	[hbm:s28], [sflag:s11] =	dma.local [spmem:s24], $0x2800  }
0xc1: {  	_ =	swait.ge [sflag:s12], $0x2800  }
0xc2: {  	[sflag:s12] =	ssyncset.done $0x0  }
0xc3: {  	s30 =	simm.s32 $0x1F800;
	s29 =	rddreg [dreg:$0x7];
	[sflag:s12] =	ssyncadd.s32 $0xFFFFD800  }
0xc4: {  	[tilespmem:s30], [sflag:$0x5] =	stream.linear.gather [hbm4b:s29+s0], $0x280, $0x38;
	[tilespmem:$0x1FD00] =	vst v63  }
0xc5: {  	_ =	swait.ge [sflag:s12], $0x280  }
0xc6: {  	[sflag:s12] =	ssyncset.done $0x0  }
0xc7: {  	s31 =	rddreg [dreg:$0x9];
	[sflag:s12] =	ssyncadd.s32 $0xFFFFFD80  }
0xc8: {  	[tilespmem:s22], [sflag:$0x5] =	stream.linear.gather [hbm4b:s31+s0], $0x280, $0x38;
	[tilespmem:$0x1FD00] =	vst v63  }
0xc9: {  	_ =	swait.ge [sflag:s12], $0x280  }
0xca: {  	[sflag:s12] =	ssyncset.done $0x0  }
0xcb: {  	s24 =	simm.s32 $0x0;
	[sflag:s12] =	ssyncadd.s32 $0xFFFFFD80  }
0xcc: {  	s26 =	simm.s32 $0x40;
	v0 =	vld [tilespmem:s24+$0x1FA80]  }
.LBB2_8:
0xcd: {  	p2 =	sne.s32 s26, $0x9C0;
	v1 =	vld [tilespmem:s24+$0x1F800];
	_ =	sdelay $0x2  }
.Ltmp5:
0xce: {  	(pc) =	sbr.rel @p2 .LBB2_8-.Ltmp5, $4  }
0xcf: {  	_ = 	snop  }
0xd0: {  	v1 =	vadd.f32 v0, v1  }
0xd1: {  	s0 =	sshra.s32 s26, $0x2  }
0xd2: {  	s26 =	sadd.s32 $0x40, s26;
	v0 =	vld [tilespmem:s0+$0x1FA80];
	[tilespmem:s24+$0x1F800] =	vst v1;
	s24 =	smov.u32 s0  }
0xd3: {  	v1 =	vld [tilespmem:s24+$0x1F800];
	_ =	sdelay $0x4  }
0xd4: {  	v0 =	vadd.f32 v0, v1;
	_ =	sdelay $0x1  }
0xd5: {  	s0 =	simm.s32 $0x0;
	s4 =	rddreg [dreg:$0xa];
	[tilespmem:s24+$0x1F800] =	vst v0  }
0xd6: {  	[tilespmem:s22], [sflag:$0x5] =	stream.linear.gather [hbm4b:s4+s0], $0x280, $0x38;
	[tilespmem:$0x1FD00] =	vst v63  }
0xd7: {  	_ =	swait.ge [sflag:s12], $0x280  }
0xd8: {  	[sflag:s12] =	ssyncset.done $0x0  }
0xd9: {  	s24 =	simm.s32 $0x0;
	[sflag:s12] =	ssyncadd.s32 $0xFFFFFD80  }
0xda: {  	s26 =	simm.s32 $0x40;
	v0 =	vld [tilespmem:s24+$0x1FA80]  }
.LBB2_10:
0xdb: {  	p2 =	sne.s32 s26, $0x9C0;
	v1 =	vld [tilespmem:s24+$0x1F800];
	_ =	sdelay $0x2  }
.Ltmp6:
0xdc: {  	(pc) =	sbr.rel @p2 .LBB2_10-.Ltmp6, $4  }
0xdd: {  	_ = 	snop  }
0xde: {  	v1 =	vadd.f32 v0, v1  }
0xdf: {  	s0 =	sshra.s32 s26, $0x2  }
0xe0: {  	s26 =	sadd.s32 $0x40, s26;
	v0 =	vld [tilespmem:s0+$0x1FA80];
	[tilespmem:s24+$0x1F800] =	vst v1;
	s24 =	smov.u32 s0  }
0xe1: {  	v1 =	vld [tilespmem:s24+$0x1F800];
	_ =	sdelay $0x4  }
0xe2: {  	v0 =	vadd.f32 v0, v1;
	_ =	sdelay $0x1  }
0xe3: {  	s0 =	simm.s32 $0x0;
	s4 =	rddreg [dreg:$0xb];
	[tilespmem:s24+$0x1F800] =	vst v0  }
0xe4: {  	[tilespmem:s22], [sflag:$0x5] =	stream.linear.gather [hbm4b:s4+s0], $0x280, $0x38;
	[tilespmem:$0x1FD00] =	vst v63  }
0xe5: {  	_ =	swait.ge [sflag:s12], $0x280  }
0xe6: {  	[sflag:s12] =	ssyncset.done $0x0  }
0xe7: {  	s24 =	simm.s32 $0x0;
	[sflag:s12] =	ssyncadd.s32 $0xFFFFFD80  }
0xe8: {  	s26 =	simm.s32 $0x40;
	v0 =	vld [tilespmem:s24+$0x1FA80]  }
.LBB2_12:
0xe9: {  	p2 =	sne.s32 s26, $0x9C0;
	v1 =	vld [tilespmem:s24+$0x1F800];
	_ =	sdelay $0x2  }
.Ltmp7:
0xea: {  	(pc) =	sbr.rel @p2 .LBB2_12-.Ltmp7, $4  }
0xeb: {  	_ = 	snop  }
0xec: {  	v1 =	vadd.f32 v0, v1  }
0xed: {  	s0 =	sshra.s32 s26, $0x2  }
0xee: {  	s26 =	sadd.s32 $0x40, s26;
	v0 =	vld [tilespmem:s0+$0x1FA80];
	[tilespmem:s24+$0x1F800] =	vst v1;
	s24 =	smov.u32 s0  }
0xef: {  	v1 =	vld [tilespmem:s24+$0x1F800];
	_ =	sdelay $0x4  }
0xf0: {  	v0 =	vadd.f32 v0, v1;
	_ =	sdelay $0x1  }
0xf1: {  	s0 =	simm.s32 $0x0;
	s4 =	rddreg [dreg:$0xc];
	[tilespmem:s24+$0x1F800] =	vst v0  }
0xf2: {  	[tilespmem:s22], [sflag:$0x5] =	stream.linear.gather [hbm4b:s4+s0], $0x280, $0x38;
	[tilespmem:$0x1FD00] =	vst v63  }
0xf3: {  	_ =	swait.ge [sflag:s12], $0x280  }
0xf4: {  	[sflag:s12] =	ssyncset.done $0x0  }
0xf5: {  	s24 =	simm.s32 $0x0;
	[sflag:s12] =	ssyncadd.s32 $0xFFFFFD80  }
0xf6: {  	s26 =	simm.s32 $0x40;
	v0 =	vld [tilespmem:s24+$0x1FA80]  }
.LBB2_14:
0xf7: {  	p2 =	sne.s32 s26, $0x9C0;
	v1 =	vld [tilespmem:s24+$0x1F800];
	_ =	sdelay $0x2  }
.Ltmp8:
0xf8: {  	(pc) =	sbr.rel @p2 .LBB2_14-.Ltmp8, $4  }
0xf9: {  	_ = 	snop  }
0xfa: {  	v1 =	vadd.f32 v0, v1  }
0xfb: {  	s0 =	sshra.s32 s26, $0x2  }
0xfc: {  	s26 =	sadd.s32 $0x40, s26;
	v0 =	vld [tilespmem:s0+$0x1FA80];
	[tilespmem:s24+$0x1F800] =	vst v1;
	s24 =	smov.u32 s0  }
0xfd: {  	v1 =	vld [tilespmem:s24+$0x1F800];
	_ =	sdelay $0x4  }
0xfe: {  	v0 =	vadd.f32 v0, v1;
	_ =	sdelay $0x1  }
0xff: {  	s0 =	simm.s32 $0x0;
	s4 =	rddreg [dreg:$0xd];
	[tilespmem:s24+$0x1F800] =	vst v0  }
0x100: {  	[tilespmem:s22], [sflag:$0x5] =	stream.linear.gather [hbm4b:s4+s0], $0x280, $0x38;
	[tilespmem:$0x1FD00] =	vst v63  }
0x101: {  	_ =	swait.ge [sflag:s12], $0x280  }
0x102: {  	[sflag:s12] =	ssyncset.done $0x0  }
0x103: {  	s24 =	simm.s32 $0x0;
	[sflag:s12] =	ssyncadd.s32 $0xFFFFFD80  }
0x104: {  	s26 =	simm.s32 $0x40;
	v0 =	vld [tilespmem:s24+$0x1FA80]  }
.LBB2_16:
0x105: {  	p2 =	sne.s32 s26, $0x9C0;
	v1 =	vld [tilespmem:s24+$0x1F800];
	_ =	sdelay $0x2  }
.Ltmp9:
0x106: {  	(pc) =	sbr.rel @p2 .LBB2_16-.Ltmp9, $4  }
0x107: {  	_ = 	snop  }
0x108: {  	v1 =	vadd.f32 v0, v1  }
0x109: {  	s0 =	sshra.s32 s26, $0x2  }
0x10a: {  	s26 =	sadd.s32 $0x40, s26;
	v0 =	vld [tilespmem:s0+$0x1FA80];
	[tilespmem:s24+$0x1F800] =	vst v1;
	s24 =	smov.u32 s0  }
0x10b: {  	v1 =	vld [tilespmem:s24+$0x1F800];
	_ =	sdelay $0x4  }
0x10c: {  	v0 =	vadd.f32 v0, v1;
	_ =	sdelay $0x1  }
0x10d: {  	s0 =	simm.s32 $0x0;
	s4 =	rddreg [dreg:$0xe];
	[tilespmem:s24+$0x1F800] =	vst v0  }
0x10e: {  	[tilespmem:s22], [sflag:$0x5] =	stream.linear.gather [hbm4b:s4+s0], $0x280, $0x38;
	[tilespmem:$0x1FD00] =	vst v63  }
0x10f: {  	_ =	swait.ge [sflag:s12], $0x280  }
0x110: {  	[sflag:s12] =	ssyncset.done $0x0  }
0x111: {  	s24 =	simm.s32 $0x0;
	[sflag:s12] =	ssyncadd.s32 $0xFFFFFD80  }
0x112: {  	s26 =	simm.s32 $0x40;
	v0 =	vld [tilespmem:s24+$0x1FA80]  }
.LBB2_18:
0x113: {  	p2 =	sne.s32 s26, $0x9C0;
	v1 =	vld [tilespmem:s24+$0x1F800];
	_ =	sdelay $0x2  }
.Ltmp10:
0x114: {  	(pc) =	sbr.rel @p2 .LBB2_18-.Ltmp10, $4  }
0x115: {  	_ = 	snop  }
0x116: {  	v1 =	vadd.f32 v0, v1  }
0x117: {  	s0 =	sshra.s32 s26, $0x2  }
0x118: {  	s26 =	sadd.s32 $0x40, s26;
	v0 =	vld [tilespmem:s0+$0x1FA80];
	[tilespmem:s24+$0x1F800] =	vst v1;
	s24 =	smov.u32 s0  }
0x119: {  	v1 =	vld [tilespmem:s24+$0x1F800];
	_ =	sdelay $0x4  }
0x11a: {  	v0 =	vadd.f32 v0, v1;
	_ =	sdelay $0x1  }
0x11b: {  	s0 =	simm.s32 $0x0;
	s4 =	rddreg [dreg:$0xf];
	[tilespmem:s24+$0x1F800] =	vst v0  }
0x11c: {  	[tilespmem:s22], [sflag:$0x5] =	stream.linear.gather [hbm4b:s4+s0], $0x280, $0x38;
	[tilespmem:$0x1FD00] =	vst v63  }
0x11d: {  	_ =	swait.ge [sflag:s12], $0x280  }
0x11e: {  	[sflag:s12] =	ssyncset.done $0x0  }
0x11f: {  	s24 =	simm.s32 $0x0;
	[sflag:s12] =	ssyncadd.s32 $0xFFFFFD80  }
0x120: {  	s26 =	simm.s32 $0x40;
	v0 =	vld [tilespmem:s24+$0x1FA80]  }
.LBB2_20:
0x121: {  	p2 =	sne.s32 s26, $0x9C0;
	v1 =	vld [tilespmem:s24+$0x1F800];
	_ =	sdelay $0x2  }
.Ltmp11:
0x122: {  	(pc) =	sbr.rel @p2 .LBB2_20-.Ltmp11, $4  }
0x123: {  	_ = 	snop  }
0x124: {  	v1 =	vadd.f32 v0, v1  }
0x125: {  	s0 =	sshra.s32 s26, $0x2  }
0x126: {  	s26 =	sadd.s32 $0x40, s26;
	v0 =	vld [tilespmem:s0+$0x1FA80];
	[tilespmem:s24+$0x1F800] =	vst v1;
	s24 =	smov.u32 s0  }
0x127: {  	v1 =	vld [tilespmem:s24+$0x1F800];
	_ =	sdelay $0x4  }
0x128: {  	v0 =	vadd.f32 v0, v1;
	_ =	sdelay $0x1  }
0x129: {  	s0 =	simm.s32 $0x0;
	s4 =	rddreg [dreg:$0x10];
	[tilespmem:s24+$0x1F800] =	vst v0  }
0x12a: {  	[tilespmem:s22], [sflag:$0x5] =	stream.linear.gather [hbm4b:s4+s0], $0x280, $0x38;
	[tilespmem:$0x1FD00] =	vst v63  }
0x12b: {  	_ =	swait.ge [sflag:s12], $0x280  }
0x12c: {  	[sflag:s12] =	ssyncset.done $0x0  }
0x12d: {  	s24 =	simm.s32 $0x0;
	[sflag:s12] =	ssyncadd.s32 $0xFFFFFD80  }
0x12e: {  	s26 =	simm.s32 $0x40;
	v0 =	vld [tilespmem:s24+$0x1FA80]  }
.LBB2_22:
0x12f: {  	p2 =	sne.s32 s26, $0x9C0;
	v1 =	vld [tilespmem:s24+$0x1F800];
	_ =	sdelay $0x2  }
.Ltmp12:
0x130: {  	(pc) =	sbr.rel @p2 .LBB2_22-.Ltmp12, $4  }
0x131: {  	_ = 	snop  }
0x132: {  	v1 =	vadd.f32 v0, v1  }
0x133: {  	s0 =	sshra.s32 s26, $0x2  }
0x134: {  	s26 =	sadd.s32 $0x40, s26;
	v0 =	vld [tilespmem:s0+$0x1FA80];
	[tilespmem:s24+$0x1F800] =	vst v1;
	s24 =	smov.u32 s0  }
0x135: {  	v1 =	vld [tilespmem:s24+$0x1F800];
	_ =	sdelay $0x4  }
0x136: {  	v0 =	vadd.f32 v0, v1;
	_ =	sdelay $0x1  }
0x137: {  	s0 =	simm.s32 $0x0;
	s4 =	rddreg [dreg:$0x12];
	[tilespmem:s24+$0x1F800] =	vst v0  }
0x138: {  	[tilespmem:s22], [sflag:$0x5] =	stream.linear.gather [hbm4b:s4+s0], $0x280, $0x38;
	[tilespmem:$0x1FD00] =	vst v63  }
0x139: {  	_ =	swait.ge [sflag:s12], $0x280  }
0x13a: {  	[sflag:s12] =	ssyncset.done $0x0  }
0x13b: {  	s24 =	simm.s32 $0x0;
	[sflag:s12] =	ssyncadd.s32 $0xFFFFFD80  }
0x13c: {  	s26 =	simm.s32 $0x40;
	v0 =	vld [tilespmem:s24+$0x1FA80]  }
.LBB2_24:
0x13d: {  	p2 =	sne.s32 s26, $0x9C0;
	v1 =	vld [tilespmem:s24+$0x1F800];
	_ =	sdelay $0x2  }
.Ltmp13:
0x13e: {  	(pc) =	sbr.rel @p2 .LBB2_24-.Ltmp13, $4  }
0x13f: {  	_ = 	snop  }
0x140: {  	v1 =	vadd.f32 v0, v1  }
0x141: {  	s0 =	sshra.s32 s26, $0x2  }
0x142: {  	s26 =	sadd.s32 $0x40, s26;
	v0 =	vld [tilespmem:s0+$0x1FA80];
	[tilespmem:s24+$0x1F800] =	vst v1;
	s24 =	smov.u32 s0  }
0x143: {  	v1 =	vld [tilespmem:s24+$0x1F800];
	_ =	sdelay $0x4  }
0x144: {  	v0 =	vadd.f32 v0, v1;
	_ =	sdelay $0x1  }
0x145: {  	s0 =	simm.s32 $0x0;
	s4 =	rddreg [dreg:$0x13];
	[tilespmem:s24+$0x1F800] =	vst v0  }
0x146: {  	[tilespmem:s22], [sflag:$0x5] =	stream.linear.gather [hbm4b:s4+s0], $0x280, $0x38;
	[tilespmem:$0x1FD00] =	vst v63  }
0x147: {  	_ =	swait.ge [sflag:s12], $0x280  }
0x148: {  	[sflag:s12] =	ssyncset.done $0x0  }
0x149: {  	s24 =	simm.s32 $0x0;
	[sflag:s12] =	ssyncadd.s32 $0xFFFFFD80  }
0x14a: {  	s26 =	simm.s32 $0x40;
	v0 =	vld [tilespmem:s24+$0x1FA80]  }
.LBB2_26:
0x14b: {  	p2 =	sne.s32 s26, $0x9C0;
	v1 =	vld [tilespmem:s24+$0x1F800];
	_ =	sdelay $0x2  }
.Ltmp14:
0x14c: {  	(pc) =	sbr.rel @p2 .LBB2_26-.Ltmp14, $4  }
0x14d: {  	_ = 	snop  }
0x14e: {  	v1 =	vadd.f32 v0, v1  }
0x14f: {  	s0 =	sshra.s32 s26, $0x2  }
0x150: {  	s26 =	sadd.s32 $0x40, s26;
	v0 =	vld [tilespmem:s0+$0x1FA80];
	[tilespmem:s24+$0x1F800] =	vst v1;
	s24 =	smov.u32 s0  }
0x151: {  	v1 =	vld [tilespmem:s24+$0x1F800];
	_ =	sdelay $0x4  }
0x152: {  	v0 =	vadd.f32 v0, v1;
	_ =	sdelay $0x1  }
0x153: {  	s0 =	simm.s32 $0x0;
	s4 =	rddreg [dreg:$0x14];
	[tilespmem:s24+$0x1F800] =	vst v0  }
0x154: {  	[tilespmem:s22], [sflag:$0x5] =	stream.linear.gather [hbm4b:s4+s0], $0x280, $0x38;
	[tilespmem:$0x1FD00] =	vst v63  }
0x155: {  	_ =	swait.ge [sflag:s12], $0x280  }
0x156: {  	[sflag:s12] =	ssyncset.done $0x0  }
0x157: {  	s24 =	simm.s32 $0x0;
	[sflag:s12] =	ssyncadd.s32 $0xFFFFFD80  }
0x158: {  	s26 =	simm.s32 $0x40;
	v0 =	vld [tilespmem:s24+$0x1FA80]  }
.LBB2_28:
0x159: {  	p2 =	sne.s32 s26, $0x9C0;
	v1 =	vld [tilespmem:s24+$0x1F800];
	_ =	sdelay $0x2  }
.Ltmp15:
0x15a: {  	(pc) =	sbr.rel @p2 .LBB2_28-.Ltmp15, $4  }
0x15b: {  	_ = 	snop  }
0x15c: {  	v1 =	vadd.f32 v0, v1  }
0x15d: {  	s0 =	sshra.s32 s26, $0x2  }
0x15e: {  	s26 =	sadd.s32 $0x40, s26;
	v0 =	vld [tilespmem:s0+$0x1FA80];
	[tilespmem:s24+$0x1F800] =	vst v1;
	s24 =	smov.u32 s0  }
0x15f: {  	v1 =	vld [tilespmem:s24+$0x1F800];
	_ =	sdelay $0x4  }
0x160: {  	v0 =	vadd.f32 v0, v1;
	_ =	sdelay $0x1  }
0x161: {  	s0 =	simm.s32 $0x0;
	s4 =	rddreg [dreg:$0x15];
	[tilespmem:s24+$0x1F800] =	vst v0  }
0x162: {  	[tilespmem:s22], [sflag:$0x5] =	stream.linear.gather [hbm4b:s4+s0], $0x280, $0x38;
	[tilespmem:$0x1FD00] =	vst v63  }
0x163: {  	_ =	swait.ge [sflag:s12], $0x280  }
0x164: {  	[sflag:s12] =	ssyncset.done $0x0  }
0x165: {  	s24 =	simm.s32 $0x0;
	[sflag:s12] =	ssyncadd.s32 $0xFFFFFD80  }
0x166: {  	s26 =	simm.s32 $0x40;
	v0 =	vld [tilespmem:s24+$0x1FA80]  }
.LBB2_30:
0x167: {  	p2 =	sne.s32 s26, $0x9C0;
	v1 =	vld [tilespmem:s24+$0x1F800];
	_ =	sdelay $0x2  }
.Ltmp16:
0x168: {  	(pc) =	sbr.rel @p2 .LBB2_30-.Ltmp16, $4  }
0x169: {  	_ = 	snop  }
0x16a: {  	v1 =	vadd.f32 v0, v1  }
0x16b: {  	s0 =	sshra.s32 s26, $0x2  }
0x16c: {  	s26 =	sadd.s32 $0x40, s26;
	v0 =	vld [tilespmem:s0+$0x1FA80];
	[tilespmem:s24+$0x1F800] =	vst v1;
	s24 =	smov.u32 s0  }
0x16d: {  	v1 =	vld [tilespmem:s24+$0x1F800];
	_ =	sdelay $0x4  }
0x16e: {  	v0 =	vadd.f32 v0, v1;
	_ =	sdelay $0x1  }
0x16f: {  	s0 =	simm.s32 $0x0;
	s4 =	rddreg [dreg:$0x16];
	[tilespmem:s24+$0x1F800] =	vst v0  }
0x170: {  	[tilespmem:s22], [sflag:$0x5] =	stream.linear.gather [hbm4b:s4+s0], $0x280, $0x38;
	[tilespmem:$0x1FD00] =	vst v63  }
0x171: {  	_ =	swait.ge [sflag:s12], $0x280  }
0x172: {  	[sflag:s12] =	ssyncset.done $0x0  }
0x173: {  	s24 =	simm.s32 $0x0;
	[sflag:s12] =	ssyncadd.s32 $0xFFFFFD80  }
0x174: {  	s26 =	simm.s32 $0x40;
	v0 =	vld [tilespmem:s24+$0x1FA80]  }
.LBB2_32:
0x175: {  	p2 =	sne.s32 s26, $0x9C0;
	v1 =	vld [tilespmem:s24+$0x1F800];
	_ =	sdelay $0x2  }
.Ltmp17:
0x176: {  	(pc) =	sbr.rel @p2 .LBB2_32-.Ltmp17, $4  }
0x177: {  	_ = 	snop  }
0x178: {  	v1 =	vadd.f32 v0, v1  }
0x179: {  	s0 =	sshra.s32 s26, $0x2  }
0x17a: {  	s26 =	sadd.s32 $0x40, s26;
	v0 =	vld [tilespmem:s0+$0x1FA80];
	[tilespmem:s24+$0x1F800] =	vst v1;
	s24 =	smov.u32 s0  }
0x17b: {  	v1 =	vld [tilespmem:s24+$0x1F800];
	_ =	sdelay $0x4  }
0x17c: {  	v0 =	vadd.f32 v0, v1;
	_ =	sdelay $0x1  }
0x17d: {  	s0 =	simm.s32 $0x0;
	s4 =	rddreg [dreg:$0x17];
	[tilespmem:s24+$0x1F800] =	vst v0  }
0x17e: {  	[tilespmem:s22], [sflag:$0x5] =	stream.linear.gather [hbm4b:s4+s0], $0x280, $0x38;
	[tilespmem:$0x1FD00] =	vst v63  }
0x17f: {  	_ =	swait.ge [sflag:s12], $0x280  }
0x180: {  	[sflag:s12] =	ssyncset.done $0x0  }
0x181: {  	s24 =	simm.s32 $0x0;
	[sflag:s12] =	ssyncadd.s32 $0xFFFFFD80  }
0x182: {  	s26 =	simm.s32 $0x40;
	v0 =	vld [tilespmem:s24+$0x1FA80]  }
.LBB2_34:
0x183: {  	p2 =	sne.s32 s26, $0x9C0;
	v1 =	vld [tilespmem:s24+$0x1F800];
	_ =	sdelay $0x2  }
.Ltmp18:
0x184: {  	(pc) =	sbr.rel @p2 .LBB2_34-.Ltmp18, $4  }
0x185: {  	_ = 	snop  }
0x186: {  	v1 =	vadd.f32 v0, v1  }
0x187: {  	s0 =	sshra.s32 s26, $0x2  }
0x188: {  	s26 =	sadd.s32 $0x40, s26;
	v0 =	vld [tilespmem:s0+$0x1FA80];
	[tilespmem:s24+$0x1F800] =	vst v1;
	s24 =	smov.u32 s0  }
0x189: {  	v1 =	vld [tilespmem:s24+$0x1F800];
	_ =	sdelay $0x4  }
0x18a: {  	v0 =	vadd.f32 v0, v1;
	_ =	sdelay $0x1  }
0x18b: {  	s0 =	simm.s32 $0x0;
	s4 =	rddreg [dreg:$0x18];
	[tilespmem:s24+$0x1F800] =	vst v0  }
0x18c: {  	[tilespmem:s22], [sflag:$0x5] =	stream.linear.gather [hbm4b:s4+s0], $0x280, $0x38;
	[tilespmem:$0x1FD00] =	vst v63  }
0x18d: {  	_ =	swait.ge [sflag:s12], $0x280  }
0x18e: {  	[sflag:s12] =	ssyncset.done $0x0  }
0x18f: {  	s24 =	simm.s32 $0x0;
	[sflag:s12] =	ssyncadd.s32 $0xFFFFFD80  }
0x190: {  	s26 =	simm.s32 $0x40;
	v0 =	vld [tilespmem:s24+$0x1FA80]  }
.LBB2_36:
0x191: {  	p2 =	sne.s32 s26, $0x9C0;
	v1 =	vld [tilespmem:s24+$0x1F800];
	_ =	sdelay $0x2  }
.Ltmp19:
0x192: {  	(pc) =	sbr.rel @p2 .LBB2_36-.Ltmp19, $4  }
0x193: {  	_ = 	snop  }
0x194: {  	v1 =	vadd.f32 v0, v1  }
0x195: {  	s0 =	sshra.s32 s26, $0x2  }
0x196: {  	s26 =	sadd.s32 $0x40, s26;
	v0 =	vld [tilespmem:s0+$0x1FA80];
	[tilespmem:s24+$0x1F800] =	vst v1;
	s24 =	smov.u32 s0  }
0x197: {  	v1 =	vld [tilespmem:s24+$0x1F800];
	_ =	sdelay $0x4  }
0x198: {  	v0 =	vadd.f32 v0, v1;
	_ =	sdelay $0x1  }
.Ltmp20:
0x199: {  	s0 =	rddreg [dreg:$0x11];
	s4 =	simm.s32 $0x1F800;
	[tilespmem:s24+$0x1F800] =	vst v0;
	(pc) =	sbr.rel .LBB2_38-.Ltmp20, $4  }
0x19a: {  	[hbm4b:s0+s3] =	stream.linear.scatter [tilespmem:s4], [sflag:$0x5], $0x280, $0x38;
	[tilespmem:$0x1FD00] =	vst v63  }
0x19b: {  	_ =	swait.ge [sflag:s12], $0x280  }
0x19c: {  	[sflag:s12] =	ssyncset.done $0x0  }
0x19d: {  	[sflag:s12] =	ssyncadd.s32 $0xFFFFFD80  }
.LBB2_39:
0x19e: {  	_ =	sfence.sel $0x180000  }
0x19f: {  	[bflag:$0x0] =	sbarrier.arrive $0xFFFF  }
0x1a0: {  	_ =	strace $0x90000047  }
0x1a1: {  	s0 =	stileid.u32;
	[bflag:$0x2] =	sbarrier.arrive $0xFFFF  }
0x1a2: {  	p0 =	sne.s32 s0, $0x0;
	s0 =	rddreg [dreg:$0x3]  }
0x1a3: {  	s0 =	sadd.s32 @!p0 $0x100000, s0  }
0x1a4: {  	[sflag:s0] =	ssyncadd.tile.s32 @!p0 $0x1;
	_ =	shalt  }
.Lfunc_end2:
_tile_overlayer_lowered:
.L_overlay_start_2:
0x1a5: {  	(tag) =	ssettag $0x2  }
0x1a6: {  	s0 =	rddreg [dreg:$0x0];
	s2 =	stileid.u32  }
0x1a7: {  	s1 =	rddreg [dreg:$0x1];
	p0 =	sne.s32 s2, $0x0  }
0x1a8: {  	s3 =	rddreg [dreg:$0x2];
	[bflag:$0x3] =	sbarrier.arrive $0xFFFF;
	s2 =	simm.s32 @!p0 $0x1C05  }
0x1a9: {  	[timem:s3], [sflag:s2] =	dma.local @!p0 [hbm:s0], s1  }
0x1aa: {  	s0 =	simm.s32 @!p0 $0x5  }
0x1ab: {  	_ =	swait.ge @!p0 [sflag:s0], s1  }
0x1ac: {  	s1 =	ssub.s32 @!p0 $0x0, s1;
	[sflag:s0] =	ssyncset.done @!p0 $0x0  }
0x1ad: {  	[sflag:s0] =	ssyncadd.s32 @!p0 s1  }
0x1ae: {  	[bflag:$0x3] =	sbarrier.arrive $0xFFFF  }
0x1af: {  	_ =	shalt  }

// kernel: kernel.9.cloned.1.call-start
scs
__scs_entry_jumppad:
0x0: {  	(pc) =	sbr.rel $0x88, $3  }
0x1: {  	(tag) =	ssettag $0x0;
	lr =	simm.s32 $0x1  }
0x2: {  	[smem:$0x3F99] =	sst lr;
	_ =	strace $0xD0000000  }
0x3: {  	_ = 	snop  }
0x4: {  	_ = 	snop  }
0x5: {  	_ = 	snop  }
0x6: {  	_ = 	snop  }
0x7: {  	_ = 	snop  }
__scs_overlays_trampoline_lowered:
0x8: {  	[smem:$0x3FA8] =	sst s0  }
0x9: {  	[smem:$0x3FA9] =	sst s1  }
0xa: {  	[smem:$0x3FAA] =	sst s2  }
0xb: {  	[smem:$0x3FAB] =	sst s3  }
0xc: {  	[smem:$0x3FAC] =	sst s4  }
0xd: {  	[smem:$0x3FAD] =	sst s5  }
0xe: {  	[smem:$0x3FAE] =	sst s6  }
0xf: {  	[smem:$0x3FAF] =	sst s7  }
0x10: {  	[smem:$0x3FB0] =	sst s8  }
0x11: {  	[smem:$0x3FB1] =	sst s9;
	s0 =	simm.s32 @!p0 $0x0  }
0x12: {  	s1 =	sld [smem:$0x3F97];
	s0 =	simm.s32 @p0 $0x1  }
0x13: {  	[smem:$0x3FB2] =	sst s0;
	s0 =	simm.s32 @!p1 $0x0  }
0x14: {  	s2 =	sld [smem:$0x3F96];
	s0 =	simm.s32 @p1 $0x1  }
0x15: {  	[smem:$0x3FB3] =	sst s0;
	s0 =	simm.s32 @!p2 $0x0  }
0x16: {  	s3 =	sld [smem:$0x3FDB];
	s0 =	simm.s32 @p2 $0x1  }
0x17: {  	s4 =	simm.s32 $0x1BF5;
	[smem:$0x3FB5] =	sst s0  }
0x18: {  	s0 =	sld [smem:$0x3F98];
	_ =	swait.ge [sflag:s4], $0x0  }
0x19: {  	s7 =	sld [smem:$0x3F99]  }
0x1a: {  	s8 =	sadd.s32 $0xFFFFE003, lr  }
0x1b: {  	s9 =	sadd.s32 $0xFFFFFEF7, lr;
	s5 =	simm.s32 $0xFFFFFFFF;
	p2 =	slt.u32 s8, $0xFFFFF086  }
0x1c: {  	p1 =	slt.u32 s9, $0xF7A;
	s5 =	simm.s32 @!p2 $0x0  }
0x1d: {  	s5 =	simm.s32 @p1 $0x1;
	p0 =	seq.s32 s7, s2  }
0x1e: {  	s7 =	smul.u32 @!p0 $0xF7A, s2;
	p2 =	seq.s32 @!p0 s5, $0x0  }
0x1f: {  	s9 =	smul.u32 $0xF7A, s1;
	s8 =	simm.s32 @!p0 $0x1BF5;
	p2 =	por !p2, p0  }
0x20: {  	[sflag:s8] =	ssyncset.s32 @!p0 $0xFFFFF086;
	s6 =	sadd.s32 @!p0 s3, s7;
	s7 =	simm.s32 @!p0 $0x108  }
0x21: {  	s3 =	sadd.s32 s3, s9;
	s6 =	sadd.s32 @!p0 $0x88, s6;
	s7 =	simm.s32 @p2 $0x1082  }
0x22: {  	[simem:s7], [sflag:s8] =	dma.local @!p0 [hbm:s6], $0xF7A  }
0x23: {  	s9 =	sor.u32 $0xD0000000, s2;
	s6 =	simm.s32 $0x108;
	_ =	swait.ge @!p0 [sflag:s8], $0x0  }
0x24: {  	s3 =	sadd.s32 $0x88, s3;
	s6 =	simm.s32 @!p1 $0x1082;
	[sflag:s4] =	ssyncset.s32 $0xFFFFF086  }
0x25: {  	[simem:s6], [sflag:s4] =	dma.local [hbm:s3], $0xF7A  }
0x26: {  	[smem:$0x3F99] =	sst s1;
	(tag) =	ssettag s2;
	_ =	strace s9  }
0x27: {  	s1 =	sld [smem:$0x3FA9]  }
0x28: {  	s2 =	sld [smem:$0x3FAA]  }
0x29: {  	s4 =	sld [smem:$0x3FAC]  }
0x2a: {  	p0 =	seq.s32 s5, $0x0;
	s5 =	sld [smem:$0x3FAD]  }
0x2b: {  	s6 =	sld [smem:$0x3FAE]  }
0x2c: {  	s7 =	sld [smem:$0x3FAF]  }
0x2d: {  	s3 =	simm.s32 $0x108;
	s8 =	sld [smem:$0x3FB0]  }
0x2e: {  	s3 =	simm.s32 @!p0 $0x1082;
	s9 =	sld [smem:$0x3FB1]  }
0x2f: {  	lr =	sadd.s32 s0, s3;
	s0 =	sld [smem:$0x3FA8]  }
0x30: {  	s3 =	sld [smem:$0x3FAB]  }
0x31: {  	[smem:$0x3FB4] =	sst s10  }
0x32: {  	s10 =	sld [smem:$0x3FB2];
	_ =	sdelay $0x3  }
0x33: {  	p0 =	seq.s32 s10, $0x1;
	s10 =	sld [smem:$0x3FB4];
	_ =	sdelay $0x3  }
0x34: {  	[smem:$0x3FB4] =	sst s10  }
0x35: {  	s10 =	sld [smem:$0x3FB3];
	_ =	sdelay $0x3  }
0x36: {  	p1 =	seq.s32 s10, $0x1;
	s10 =	sld [smem:$0x3FB4];
	_ =	sdelay $0x3  }
0x37: {  	[smem:$0x3FB4] =	sst s10  }
0x38: {  	s10 =	sld [smem:$0x3FB5]  }
0x39: {  	_ = 	snop;
	(pc) =	sbr.ind lr, $3  }
0x3a: {  	_ = 	snop  }
0x3b: {  	_ = 	snop  }
0x3c: {  	p2 =	seq.s32 s10, $0x1;
	s10 =	sld [smem:$0x3FB4]  }
0x3d: {  	_ =	shalt  }
0x3e: {  	_ =	shalt  }
0x3f: {  	_ =	shalt  }
0x40: {  	_ =	shalt  }
0x41: {  	_ =	shalt  }
0x42: {  	_ =	shalt  }
0x43: {  	_ =	shalt  }
0x44: {  	_ =	shalt  }
0x45: {  	_ =	shalt  }
0x46: {  	_ =	shalt  }
0x47: {  	_ =	shalt  }
0x48: {  	_ =	shalt  }
0x49: {  	_ =	shalt  }
0x4a: {  	_ =	shalt  }
0x4b: {  	_ =	shalt  }
0x4c: {  	_ =	shalt  }
0x4d: {  	_ =	shalt  }
0x4e: {  	_ =	shalt  }
0x4f: {  	_ =	shalt  }
0x50: {  	_ =	shalt  }
0x51: {  	_ =	shalt  }
0x52: {  	_ =	shalt  }
0x53: {  	_ =	shalt  }
0x54: {  	_ =	shalt  }
0x55: {  	_ =	shalt  }
0x56: {  	_ =	shalt  }
0x57: {  	_ =	shalt  }
0x58: {  	_ =	shalt  }
0x59: {  	_ =	shalt  }
0x5a: {  	_ =	shalt  }
0x5b: {  	_ =	shalt  }
0x5c: {  	_ =	shalt  }
0x5d: {  	_ =	shalt  }
0x5e: {  	_ =	shalt  }
0x5f: {  	_ =	shalt  }
0x60: {  	_ =	shalt  }
0x61: {  	_ =	shalt  }
0x62: {  	_ =	shalt  }
0x63: {  	_ =	shalt  }
0x64: {  	_ =	shalt  }
0x65: {  	_ =	shalt  }
0x66: {  	_ =	shalt  }
0x67: {  	_ =	shalt  }
0x68: {  	_ =	shalt  }
0x69: {  	_ =	shalt  }
0x6a: {  	_ =	shalt  }
0x6b: {  	_ =	shalt  }
0x6c: {  	_ =	shalt  }
0x6d: {  	_ =	shalt  }
0x6e: {  	_ =	shalt  }
0x6f: {  	_ =	shalt  }
0x70: {  	_ =	shalt  }
0x71: {  	_ =	shalt  }
0x72: {  	_ =	shalt  }
0x73: {  	_ =	shalt  }
0x74: {  	_ =	shalt  }
0x75: {  	_ =	shalt  }
0x76: {  	_ =	shalt  }
0x77: {  	_ =	shalt  }
0x78: {  	_ =	shalt  }
0x79: {  	_ =	shalt  }
0x7a: {  	_ =	shalt  }
0x7b: {  	_ =	shalt  }
0x7c: {  	_ =	shalt  }
0x7d: {  	_ =	shalt  }
0x7e: {  	_ =	shalt  }
0x7f: {  	_ =	shalt  }
0x80: {  	_ =	shalt  }
0x81: {  	_ =	shalt  }
0x82: {  	_ =	shalt  }
0x83: {  	_ =	shalt  }
0x84: {  	_ =	shalt  }
0x85: {  	_ =	shalt  }
0x86: {  	_ =	shalt  }
0x87: {  	_ =	shalt  }
.Lfunc_end0:
.L_simem_size_0:
called_computation.1_lowered:
.L_overlay_start_0:
0x88: {  	s2 =	sld [smem:$0x3FD9]  }
0x89: {  	s3 =	sld [smem:$0x3FFE];
	_ =	sdelay $0x1  }
0x8a: {  	s1 =	srdreg.scid  }
0x8b: {  	s0 =	sand.u32 $0x1, s1  }
0x8c: {  	s17 =	sshll.u32 s0, $0xA;
	s2 =	sadd.s32 s3, s2  }
0x8d: {  	s2 =	sadd.s32 s2, s17  }
0x8e: {  	[smem:$0x3FC0] =	sst s2  }
0x8f: {  	_ = 	snop  }
0x90: {  	s2 =	sld [smem:$0x3FD0];
	(tm) =	ssettm $0x1  }
0x91: {  	s18 =	sld [smem:$0x3FFB];
	_ =	sdelay $0x3  }
0x92: {  	_ =	strace s18  }
0x93: {  	s3 =	sld [smem:$0x3FFC];
	_ =	sdelay $0x3  }
0x94: {  	_ =	strace s3  }
0x95: {  	s3 =	sld [smem:$0x3FFD];
	_ =	sdelay $0x3  }
0x96: {  	_ =	strace s3  }
0x97: {  	_ =	strace $0x8FFFFFFF  }
0x98: {  	s19 =	sld [smem:$0x3FDB];
	_ =	sdelay $0x1  }
0x99: {  	s4 =	simm.s32 $_scs_section_size  }
0x9a: {  	s5 =	simm.s32 $_size__tile_overlayer_lowered;
	s6 =	simm.s32 $_tile_overlayer_lowered  }
0x9b: {  	s22 =	simm.s32 $0x1BFF;
	s21 =	sshll.u32 s6, $0x1;
	s3 =	sadd.s32 s4, s19  }
0x9c: {  	s7 =	simm.s32 $0x0;
	s20 =	sshll.u32 s5, $0x1;
	s5 =	sadd.s32 s21, s3  }
0x9d: {  	[timem:s7], [sflag:s22] =	dma.local [hbm:s5], s20  }
0x9e: {  	_ =	swait.ge [sflag:s22], s20  }
0x9f: {  	s4 =	ssub.s32 $0x0, s20;
	[sflag:s22] =	ssyncset.done $0x0  }
0xa0: {  	[sflag:s22] =	ssyncadd.s32 s4;
	_ =	sdelay $0x1  }
0xa1: {  	s23 =	simm.s32 $0x1B8B  }
0xa2: {  	_ =	swait.ge [sflag:s23], $0x1  }
0xa3: {  	[sflag:s23] =	ssyncset.done $0x0  }
0xa4: {  	s25 =	simm.s32 $0x1B8E;
	s24 =	sld [smem:$0x3FFE];
	[sflag:s23] =	ssyncadd.s32 $0xFFFFFFFF  }
0xa5: {  	s26 =	simm.s32 $execute0_lowered;
	[smem:$0x3FD2] =	sst s25  }
0xa6: {  	s5 =	sshll.u32 s26, $0x1;
	_ =	strace $0x80000049;
	[dreg:$0x1] =	wrdreg $0xFFFFFFFF  }
0xa7: {  	s28 =	simm.s32 $_size_execute0_lowered;
	s3 =	sadd.s32 s3, s5;
	[dreg:$0x0] =	wrdreg $0x0  }
0xa8: {  	s5 =	sshll.u32 s28, $0x1;
	[dreg:$0x2] =	wrdreg s3  }
0xa9: {  	[dreg:$0x3] =	wrdreg s5  }
0xaa: {  	[dreg:$0x4] =	wrdreg $0xC0  }
0xab: {  	_ =	task [dreg:s7], $0x5FFFF  }
0xac: {  	[dreg:$0x1] =	wrdreg $0xFFFFFFFF  }
0xad: {  	[dreg:$0x0] =	wrdreg $0x60  }
0xae: {  	[dreg:$0x2] =	wrdreg s2  }
0xaf: {  	[dreg:$0x3] =	wrdreg s24  }
0xb0: {  	[dreg:$0x4] =	wrdreg $0x90000  }
0xb1: {  	[dreg:$0x5] =	wrdreg $0x9  }
0xb2: {  	_ =	task.clear_ibuf [dreg:s7], $0x6FFFF;
	_ =	strace $0x90000049  }
0xb3: {  	s29 =	simm.s32 $0x9;
	_ =	strace $0x8000004B  }
0xb4: {  	_ =	swait.ge [sflag:s29], $0x1  }
0xb5: {  	[sflag:s29] =	ssyncadd.s32 $0xFFFFFFFF  }
0xb6: {  	_ =	strace $0x9000004B  }
0xb7: {  	_ =	sfence  }
0xb8: {  	s30 =	sld [smem:$0x0];
	_ =	sdelay $0x2  }
0xb9: {  	s31 =	sshll.u32 s1, $0xD;
	s1 =	sshrl.u32 s1, $0x2  }
0xba: {  	s3 =	sand.u32 $0x4000, s31;
	s1 =	sadd.s32 s1, s30  }
0xbb: {  	s0 =	sor.u32 s3, s0;
	s1 =	sshll.u32 s1, $0x11  }
0xbc: {  	s0 =	sor.u32 s1, s0  }
0xbd: {  	s0 =	sadd.s32 $0x8F2B, s0  }
0xbe: {  	[sflag:s0] =	ssyncadd.remote.s32 $0x1  }
0xbf: {  	_ =	sfence.sel $0xFFFF  }
0xc0: {  	[dreg:$0x0] =	wrdreg $0xFFFFFFFF;
	(pc) =	sbr.abs _section_cstart, $3  }
0xc1: {  	[dreg:$0x1] =	wrdreg $0xFFFFFFFF  }
0xc2: {  	_ =	task.clear_ibuf [dreg:s7], $0x2FFFF;
	_ =	strace $0x9FFFFFFF  }
0xc3: {  	(tm) =	ssettm $0x7FFFFFFF  }
tec
execute0_lowered:
.L_overlay_start_1:
0x0: {  	(tag) =	ssettag $0x1  }
0x1: {  	s1 =	rddreg [dreg:$0x0]  }
0x2: {  	s0 =	rddreg [dreg:$0x1]  }
0x3: {  	s3 =	rddreg [dreg:$0x2]  }
0x4: {  	s2 =	simm.s32 $0x0;
	s10 =	stileid.u32;
	s4 =	srdreg.scid  }
0x5: {  	s14 =	simm.s32 $0x880;
	[smem:$0x7FF] =	sst s2;
	s7 =	sadd.s32 $0x34C00, s0  }
0x6: {  	s15 =	simm.s32 $0x900;
	_ =	strace $0x8000004A;
	[dreg:$0x15] =	wrdreg s7  }
0x7: {  	s16 =	simm.s32 $0x980;
	s17 =	simm.s32 $0xA00;
	[dreg:$0x6] =	wrdreg s14  }
0x8: {  	s18 =	simm.s32 $0xA80;
	s19 =	simm.s32 $0xB00;
	[dreg:$0x7] =	wrdreg s15  }
0x9: {  	s21 =	simm.s32 $0xB80;
	s22 =	simm.s32 $0xC00;
	[dreg:$0x8] =	wrdreg s16  }
0xa: {  	s23 =	simm.s32 $0xC80;
	s24 =	simm.s32 $0xD00;
	[dreg:$0x9] =	wrdreg s17  }
0xb: {  	s25 =	simm.s32 $0xD80;
	s26 =	simm.s32 $0xE00;
	[dreg:$0xa] =	wrdreg s18  }
0xc: {  	s28 =	simm.s32 $0xE80;
	s30 =	simm.s32 $0xF00;
	[dreg:$0xb] =	wrdreg s19  }
0xd: {  	s31 =	simm.s32 $0xF80;
	s29 =	simm.s32 $0x0;
	[dreg:$0xc] =	wrdreg s21  }
0xe: {  	s9 =	smul.u32 $0x500, s10;
	s5 =	sadd.s32 $0x2C00, s0;
	[dreg:$0xd] =	wrdreg s22  }
0xf: {  	s4 =	sand.u32 $0x1, s4;
	s6 =	smul.u32 $0x50000, s10;
	[dreg:$0xe] =	wrdreg s23  }
0x10: {  	s12 =	smul.u32 $0x2800, s10;
	s11 =	ssub.s32 $0x2, s4;
	[dreg:$0xf] =	wrdreg s24  }
0x11: {  	p0 =	seq.s32 s4, $0x1;
	s14 =	simm.s32 $0x80;
	[dreg:$0x10] =	wrdreg s25  }
0x12: {  	s15 =	simm.s32 $0x1000;
	s16 =	simm.s32 $0x3;
	[dreg:$0x11] =	wrdreg s26  }
0x13: {  	p1 =	seq.s32 s4, $0x0;
	s17 =	simm.s32 $0x2;
	[dreg:$0x12] =	wrdreg s28  }
0x14: {  	s18 =	simm.s32 $0x5000;
	[dreg:$0x13] =	wrdreg s30;
	s19 =	simm.s32 $0x4  }
0x15: {  	[dreg:$0x14] =	wrdreg s31;
	s2 =	sadd.s32 s9, s0;
	s8 =	sshrl.u32 s11, $0x1  }
0x16: {  	s6 =	sshrl.u32 s6, $0x2;
	s9 =	sshll.u32 s10, $0x6;
	s7 =	ssub.s32 s11, s8  }
0x17: {  	s6 =	sadd.s32 s6, s3;
	s20 =	sor.u32 $0x1C05, s9;
	s13 =	sadd.s32 $0x2FC00, s2  }
0x18: {  	s2 =	sadd.s32 $0x2AC00, s2;
	s7 =	smax.u32 s7, $0x1;
	[dreg:$0x4] =	wrdreg s13  }
0x19: {  	s11 =	simm.s32 $0x5;
	[dreg:$0x17] =	wrdreg s7;
	s7 =	simm.s32 $0x5FA00  }
0x1a: {  	[dreg:$0x5] =	wrdreg s2;
	s2 =	sshrl.u32 s6, $0x3;
	s7 =	simm.s32 @!p0 $0x37A00  }
0x1b: {  	s13 =	simm.s32 $0x1;
	[dreg:$0x16] =	wrdreg s20;
	s0 =	sadd.s32 s7, s0  }
0x1c: {  	[dreg:$0x19] =	wrdreg s2;
	p0 =	sne.s32 s4, $0x0;
	s0 =	sadd.s32 s0, s12  }
0x1d: {  	s4 =	simm.s32 $0x0;
	s12 =	simm.s32 $0x800;
	[dreg:$0x18] =	wrdreg s0  }
.LBB2_1:
0x1e: {  	[dreg:$0x1a] =	wrdreg s4  }
0x1f: {  	s0 =	rddreg [dreg:$0x15]  }
0x20: {  	[spmem:s2], [sflag:s20] =	dma.local [hbm:s0], $0x2800  }
0x21: {  	_ =	swait.ge [sflag:s11], $0x2800  }
0x22: {  	[sflag:s11] =	ssyncset.done $0x0  }
0x23: {  	[sflag:s11] =	ssyncadd.s32 $0xFFFFD800  }
0x24: {  	[bflag:$0x0] =	sbarrier.arrive $0xFFFF  }
0x25: {  	s4 =	rddreg [dreg:$0x5]  }
0x26: {  	s6 =	simm.s32 $0x0;
	s0 =	sadd.s32 $0x0, s4  }
0x27: {  	[tilespmem:s6], [sflag:$0x5] =	stream.linear.gather [hbm4b:s0+s6], $0x800, $0x38;
	[tilespmem:$0x1D000] =	vst v63  }
0x28: {  	_ =	swait.ge [sflag:s11], $0x800  }
0x29: {  	s7 =	rddreg [dreg:$0x4];
	[sflag:s11] =	ssyncset.done $0x0  }
0x2a: {  	[sflag:s11] =	ssyncadd.s32 $0xFFFFF800;
	s0 =	sadd.s32 $0x0, s7  }
0x2b: {  	[tilespmem:s12], [sflag:$0x5] =	stream.linear.gather [hbm4b:s0+s6], $0x800, $0x38;
	[tilespmem:$0x1D000] =	vst v63  }
0x2c: {  	_ =	swait.ge [sflag:s11], $0x800  }
0x2d: {  	s21 =	simm.s32 @p0 $0x1000;
	[sflag:s11] =	ssyncset.done $0x0  }
0x2e: {  	s22 =	simm.s32 @p0 $0x80;
	s0 =	simm.s32 @p0 $0x0;
	[sflag:s11] =	ssyncadd.s32 $0xFFFFF800  }
0x2f: {  	[tilespmem:s21], [sflag:$0x1] =	stream.indirect.gather @p0 [hbm4b:s5+s22], $0x80, s0, s22, $0xb8;
	[tilespmem:$0x1D000] =	vst v63  }
0x30: {  	s0 =	simm.s32 @p0 $0x5000  }
0x31: {  	[tilespmem:s0], [sflag:$0x2] =	stream.indirect.gather @p0 [hbm4b:s5+s22], $0x80, s22, s22, $0xb8;
	[tilespmem:$0x1D000] =	vst v63  }
0x32: {  	s25 =	simm.s32 @!p0 $0x80;
	s28 =	simm.s32 @!p0 $0x1000;
	s0 =	simm.s32 @!p0 $0x0  }
0x33: {  	[tilespmem:s28], [sflag:$0x1] =	stream.indirect.gather @!p0 [hbm4b:s1+s25], $0x80, s0, s25, $0xb8;
	[tilespmem:$0x1D000] =	vst v63  }
0x34: {  	s0 =	simm.s32 @!p0 $0x5000  }
0x35: {  	[tilespmem:s0], [sflag:$0x2] =	stream.indirect.gather @!p0 [hbm4b:s1+s25], $0x80, s25, s25, $0xb8;
	[tilespmem:$0x1D000] =	vst v63  }
0x36: {  	_ =	swait.ge [sflag:s13], $0x4000  }
0x37: {  	[sflag:s13] =	ssyncset.done $0x0  }
0x38: {  	[sflag:s13] =	ssyncadd.s32 $0xFFFFC000  }
0x39: {  	[spmem:s3] =	stream.indirect.scatter.add.f32 [tilespmem:s15], [sflag:$0x3], $0x80, s12, s14, $0xb8;
	[tilespmem:$0x1D000] =	vst v63  }
0x3a: {  	_ =	swait.ge [sflag:s16], $0x4000  }
0x3b: {  	[sflag:s16] =	ssyncset.done $0x0  }
0x3c: {  	s0 =	simm.s32 @p0 $0x100;
	[sflag:s16] =	ssyncadd.s32 $0xFFFFC000  }
0x3d: {  	[tilespmem:s21], [sflag:$0x1] =	stream.indirect.gather @p0 [hbm4b:s5+s22], $0x80, s0, s22, $0xb8;
	[tilespmem:$0x1D000] =	vst v63  }
0x3e: {  	s0 =	simm.s32 @!p0 $0x100  }
0x3f: {  	[tilespmem:s28], [sflag:$0x1] =	stream.indirect.gather @!p0 [hbm4b:s1+s25], $0x80, s0, s25, $0xb8;
	[tilespmem:$0x1D000] =	vst v63  }
0x40: {  	_ =	swait.ge [sflag:s17], $0x4000  }
0x41: {  	[sflag:s17] =	ssyncset.done $0x0  }
0x42: {  	s8 =	rddreg [dreg:$0x6];
	[sflag:s17] =	ssyncadd.s32 $0xFFFFC000  }
0x43: {  	[spmem:s3] =	stream.indirect.scatter.add.f32 [tilespmem:s18], [sflag:$0x4], $0x80, s8, s14, $0xb8;
	[tilespmem:$0x1D000] =	vst v63  }
0x44: {  	_ =	swait.ge [sflag:s19], $0x4000  }
0x45: {  	s2 =	simm.s32 @p1 $0x80;
	[sflag:s19] =	ssyncset.done $0x0  }
0x46: {  	s4 =	simm.s32 @p1 $0x180;
	s0 =	simm.s32 @p1 $0x5000;
	[sflag:s19] =	ssyncadd.s32 $0xFFFFC000  }
0x47: {  	[tilespmem:s0], [sflag:$0x2] =	stream.indirect.gather @p1 [hbm4b:s1+s2], $0x80, s4, s2, $0xb8;
	[tilespmem:$0x1D000] =	vst v63  }
0x48: {  	s7 =	simm.s32 @!p1 $0x5000;
	s8 =	simm.s32 @!p1 $0x80;
	s4 =	simm.s32 @!p1 $0x180  }
0x49: {  	[tilespmem:s7], [sflag:$0x2] =	stream.indirect.gather @!p1 [hbm4b:s5+s8], $0x80, s4, s8, $0xb8;
	[tilespmem:$0x1D000] =	vst v63  }
0x4a: {  	_ =	swait.ge [sflag:s13], $0x4000  }
0x4b: {  	[sflag:s13] =	ssyncset.done $0x0  }
0x4c: {  	s9 =	rddreg [dreg:$0x7];
	[sflag:s13] =	ssyncadd.s32 $0xFFFFC000  }
0x4d: {  	[spmem:s3] =	stream.indirect.scatter.add.f32 [tilespmem:s15], [sflag:$0x3], $0x80, s9, s14, $0xb8;
	[tilespmem:$0x1D000] =	vst v63  }
0x4e: {  	_ =	swait.ge [sflag:s16], $0x4000  }
0x4f: {  	[sflag:s16] =	ssyncset.done $0x0  }
0x50: {  	s20 =	simm.s32 @p1 $0x1000;
	s4 =	simm.s32 @p1 $0x200;
	[sflag:s16] =	ssyncadd.s32 $0xFFFFC000  }
0x51: {  	[tilespmem:s20], [sflag:$0x1] =	stream.indirect.gather @p1 [hbm4b:s1+s2], $0x80, s4, s2, $0xb8;
	[tilespmem:$0x1D000] =	vst v63  }
0x52: {  	s24 =	simm.s32 @!p1 $0x1000;
	s4 =	simm.s32 @!p1 $0x200  }
0x53: {  	[tilespmem:s24], [sflag:$0x1] =	stream.indirect.gather @!p1 [hbm4b:s5+s8], $0x80, s4, s8, $0xb8;
	[tilespmem:$0x1D000] =	vst v63  }
0x54: {  	_ =	swait.ge [sflag:s17], $0x4000  }
0x55: {  	[sflag:s17] =	ssyncset.done $0x0  }
0x56: {  	s10 =	rddreg [dreg:$0x8];
	[sflag:s17] =	ssyncadd.s32 $0xFFFFC000  }
0x57: {  	[spmem:s3] =	stream.indirect.scatter.add.f32 [tilespmem:s18], [sflag:$0x4], $0x80, s10, s14, $0xb8;
	[tilespmem:$0x1D000] =	vst v63  }
0x58: {  	_ =	swait.ge [sflag:s19], $0x4000  }
0x59: {  	[sflag:s19] =	ssyncset.done $0x0  }
0x5a: {  	s4 =	simm.s32 @p1 $0x280;
	[sflag:s19] =	ssyncadd.s32 $0xFFFFC000  }
0x5b: {  	[tilespmem:s0], [sflag:$0x2] =	stream.indirect.gather @p1 [hbm4b:s1+s2], $0x80, s4, s2, $0xb8;
	[tilespmem:$0x1D000] =	vst v63  }
0x5c: {  	s4 =	simm.s32 @!p1 $0x280  }
0x5d: {  	[tilespmem:s7], [sflag:$0x2] =	stream.indirect.gather @!p1 [hbm4b:s5+s8], $0x80, s4, s8, $0xb8;
	[tilespmem:$0x1D000] =	vst v63  }
0x5e: {  	_ =	swait.ge [sflag:s13], $0x4000  }
0x5f: {  	[sflag:s13] =	ssyncset.done $0x0  }
0x60: {  	s23 =	rddreg [dreg:$0x9];
	[sflag:s13] =	ssyncadd.s32 $0xFFFFC000  }
0x61: {  	[spmem:s3] =	stream.indirect.scatter.add.f32 [tilespmem:s15], [sflag:$0x3], $0x80, s23, s14, $0xb8;
	[tilespmem:$0x1D000] =	vst v63  }
0x62: {  	_ =	swait.ge [sflag:s16], $0x4000  }
0x63: {  	[sflag:s16] =	ssyncset.done $0x0  }
0x64: {  	s4 =	simm.s32 @p1 $0x300;
	[sflag:s16] =	ssyncadd.s32 $0xFFFFC000  }
0x65: {  	[tilespmem:s20], [sflag:$0x1] =	stream.indirect.gather @p1 [hbm4b:s1+s2], $0x80, s4, s2, $0xb8;
	[tilespmem:$0x1D000] =	vst v63  }
0x66: {  	s4 =	simm.s32 @!p1 $0x300  }
0x67: {  	[tilespmem:s24], [sflag:$0x1] =	stream.indirect.gather @!p1 [hbm4b:s5+s8], $0x80, s4, s8, $0xb8;
	[tilespmem:$0x1D000] =	vst v63  }
0x68: {  	_ =	swait.ge [sflag:s17], $0x4000  }
0x69: {  	[sflag:s17] =	ssyncset.done $0x0  }
0x6a: {  	s26 =	rddreg [dreg:$0xa];
	[sflag:s17] =	ssyncadd.s32 $0xFFFFC000  }
0x6b: {  	[spmem:s3] =	stream.indirect.scatter.add.f32 [tilespmem:s18], [sflag:$0x4], $0x80, s26, s14, $0xb8;
	[tilespmem:$0x1D000] =	vst v63  }
0x6c: {  	_ =	swait.ge [sflag:s19], $0x4000  }
0x6d: {  	[sflag:s19] =	ssyncset.done $0x0  }
0x6e: {  	s4 =	simm.s32 @p1 $0x380;
	[sflag:s19] =	ssyncadd.s32 $0xFFFFC000  }
0x6f: {  	[tilespmem:s0], [sflag:$0x2] =	stream.indirect.gather @p1 [hbm4b:s1+s2], $0x80, s4, s2, $0xb8;
	[tilespmem:$0x1D000] =	vst v63  }
0x70: {  	s4 =	simm.s32 @!p1 $0x380  }
0x71: {  	[tilespmem:s7], [sflag:$0x2] =	stream.indirect.gather @!p1 [hbm4b:s5+s8], $0x80, s4, s8, $0xb8;
	[tilespmem:$0x1D000] =	vst v63  }
0x72: {  	_ =	swait.ge [sflag:s13], $0x4000  }
0x73: {  	[sflag:s13] =	ssyncset.done $0x0  }
0x74: {  	s6 =	rddreg [dreg:$0xb];
	[sflag:s13] =	ssyncadd.s32 $0xFFFFC000  }
0x75: {  	[spmem:s3] =	stream.indirect.scatter.add.f32 [tilespmem:s15], [sflag:$0x3], $0x80, s6, s14, $0xb8;
	[tilespmem:$0x1D000] =	vst v63  }
0x76: {  	_ =	swait.ge [sflag:s16], $0x4000  }
0x77: {  	[sflag:s16] =	ssyncset.done $0x0  }
0x78: {  	s4 =	simm.s32 @p1 $0x400;
	[sflag:s16] =	ssyncadd.s32 $0xFFFFC000  }
0x79: {  	[tilespmem:s20], [sflag:$0x1] =	stream.indirect.gather @p1 [hbm4b:s1+s2], $0x80, s4, s2, $0xb8;
	[tilespmem:$0x1D000] =	vst v63  }
0x7a: {  	s4 =	simm.s32 @!p1 $0x400  }
0x7b: {  	[tilespmem:s24], [sflag:$0x1] =	stream.indirect.gather @!p1 [hbm4b:s5+s8], $0x80, s4, s8, $0xb8;
	[tilespmem:$0x1D000] =	vst v63  }
0x7c: {  	_ =	swait.ge [sflag:s17], $0x4000  }
0x7d: {  	[sflag:s17] =	ssyncset.done $0x0  }
0x7e: {  	s9 =	rddreg [dreg:$0xc];
	[sflag:s17] =	ssyncadd.s32 $0xFFFFC000  }
0x7f: {  	[spmem:s3] =	stream.indirect.scatter.add.f32 [tilespmem:s18], [sflag:$0x4], $0x80, s9, s14, $0xb8;
	[tilespmem:$0x1D000] =	vst v63  }
0x80: {  	_ =	swait.ge [sflag:s19], $0x4000  }
0x81: {  	[sflag:s19] =	ssyncset.done $0x0  }
0x82: {  	s4 =	simm.s32 @p1 $0x480;
	[sflag:s19] =	ssyncadd.s32 $0xFFFFC000  }
0x83: {  	[tilespmem:s0], [sflag:$0x2] =	stream.indirect.gather @p1 [hbm4b:s1+s2], $0x80, s4, s2, $0xb8;
	[tilespmem:$0x1D000] =	vst v63  }
0x84: {  	s4 =	simm.s32 @!p1 $0x480  }
0x85: {  	[tilespmem:s7], [sflag:$0x2] =	stream.indirect.gather @!p1 [hbm4b:s5+s8], $0x80, s4, s8, $0xb8;
	[tilespmem:$0x1D000] =	vst v63  }
0x86: {  	_ =	swait.ge [sflag:s13], $0x4000  }
0x87: {  	[sflag:s13] =	ssyncset.done $0x0  }
0x88: {  	s10 =	rddreg [dreg:$0xd];
	[sflag:s13] =	ssyncadd.s32 $0xFFFFC000  }
0x89: {  	[spmem:s3] =	stream.indirect.scatter.add.f32 [tilespmem:s15], [sflag:$0x3], $0x80, s10, s14, $0xb8;
	[tilespmem:$0x1D000] =	vst v63  }
0x8a: {  	_ =	swait.ge [sflag:s16], $0x4000  }
0x8b: {  	[sflag:s16] =	ssyncset.done $0x0  }
0x8c: {  	s4 =	simm.s32 @p1 $0x500;
	[sflag:s16] =	ssyncadd.s32 $0xFFFFC000  }
0x8d: {  	[tilespmem:s20], [sflag:$0x1] =	stream.indirect.gather @p1 [hbm4b:s1+s2], $0x80, s4, s2, $0xb8;
	[tilespmem:$0x1D000] =	vst v63  }
0x8e: {  	s4 =	simm.s32 @!p1 $0x500  }
0x8f: {  	[tilespmem:s24], [sflag:$0x1] =	stream.indirect.gather @!p1 [hbm4b:s5+s8], $0x80, s4, s8, $0xb8;
	[tilespmem:$0x1D000] =	vst v63  }
0x90: {  	_ =	swait.ge [sflag:s17], $0x4000  }
0x91: {  	[sflag:s17] =	ssyncset.done $0x0  }
0x92: {  	s23 =	rddreg [dreg:$0xe];
	[sflag:s17] =	ssyncadd.s32 $0xFFFFC000  }
0x93: {  	[spmem:s3] =	stream.indirect.scatter.add.f32 [tilespmem:s18], [sflag:$0x4], $0x80, s23, s14, $0xb8;
	[tilespmem:$0x1D000] =	vst v63  }
0x94: {  	_ =	swait.ge [sflag:s19], $0x4000  }
0x95: {  	[sflag:s19] =	ssyncset.done $0x0  }
0x96: {  	s4 =	simm.s32 @p1 $0x580;
	[sflag:s19] =	ssyncadd.s32 $0xFFFFC000  }
0x97: {  	[tilespmem:s0], [sflag:$0x2] =	stream.indirect.gather @p1 [hbm4b:s1+s2], $0x80, s4, s2, $0xb8;
	[tilespmem:$0x1D000] =	vst v63  }
0x98: {  	s4 =	simm.s32 @!p1 $0x580  }
0x99: {  	[tilespmem:s7], [sflag:$0x2] =	stream.indirect.gather @!p1 [hbm4b:s5+s8], $0x80, s4, s8, $0xb8;
	[tilespmem:$0x1D000] =	vst v63  }
0x9a: {  	_ =	swait.ge [sflag:s13], $0x4000  }
0x9b: {  	[sflag:s13] =	ssyncset.done $0x0  }
0x9c: {  	s26 =	rddreg [dreg:$0xf];
	[sflag:s13] =	ssyncadd.s32 $0xFFFFC000  }
0x9d: {  	[spmem:s3] =	stream.indirect.scatter.add.f32 [tilespmem:s15], [sflag:$0x3], $0x80, s26, s14, $0xb8;
	[tilespmem:$0x1D000] =	vst v63  }
0x9e: {  	_ =	swait.ge [sflag:s16], $0x4000  }
0x9f: {  	[sflag:s16] =	ssyncset.done $0x0  }
0xa0: {  	s4 =	simm.s32 @p1 $0x600;
	[sflag:s16] =	ssyncadd.s32 $0xFFFFC000  }
0xa1: {  	[tilespmem:s20], [sflag:$0x1] =	stream.indirect.gather @p1 [hbm4b:s1+s2], $0x80, s4, s2, $0xb8;
	[tilespmem:$0x1D000] =	vst v63  }
0xa2: {  	s4 =	simm.s32 @!p1 $0x600  }
0xa3: {  	[tilespmem:s24], [sflag:$0x1] =	stream.indirect.gather @!p1 [hbm4b:s5+s8], $0x80, s4, s8, $0xb8;
	[tilespmem:$0x1D000] =	vst v63  }
0xa4: {  	_ =	swait.ge [sflag:s17], $0x4000  }
0xa5: {  	[sflag:s17] =	ssyncset.done $0x0  }
0xa6: {  	s6 =	rddreg [dreg:$0x10];
	[sflag:s17] =	ssyncadd.s32 $0xFFFFC000  }
0xa7: {  	[spmem:s3] =	stream.indirect.scatter.add.f32 [tilespmem:s18], [sflag:$0x4], $0x80, s6, s14, $0xb8;
	[tilespmem:$0x1D000] =	vst v63  }
0xa8: {  	_ =	swait.ge [sflag:s19], $0x4000  }
0xa9: {  	[sflag:s19] =	ssyncset.done $0x0  }
0xaa: {  	s4 =	simm.s32 @p1 $0x680;
	[sflag:s19] =	ssyncadd.s32 $0xFFFFC000  }
0xab: {  	[tilespmem:s0], [sflag:$0x2] =	stream.indirect.gather @p1 [hbm4b:s1+s2], $0x80, s4, s2, $0xb8;
	[tilespmem:$0x1D000] =	vst v63  }
0xac: {  	s4 =	simm.s32 @!p1 $0x680  }
0xad: {  	[tilespmem:s7], [sflag:$0x2] =	stream.indirect.gather @!p1 [hbm4b:s5+s8], $0x80, s4, s8, $0xb8;
	[tilespmem:$0x1D000] =	vst v63  }
0xae: {  	_ =	swait.ge [sflag:s13], $0x4000  }
0xaf: {  	[sflag:s13] =	ssyncset.done $0x0  }
0xb0: {  	s9 =	rddreg [dreg:$0x11];
	[sflag:s13] =	ssyncadd.s32 $0xFFFFC000  }
0xb1: {  	[spmem:s3] =	stream.indirect.scatter.add.f32 [tilespmem:s15], [sflag:$0x3], $0x80, s9, s14, $0xb8;
	[tilespmem:$0x1D000] =	vst v63  }
0xb2: {  	_ =	swait.ge [sflag:s16], $0x4000  }
0xb3: {  	[sflag:s16] =	ssyncset.done $0x0  }
0xb4: {  	s30 =	simm.s32 @p1 $0x700;
	[sflag:s16] =	ssyncadd.s32 $0xFFFFC000  }
0xb5: {  	[tilespmem:s20], [sflag:$0x1] =	stream.indirect.gather @p1 [hbm4b:s1+s2], $0x80, s30, s2, $0xb8;
	[tilespmem:$0x1D000] =	vst v63  }
0xb6: {  	s31 =	simm.s32 @!p1 $0x700  }
0xb7: {  	[tilespmem:s24], [sflag:$0x1] =	stream.indirect.gather @!p1 [hbm4b:s5+s8], $0x80, s31, s8, $0xb8;
	[tilespmem:$0x1D000] =	vst v63  }
0xb8: {  	_ =	swait.ge [sflag:s17], $0x4000  }
0xb9: {  	[sflag:s17] =	ssyncset.done $0x0  }
0xba: {  	s10 =	rddreg [dreg:$0x12];
	[sflag:s17] =	ssyncadd.s32 $0xFFFFC000  }
0xbb: {  	[spmem:s3] =	stream.indirect.scatter.add.f32 [tilespmem:s18], [sflag:$0x4], $0x80, s10, s14, $0xb8;
	[tilespmem:$0x1D000] =	vst v63  }
0xbc: {  	_ =	swait.ge [sflag:s19], $0x4000  }
0xbd: {  	[sflag:s19] =	ssyncset.done $0x0  }
0xbe: {  	s6 =	simm.s32 @p1 $0x780;
	[sflag:s19] =	ssyncadd.s32 $0xFFFFC000  }
0xbf: {  	[tilespmem:s0], [sflag:$0x2] =	stream.indirect.gather @p1 [hbm4b:s1+s2], $0x80, s6, s2, $0xb8;
	[tilespmem:$0x1D000] =	vst v63  }
0xc0: {  	s9 =	simm.s32 @!p1 $0x780  }
0xc1: {  	[tilespmem:s7], [sflag:$0x2] =	stream.indirect.gather @!p1 [hbm4b:s5+s8], $0x80, s9, s8, $0xb8;
	[tilespmem:$0x1D000] =	vst v63  }
0xc2: {  	_ =	swait.ge [sflag:s13], $0x4000  }
0xc3: {  	[sflag:s13] =	ssyncset.done $0x0  }
0xc4: {  	s23 =	rddreg [dreg:$0x13];
	[sflag:s13] =	ssyncadd.s32 $0xFFFFC000  }
0xc5: {  	[spmem:s3] =	stream.indirect.scatter.add.f32 [tilespmem:s15], [sflag:$0x3], $0x80, s23, s14, $0xb8;
	[tilespmem:$0x1D000] =	vst v63  }
0xc6: {  	_ =	swait.ge [sflag:s16], $0x4000  }
0xc7: {  	[sflag:s16] =	ssyncset.done $0x0  }
0xc8: {  	[sflag:s16] =	ssyncadd.s32 $0xFFFFC000  }
0xc9: {  	_ =	swait.ge [sflag:s17], $0x4000  }
0xca: {  	[sflag:s17] =	ssyncset.done $0x0  }
0xcb: {  	s26 =	rddreg [dreg:$0x14];
	[sflag:s17] =	ssyncadd.s32 $0xFFFFC000  }
0xcc: {  	[spmem:s3] =	stream.indirect.scatter.add.f32 [tilespmem:s18], [sflag:$0x4], $0x80, s26, s14, $0xb8;
	[tilespmem:$0x1D000] =	vst v63  }
0xcd: {  	s4 =	simm.s32 $0x100;
	_ =	swait.ge [sflag:s19], $0x4000  }
0xce: {  	s10 =	simm.s32 $0x200;
	[sflag:s19] =	ssyncset.done $0x0;
	s23 =	rddreg [dreg:$0x5]  }
.LBB2_2:
0xcf: {  	[sflag:s19] =	ssyncadd.s32 $0xFFFFC000;
	s23 =	sadd.s32 s4, s23  }
0xd0: {  	[tilespmem:s29], [sflag:$0x5] =	stream.linear.gather [hbm4b:s23+s29], $0x800, $0x38;
	[tilespmem:$0x1D000] =	vst v63  }
0xd1: {  	_ =	swait.ge [sflag:s11], $0x800  }
0xd2: {  	s23 =	rddreg [dreg:$0x4];
	[sflag:s11] =	ssyncset.done $0x0  }
0xd3: {  	[sflag:s11] =	ssyncadd.s32 $0xFFFFF800;
	s23 =	sadd.s32 s4, s23  }
0xd4: {  	[tilespmem:s12], [sflag:$0x5] =	stream.linear.gather [hbm4b:s23+s29], $0x800, $0x38;
	[tilespmem:$0x1D000] =	vst v63  }
0xd5: {  	_ =	swait.ge [sflag:s11], $0x800  }
0xd6: {  	[sflag:s11] =	ssyncset.done $0x0  }
0xd7: {  	s23 =	simm.s32 @p0 $0x0;
	[sflag:s11] =	ssyncadd.s32 $0xFFFFF800  }
0xd8: {  	[tilespmem:s21], [sflag:$0x1] =	stream.indirect.gather @p0 [hbm4b:s5+s22], $0x80, s23, s22, $0xb8;
	[tilespmem:$0x1D000] =	vst v63  }
0xd9: {  	s23 =	simm.s32 @p0 $0x5000  }
0xda: {  	[tilespmem:s23], [sflag:$0x2] =	stream.indirect.gather @p0 [hbm4b:s5+s22], $0x80, s22, s22, $0xb8;
	[tilespmem:$0x1D000] =	vst v63  }
0xdb: {  	s23 =	simm.s32 @!p0 $0x0  }
0xdc: {  	[tilespmem:s28], [sflag:$0x1] =	stream.indirect.gather @!p0 [hbm4b:s1+s25], $0x80, s23, s25, $0xb8;
	[tilespmem:$0x1D000] =	vst v63  }
0xdd: {  	s23 =	simm.s32 @!p0 $0x5000  }
0xde: {  	[tilespmem:s23], [sflag:$0x2] =	stream.indirect.gather @!p0 [hbm4b:s1+s25], $0x80, s25, s25, $0xb8;
	[tilespmem:$0x1D000] =	vst v63  }
0xdf: {  	_ =	swait.ge [sflag:s13], $0x4000  }
0xe0: {  	[sflag:s13] =	ssyncset.done $0x0  }
0xe1: {  	[sflag:s13] =	ssyncadd.s32 $0xFFFFC000  }
0xe2: {  	[spmem:s3] =	stream.indirect.scatter.add.f32 [tilespmem:s15], [sflag:$0x3], $0x80, s12, s14, $0xb8;
	[tilespmem:$0x1D000] =	vst v63  }
0xe3: {  	_ =	swait.ge [sflag:s16], $0x4000  }
0xe4: {  	[sflag:s16] =	ssyncset.done $0x0  }
0xe5: {  	s23 =	simm.s32 @p0 $0x100;
	[sflag:s16] =	ssyncadd.s32 $0xFFFFC000  }
0xe6: {  	[tilespmem:s21], [sflag:$0x1] =	stream.indirect.gather @p0 [hbm4b:s5+s22], $0x80, s23, s22, $0xb8;
	[tilespmem:$0x1D000] =	vst v63  }
0xe7: {  	s23 =	simm.s32 @!p0 $0x100  }
0xe8: {  	[tilespmem:s28], [sflag:$0x1] =	stream.indirect.gather @!p0 [hbm4b:s1+s25], $0x80, s23, s25, $0xb8;
	[tilespmem:$0x1D000] =	vst v63  }
0xe9: {  	_ =	swait.ge [sflag:s17], $0x4000  }
0xea: {  	s26 =	smov.u32 s10;
	[sflag:s17] =	ssyncset.done $0x0  }
0xeb: {  	s4 =	smov.u32 s26;
	s26 =	rddreg [dreg:$0x6];
	[sflag:s17] =	ssyncadd.s32 $0xFFFFC000  }
0xec: {  	[spmem:s3] =	stream.indirect.scatter.add.f32 [tilespmem:s18], [sflag:$0x4], $0x80, s26, s14, $0xb8;
	[tilespmem:$0x1D000] =	vst v63  }
0xed: {  	_ =	swait.ge [sflag:s19], $0x4000  }
0xee: {  	[sflag:s19] =	ssyncset.done $0x0  }
0xef: {  	s23 =	simm.s32 @p1 $0x180;
	[sflag:s19] =	ssyncadd.s32 $0xFFFFC000  }
0xf0: {  	[tilespmem:s0], [sflag:$0x2] =	stream.indirect.gather @p1 [hbm4b:s1+s2], $0x80, s23, s2, $0xb8;
	[tilespmem:$0x1D000] =	vst v63  }
0xf1: {  	s23 =	simm.s32 @!p1 $0x180  }
0xf2: {  	[tilespmem:s7], [sflag:$0x2] =	stream.indirect.gather @!p1 [hbm4b:s5+s8], $0x80, s23, s8, $0xb8;
	[tilespmem:$0x1D000] =	vst v63  }
0xf3: {  	_ =	swait.ge [sflag:s13], $0x4000  }
0xf4: {  	[sflag:s13] =	ssyncset.done $0x0  }
0xf5: {  	s26 =	rddreg [dreg:$0x7];
	[sflag:s13] =	ssyncadd.s32 $0xFFFFC000  }
0xf6: {  	[spmem:s3] =	stream.indirect.scatter.add.f32 [tilespmem:s15], [sflag:$0x3], $0x80, s26, s14, $0xb8;
	[tilespmem:$0x1D000] =	vst v63  }
0xf7: {  	_ =	swait.ge [sflag:s16], $0x4000  }
0xf8: {  	[sflag:s16] =	ssyncset.done $0x0  }
0xf9: {  	s23 =	simm.s32 @p1 $0x200;
	[sflag:s16] =	ssyncadd.s32 $0xFFFFC000  }
0xfa: {  	[tilespmem:s20], [sflag:$0x1] =	stream.indirect.gather @p1 [hbm4b:s1+s2], $0x80, s23, s2, $0xb8;
	[tilespmem:$0x1D000] =	vst v63  }
0xfb: {  	s23 =	simm.s32 @!p1 $0x200  }
0xfc: {  	[tilespmem:s24], [sflag:$0x1] =	stream.indirect.gather @!p1 [hbm4b:s5+s8], $0x80, s23, s8, $0xb8;
	[tilespmem:$0x1D000] =	vst v63  }
0xfd: {  	_ =	swait.ge [sflag:s17], $0x4000  }
0xfe: {  	[sflag:s17] =	ssyncset.done $0x0  }
0xff: {  	s26 =	rddreg [dreg:$0x8];
	[sflag:s17] =	ssyncadd.s32 $0xFFFFC000  }
0x100: {  	[spmem:s3] =	stream.indirect.scatter.add.f32 [tilespmem:s18], [sflag:$0x4], $0x80, s26, s14, $0xb8;
	[tilespmem:$0x1D000] =	vst v63  }
0x101: {  	_ =	swait.ge [sflag:s19], $0x4000  }
0x102: {  	[sflag:s19] =	ssyncset.done $0x0  }
0x103: {  	s23 =	simm.s32 @p1 $0x280;
	[sflag:s19] =	ssyncadd.s32 $0xFFFFC000  }
0x104: {  	[tilespmem:s0], [sflag:$0x2] =	stream.indirect.gather @p1 [hbm4b:s1+s2], $0x80, s23, s2, $0xb8;
	[tilespmem:$0x1D000] =	vst v63  }
0x105: {  	s23 =	simm.s32 @!p1 $0x280  }
0x106: {  	[tilespmem:s7], [sflag:$0x2] =	stream.indirect.gather @!p1 [hbm4b:s5+s8], $0x80, s23, s8, $0xb8;
	[tilespmem:$0x1D000] =	vst v63  }
0x107: {  	_ =	swait.ge [sflag:s13], $0x4000  }
0x108: {  	[sflag:s13] =	ssyncset.done $0x0  }
0x109: {  	s26 =	rddreg [dreg:$0x9];
	[sflag:s13] =	ssyncadd.s32 $0xFFFFC000  }
0x10a: {  	[spmem:s3] =	stream.indirect.scatter.add.f32 [tilespmem:s15], [sflag:$0x3], $0x80, s26, s14, $0xb8;
	[tilespmem:$0x1D000] =	vst v63  }
0x10b: {  	_ =	swait.ge [sflag:s16], $0x4000  }
0x10c: {  	[sflag:s16] =	ssyncset.done $0x0  }
0x10d: {  	s23 =	simm.s32 @p1 $0x300;
	[sflag:s16] =	ssyncadd.s32 $0xFFFFC000  }
0x10e: {  	[tilespmem:s20], [sflag:$0x1] =	stream.indirect.gather @p1 [hbm4b:s1+s2], $0x80, s23, s2, $0xb8;
	[tilespmem:$0x1D000] =	vst v63  }
0x10f: {  	s23 =	simm.s32 @!p1 $0x300  }
0x110: {  	[tilespmem:s24], [sflag:$0x1] =	stream.indirect.gather @!p1 [hbm4b:s5+s8], $0x80, s23, s8, $0xb8;
	[tilespmem:$0x1D000] =	vst v63  }
0x111: {  	_ =	swait.ge [sflag:s17], $0x4000  }
0x112: {  	[sflag:s17] =	ssyncset.done $0x0  }
0x113: {  	s26 =	rddreg [dreg:$0xa];
	[sflag:s17] =	ssyncadd.s32 $0xFFFFC000  }
0x114: {  	[spmem:s3] =	stream.indirect.scatter.add.f32 [tilespmem:s18], [sflag:$0x4], $0x80, s26, s14, $0xb8;
	[tilespmem:$0x1D000] =	vst v63  }
0x115: {  	_ =	swait.ge [sflag:s19], $0x4000  }
0x116: {  	[sflag:s19] =	ssyncset.done $0x0  }
0x117: {  	s23 =	simm.s32 @p1 $0x380;
	[sflag:s19] =	ssyncadd.s32 $0xFFFFC000  }
0x118: {  	[tilespmem:s0], [sflag:$0x2] =	stream.indirect.gather @p1 [hbm4b:s1+s2], $0x80, s23, s2, $0xb8;
	[tilespmem:$0x1D000] =	vst v63  }
0x119: {  	s23 =	simm.s32 @!p1 $0x380  }
0x11a: {  	[tilespmem:s7], [sflag:$0x2] =	stream.indirect.gather @!p1 [hbm4b:s5+s8], $0x80, s23, s8, $0xb8;
	[tilespmem:$0x1D000] =	vst v63  }
0x11b: {  	_ =	swait.ge [sflag:s13], $0x4000  }
0x11c: {  	[sflag:s13] =	ssyncset.done $0x0  }
0x11d: {  	s26 =	rddreg [dreg:$0xb];
	[sflag:s13] =	ssyncadd.s32 $0xFFFFC000  }
0x11e: {  	[spmem:s3] =	stream.indirect.scatter.add.f32 [tilespmem:s15], [sflag:$0x3], $0x80, s26, s14, $0xb8;
	[tilespmem:$0x1D000] =	vst v63  }
0x11f: {  	_ =	swait.ge [sflag:s16], $0x4000  }
0x120: {  	[sflag:s16] =	ssyncset.done $0x0  }
0x121: {  	s23 =	simm.s32 @p1 $0x400;
	[sflag:s16] =	ssyncadd.s32 $0xFFFFC000  }
0x122: {  	[tilespmem:s20], [sflag:$0x1] =	stream.indirect.gather @p1 [hbm4b:s1+s2], $0x80, s23, s2, $0xb8;
	[tilespmem:$0x1D000] =	vst v63  }
0x123: {  	s23 =	simm.s32 @!p1 $0x400  }
0x124: {  	[tilespmem:s24], [sflag:$0x1] =	stream.indirect.gather @!p1 [hbm4b:s5+s8], $0x80, s23, s8, $0xb8;
	[tilespmem:$0x1D000] =	vst v63  }
0x125: {  	_ =	swait.ge [sflag:s17], $0x4000  }
0x126: {  	[sflag:s17] =	ssyncset.done $0x0  }
0x127: {  	s26 =	rddreg [dreg:$0xc];
	[sflag:s17] =	ssyncadd.s32 $0xFFFFC000  }
0x128: {  	[spmem:s3] =	stream.indirect.scatter.add.f32 [tilespmem:s18], [sflag:$0x4], $0x80, s26, s14, $0xb8;
	[tilespmem:$0x1D000] =	vst v63  }
0x129: {  	_ =	swait.ge [sflag:s19], $0x4000  }
0x12a: {  	[sflag:s19] =	ssyncset.done $0x0  }
0x12b: {  	s23 =	simm.s32 @p1 $0x480;
	[sflag:s19] =	ssyncadd.s32 $0xFFFFC000  }
0x12c: {  	[tilespmem:s0], [sflag:$0x2] =	stream.indirect.gather @p1 [hbm4b:s1+s2], $0x80, s23, s2, $0xb8;
	[tilespmem:$0x1D000] =	vst v63  }
0x12d: {  	s23 =	simm.s32 @!p1 $0x480  }
0x12e: {  	[tilespmem:s7], [sflag:$0x2] =	stream.indirect.gather @!p1 [hbm4b:s5+s8], $0x80, s23, s8, $0xb8;
	[tilespmem:$0x1D000] =	vst v63  }
0x12f: {  	_ =	swait.ge [sflag:s13], $0x4000  }
0x130: {  	[sflag:s13] =	ssyncset.done $0x0  }
0x131: {  	s26 =	rddreg [dreg:$0xd];
	[sflag:s13] =	ssyncadd.s32 $0xFFFFC000  }
0x132: {  	[spmem:s3] =	stream.indirect.scatter.add.f32 [tilespmem:s15], [sflag:$0x3], $0x80, s26, s14, $0xb8;
	[tilespmem:$0x1D000] =	vst v63  }
0x133: {  	_ =	swait.ge [sflag:s16], $0x4000  }
0x134: {  	[sflag:s16] =	ssyncset.done $0x0  }
0x135: {  	s23 =	simm.s32 @p1 $0x500;
	[sflag:s16] =	ssyncadd.s32 $0xFFFFC000  }
0x136: {  	[tilespmem:s20], [sflag:$0x1] =	stream.indirect.gather @p1 [hbm4b:s1+s2], $0x80, s23, s2, $0xb8;
	[tilespmem:$0x1D000] =	vst v63  }
0x137: {  	s23 =	simm.s32 @!p1 $0x500  }
0x138: {  	[tilespmem:s24], [sflag:$0x1] =	stream.indirect.gather @!p1 [hbm4b:s5+s8], $0x80, s23, s8, $0xb8;
	[tilespmem:$0x1D000] =	vst v63  }
0x139: {  	_ =	swait.ge [sflag:s17], $0x4000  }
0x13a: {  	[sflag:s17] =	ssyncset.done $0x0  }
0x13b: {  	s26 =	rddreg [dreg:$0xe];
	[sflag:s17] =	ssyncadd.s32 $0xFFFFC000  }
0x13c: {  	[spmem:s3] =	stream.indirect.scatter.add.f32 [tilespmem:s18], [sflag:$0x4], $0x80, s26, s14, $0xb8;
	[tilespmem:$0x1D000] =	vst v63  }
0x13d: {  	_ =	swait.ge [sflag:s19], $0x4000  }
0x13e: {  	[sflag:s19] =	ssyncset.done $0x0  }
0x13f: {  	s23 =	simm.s32 @p1 $0x580;
	[sflag:s19] =	ssyncadd.s32 $0xFFFFC000  }
0x140: {  	[tilespmem:s0], [sflag:$0x2] =	stream.indirect.gather @p1 [hbm4b:s1+s2], $0x80, s23, s2, $0xb8;
	[tilespmem:$0x1D000] =	vst v63  }
0x141: {  	s23 =	simm.s32 @!p1 $0x580  }
0x142: {  	[tilespmem:s7], [sflag:$0x2] =	stream.indirect.gather @!p1 [hbm4b:s5+s8], $0x80, s23, s8, $0xb8;
	[tilespmem:$0x1D000] =	vst v63  }
0x143: {  	_ =	swait.ge [sflag:s13], $0x4000  }
0x144: {  	[sflag:s13] =	ssyncset.done $0x0  }
0x145: {  	s26 =	rddreg [dreg:$0xf];
	[sflag:s13] =	ssyncadd.s32 $0xFFFFC000  }
0x146: {  	[spmem:s3] =	stream.indirect.scatter.add.f32 [tilespmem:s15], [sflag:$0x3], $0x80, s26, s14, $0xb8;
	[tilespmem:$0x1D000] =	vst v63  }
0x147: {  	_ =	swait.ge [sflag:s16], $0x4000  }
0x148: {  	[sflag:s16] =	ssyncset.done $0x0  }
0x149: {  	s23 =	simm.s32 @p1 $0x600;
	[sflag:s16] =	ssyncadd.s32 $0xFFFFC000  }
0x14a: {  	[tilespmem:s20], [sflag:$0x1] =	stream.indirect.gather @p1 [hbm4b:s1+s2], $0x80, s23, s2, $0xb8;
	[tilespmem:$0x1D000] =	vst v63  }
0x14b: {  	s23 =	simm.s32 @!p1 $0x600  }
0x14c: {  	[tilespmem:s24], [sflag:$0x1] =	stream.indirect.gather @!p1 [hbm4b:s5+s8], $0x80, s23, s8, $0xb8;
	[tilespmem:$0x1D000] =	vst v63  }
0x14d: {  	_ =	swait.ge [sflag:s17], $0x4000  }
0x14e: {  	[sflag:s17] =	ssyncset.done $0x0  }
0x14f: {  	s26 =	rddreg [dreg:$0x10];
	[sflag:s17] =	ssyncadd.s32 $0xFFFFC000  }
0x150: {  	[spmem:s3] =	stream.indirect.scatter.add.f32 [tilespmem:s18], [sflag:$0x4], $0x80, s26, s14, $0xb8;
	[tilespmem:$0x1D000] =	vst v63  }
0x151: {  	_ =	swait.ge [sflag:s19], $0x4000  }
0x152: {  	[sflag:s19] =	ssyncset.done $0x0  }
0x153: {  	s23 =	simm.s32 @p1 $0x680;
	[sflag:s19] =	ssyncadd.s32 $0xFFFFC000  }
0x154: {  	[tilespmem:s0], [sflag:$0x2] =	stream.indirect.gather @p1 [hbm4b:s1+s2], $0x80, s23, s2, $0xb8;
	[tilespmem:$0x1D000] =	vst v63  }
0x155: {  	s23 =	simm.s32 @!p1 $0x680  }
0x156: {  	[tilespmem:s7], [sflag:$0x2] =	stream.indirect.gather @!p1 [hbm4b:s5+s8], $0x80, s23, s8, $0xb8;
	[tilespmem:$0x1D000] =	vst v63  }
0x157: {  	_ =	swait.ge [sflag:s13], $0x4000  }
0x158: {  	[sflag:s13] =	ssyncset.done $0x0  }
0x159: {  	s26 =	rddreg [dreg:$0x11];
	[sflag:s13] =	ssyncadd.s32 $0xFFFFC000  }
0x15a: {  	[spmem:s3] =	stream.indirect.scatter.add.f32 [tilespmem:s15], [sflag:$0x3], $0x80, s26, s14, $0xb8;
	[tilespmem:$0x1D000] =	vst v63  }
0x15b: {  	_ =	swait.ge [sflag:s16], $0x4000  }
0x15c: {  	[sflag:s16] =	ssyncset.done $0x0  }
0x15d: {  	[sflag:s16] =	ssyncadd.s32 $0xFFFFC000  }
0x15e: {  	[tilespmem:s20], [sflag:$0x1] =	stream.indirect.gather @p1 [hbm4b:s1+s2], $0x80, s30, s2, $0xb8;
	[tilespmem:$0x1D000] =	vst v63  }
0x15f: {  	_ = 	snop  }
0x160: {  	[tilespmem:s24], [sflag:$0x1] =	stream.indirect.gather @!p1 [hbm4b:s5+s8], $0x80, s31, s8, $0xb8;
	[tilespmem:$0x1D000] =	vst v63  }
0x161: {  	_ =	swait.ge [sflag:s17], $0x4000  }
0x162: {  	[sflag:s17] =	ssyncset.done $0x0  }
0x163: {  	s26 =	rddreg [dreg:$0x12];
	[sflag:s17] =	ssyncadd.s32 $0xFFFFC000  }
0x164: {  	[spmem:s3] =	stream.indirect.scatter.add.f32 [tilespmem:s18], [sflag:$0x4], $0x80, s26, s14, $0xb8;
	[tilespmem:$0x1D000] =	vst v63  }
0x165: {  	_ =	swait.ge [sflag:s19], $0x4000  }
0x166: {  	[sflag:s19] =	ssyncset.done $0x0  }
0x167: {  	[sflag:s19] =	ssyncadd.s32 $0xFFFFC000  }
0x168: {  	[tilespmem:s0], [sflag:$0x2] =	stream.indirect.gather @p1 [hbm4b:s1+s2], $0x80, s6, s2, $0xb8;
	[tilespmem:$0x1D000] =	vst v63  }
0x169: {  	_ = 	snop  }
0x16a: {  	[tilespmem:s7], [sflag:$0x2] =	stream.indirect.gather @!p1 [hbm4b:s5+s8], $0x80, s9, s8, $0xb8;
	[tilespmem:$0x1D000] =	vst v63  }
0x16b: {  	_ =	swait.ge [sflag:s13], $0x4000  }
0x16c: {  	[sflag:s13] =	ssyncset.done $0x0  }
0x16d: {  	s26 =	rddreg [dreg:$0x13];
	[sflag:s13] =	ssyncadd.s32 $0xFFFFC000  }
0x16e: {  	[spmem:s3] =	stream.indirect.scatter.add.f32 [tilespmem:s15], [sflag:$0x3], $0x80, s26, s14, $0xb8;
	[tilespmem:$0x1D000] =	vst v63  }
0x16f: {  	_ =	swait.ge [sflag:s16], $0x4000  }
0x170: {  	[sflag:s16] =	ssyncset.done $0x0  }
0x171: {  	s10 =	sadd.s32 $0x100, s10;
	[sflag:s16] =	ssyncadd.s32 $0xFFFFC000  }
0x172: {  	p2 =	sne.s32 s10, $0x500;
	_ =	swait.ge [sflag:s17], $0x4000  }
.Ltmp0:
0x173: {  	[sflag:s17] =	ssyncset.done $0x0;
	(pc) =	sbr.rel @p2 .LBB2_2-.Ltmp0, $4  }
0x174: {  	s26 =	rddreg [dreg:$0x14];
	[sflag:s17] =	ssyncadd.s32 $0xFFFFC000  }
0x175: {  	[spmem:s3] =	stream.indirect.scatter.add.f32 [tilespmem:s18], [sflag:$0x4], $0x80, s26, s14, $0xb8;
	[tilespmem:$0x1D000] =	vst v63  }
0x176: {  	_ =	swait.ge [sflag:s19], $0x4000  }
0x177: {  	s23 =	rddreg [dreg:$0x5];
	[sflag:s19] =	ssyncset.done $0x0  }
0x178: {  	[sflag:s19] =	ssyncadd.s32 $0xFFFFC000;
	s0 =	sadd.s32 s4, s23;
	s2 =	simm.s32 $0x0  }
0x179: {  	[tilespmem:s2], [sflag:$0x5] =	stream.linear.gather [hbm4b:s0+s2], $0x800, $0x38;
	[tilespmem:$0x1D000] =	vst v63  }
0x17a: {  	_ =	swait.ge [sflag:s11], $0x800  }
0x17b: {  	s22 =	rddreg [dreg:$0x4];
	[sflag:s11] =	ssyncset.done $0x0  }
0x17c: {  	[sflag:s11] =	ssyncadd.s32 $0xFFFFF800;
	s0 =	sadd.s32 s4, s22  }
0x17d: {  	[tilespmem:s12], [sflag:$0x5] =	stream.linear.gather [hbm4b:s0+s2], $0x800, $0x38;
	[tilespmem:$0x1D000] =	vst v63  }
0x17e: {  	_ =	swait.ge [sflag:s11], $0x800  }
0x17f: {  	s4 =	simm.s32 @p0 $0x0;
	[sflag:s11] =	ssyncset.done $0x0  }
0x180: {  	s0 =	simm.s32 @p0 $0x1000;
	s2 =	simm.s32 @p0 $0x80;
	[sflag:s11] =	ssyncadd.s32 $0xFFFFF800  }
0x181: {  	[tilespmem:s0], [sflag:$0x1] =	stream.indirect.gather @p0 [hbm4b:s5+s2], $0x80, s4, s2, $0xb8;
	[tilespmem:$0x1D000] =	vst v63  }
0x182: {  	s4 =	simm.s32 @p0 $0x5000  }
0x183: {  	[tilespmem:s4], [sflag:$0x2] =	stream.indirect.gather @p0 [hbm4b:s5+s2], $0x80, s2, s2, $0xb8;
	[tilespmem:$0x1D000] =	vst v63  }
0x184: {  	s6 =	simm.s32 @!p0 $0x0;
	s7 =	simm.s32 @!p0 $0x1000;
	s4 =	simm.s32 @!p0 $0x80  }
0x185: {  	[tilespmem:s7], [sflag:$0x1] =	stream.indirect.gather @!p0 [hbm4b:s1+s4], $0x80, s6, s4, $0xb8;
	[tilespmem:$0x1D000] =	vst v63  }
0x186: {  	s6 =	simm.s32 @!p0 $0x5000  }
0x187: {  	[tilespmem:s6], [sflag:$0x2] =	stream.indirect.gather @!p0 [hbm4b:s1+s4], $0x80, s4, s4, $0xb8;
	[tilespmem:$0x1D000] =	vst v63  }
0x188: {  	_ =	swait.ge [sflag:s13], $0x4000  }
0x189: {  	[sflag:s13] =	ssyncset.done $0x0  }
0x18a: {  	[sflag:s13] =	ssyncadd.s32 $0xFFFFC000  }
0x18b: {  	[spmem:s3] =	stream.indirect.scatter.add.f32 [tilespmem:s15], [sflag:$0x3], $0x80, s12, s14, $0xb8;
	[tilespmem:$0x1D000] =	vst v63  }
0x18c: {  	_ =	swait.ge [sflag:s16], $0x4000  }
0x18d: {  	[sflag:s16] =	ssyncset.done $0x0  }
0x18e: {  	s6 =	simm.s32 @p0 $0x100;
	[sflag:s16] =	ssyncadd.s32 $0xFFFFC000  }
0x18f: {  	[tilespmem:s0], [sflag:$0x1] =	stream.indirect.gather @p0 [hbm4b:s5+s2], $0x80, s6, s2, $0xb8;
	[tilespmem:$0x1D000] =	vst v63  }
0x190: {  	s0 =	simm.s32 @!p0 $0x100  }
0x191: {  	[tilespmem:s7], [sflag:$0x1] =	stream.indirect.gather @!p0 [hbm4b:s1+s4], $0x80, s0, s4, $0xb8;
	[tilespmem:$0x1D000] =	vst v63  }
0x192: {  	_ =	swait.ge [sflag:s17], $0x4000  }
0x193: {  	[sflag:s17] =	ssyncset.done $0x0  }
0x194: {  	s23 =	rddreg [dreg:$0x6];
	[sflag:s17] =	ssyncadd.s32 $0xFFFFC000  }
0x195: {  	[spmem:s3] =	stream.indirect.scatter.add.f32 [tilespmem:s18], [sflag:$0x4], $0x80, s23, s14, $0xb8;
	[tilespmem:$0x1D000] =	vst v63  }
0x196: {  	_ =	swait.ge [sflag:s19], $0x4000  }
0x197: {  	s2 =	simm.s32 @p1 $0x80;
	[sflag:s19] =	ssyncset.done $0x0  }
0x198: {  	s0 =	simm.s32 @p1 $0x5000;
	s4 =	simm.s32 @p1 $0x180;
	[sflag:s19] =	ssyncadd.s32 $0xFFFFC000  }
0x199: {  	[tilespmem:s0], [sflag:$0x2] =	stream.indirect.gather @p1 [hbm4b:s1+s2], $0x80, s4, s2, $0xb8;
	[tilespmem:$0x1D000] =	vst v63  }
0x19a: {  	s6 =	simm.s32 @!p1 $0x5000;
	s7 =	simm.s32 @!p1 $0x180;
	s4 =	simm.s32 @!p1 $0x80  }
0x19b: {  	[tilespmem:s6], [sflag:$0x2] =	stream.indirect.gather @!p1 [hbm4b:s5+s4], $0x80, s7, s4, $0xb8;
	[tilespmem:$0x1D000] =	vst v63  }
0x19c: {  	_ =	swait.ge [sflag:s13], $0x4000  }
0x19d: {  	[sflag:s13] =	ssyncset.done $0x0  }
0x19e: {  	s24 =	rddreg [dreg:$0x7];
	[sflag:s13] =	ssyncadd.s32 $0xFFFFC000  }
0x19f: {  	[spmem:s3] =	stream.indirect.scatter.add.f32 [tilespmem:s15], [sflag:$0x3], $0x80, s24, s14, $0xb8;
	[tilespmem:$0x1D000] =	vst v63  }
0x1a0: {  	_ =	swait.ge [sflag:s16], $0x4000  }
0x1a1: {  	[sflag:s16] =	ssyncset.done $0x0  }
0x1a2: {  	s8 =	simm.s32 @p1 $0x200;
	s7 =	simm.s32 @p1 $0x1000;
	[sflag:s16] =	ssyncadd.s32 $0xFFFFC000  }
0x1a3: {  	[tilespmem:s7], [sflag:$0x1] =	stream.indirect.gather @p1 [hbm4b:s1+s2], $0x80, s8, s2, $0xb8;
	[tilespmem:$0x1D000] =	vst v63  }
0x1a4: {  	s9 =	simm.s32 @!p1 $0x200;
	s8 =	simm.s32 @!p1 $0x1000  }
0x1a5: {  	[tilespmem:s8], [sflag:$0x1] =	stream.indirect.gather @!p1 [hbm4b:s5+s4], $0x80, s9, s4, $0xb8;
	[tilespmem:$0x1D000] =	vst v63  }
0x1a6: {  	_ =	swait.ge [sflag:s17], $0x4000  }
0x1a7: {  	[sflag:s17] =	ssyncset.done $0x0  }
0x1a8: {  	s25 =	rddreg [dreg:$0x8];
	[sflag:s17] =	ssyncadd.s32 $0xFFFFC000  }
0x1a9: {  	[spmem:s3] =	stream.indirect.scatter.add.f32 [tilespmem:s18], [sflag:$0x4], $0x80, s25, s14, $0xb8;
	[tilespmem:$0x1D000] =	vst v63  }
0x1aa: {  	_ =	swait.ge [sflag:s19], $0x4000  }
0x1ab: {  	[sflag:s19] =	ssyncset.done $0x0  }
0x1ac: {  	s9 =	simm.s32 @p1 $0x280;
	[sflag:s19] =	ssyncadd.s32 $0xFFFFC000  }
0x1ad: {  	[tilespmem:s0], [sflag:$0x2] =	stream.indirect.gather @p1 [hbm4b:s1+s2], $0x80, s9, s2, $0xb8;
	[tilespmem:$0x1D000] =	vst v63  }
0x1ae: {  	s9 =	simm.s32 @!p1 $0x280  }
0x1af: {  	[tilespmem:s6], [sflag:$0x2] =	stream.indirect.gather @!p1 [hbm4b:s5+s4], $0x80, s9, s4, $0xb8;
	[tilespmem:$0x1D000] =	vst v63  }
0x1b0: {  	_ =	swait.ge [sflag:s13], $0x4000  }
0x1b1: {  	[sflag:s13] =	ssyncset.done $0x0  }
0x1b2: {  	s26 =	rddreg [dreg:$0x9];
	[sflag:s13] =	ssyncadd.s32 $0xFFFFC000  }
0x1b3: {  	[spmem:s3] =	stream.indirect.scatter.add.f32 [tilespmem:s15], [sflag:$0x3], $0x80, s26, s14, $0xb8;
	[tilespmem:$0x1D000] =	vst v63  }
0x1b4: {  	_ =	swait.ge [sflag:s16], $0x4000  }
0x1b5: {  	[sflag:s16] =	ssyncset.done $0x0  }
0x1b6: {  	s9 =	simm.s32 @p1 $0x300;
	[sflag:s16] =	ssyncadd.s32 $0xFFFFC000  }
0x1b7: {  	[tilespmem:s7], [sflag:$0x1] =	stream.indirect.gather @p1 [hbm4b:s1+s2], $0x80, s9, s2, $0xb8;
	[tilespmem:$0x1D000] =	vst v63  }
0x1b8: {  	s9 =	simm.s32 @!p1 $0x300  }
0x1b9: {  	[tilespmem:s8], [sflag:$0x1] =	stream.indirect.gather @!p1 [hbm4b:s5+s4], $0x80, s9, s4, $0xb8;
	[tilespmem:$0x1D000] =	vst v63  }
0x1ba: {  	_ =	swait.ge [sflag:s17], $0x4000  }
0x1bb: {  	[sflag:s17] =	ssyncset.done $0x0  }
0x1bc: {  	s28 =	rddreg [dreg:$0xa];
	[sflag:s17] =	ssyncadd.s32 $0xFFFFC000  }
0x1bd: {  	[spmem:s3] =	stream.indirect.scatter.add.f32 [tilespmem:s18], [sflag:$0x4], $0x80, s28, s14, $0xb8;
	[tilespmem:$0x1D000] =	vst v63  }
0x1be: {  	_ =	swait.ge [sflag:s19], $0x4000  }
0x1bf: {  	[sflag:s19] =	ssyncset.done $0x0  }
0x1c0: {  	s9 =	simm.s32 @p1 $0x380;
	[sflag:s19] =	ssyncadd.s32 $0xFFFFC000  }
0x1c1: {  	[tilespmem:s0], [sflag:$0x2] =	stream.indirect.gather @p1 [hbm4b:s1+s2], $0x80, s9, s2, $0xb8;
	[tilespmem:$0x1D000] =	vst v63  }
0x1c2: {  	s9 =	simm.s32 @!p1 $0x380  }
0x1c3: {  	[tilespmem:s6], [sflag:$0x2] =	stream.indirect.gather @!p1 [hbm4b:s5+s4], $0x80, s9, s4, $0xb8;
	[tilespmem:$0x1D000] =	vst v63  }
0x1c4: {  	_ =	swait.ge [sflag:s13], $0x4000  }
0x1c5: {  	[sflag:s13] =	ssyncset.done $0x0  }
0x1c6: {  	s30 =	rddreg [dreg:$0xb];
	[sflag:s13] =	ssyncadd.s32 $0xFFFFC000  }
0x1c7: {  	[spmem:s3] =	stream.indirect.scatter.add.f32 [tilespmem:s15], [sflag:$0x3], $0x80, s30, s14, $0xb8;
	[tilespmem:$0x1D000] =	vst v63  }
0x1c8: {  	_ =	swait.ge [sflag:s16], $0x4000  }
0x1c9: {  	[sflag:s16] =	ssyncset.done $0x0  }
0x1ca: {  	s9 =	simm.s32 @p1 $0x400;
	[sflag:s16] =	ssyncadd.s32 $0xFFFFC000  }
0x1cb: {  	[tilespmem:s7], [sflag:$0x1] =	stream.indirect.gather @p1 [hbm4b:s1+s2], $0x80, s9, s2, $0xb8;
	[tilespmem:$0x1D000] =	vst v63  }
0x1cc: {  	s9 =	simm.s32 @!p1 $0x400  }
0x1cd: {  	[tilespmem:s8], [sflag:$0x1] =	stream.indirect.gather @!p1 [hbm4b:s5+s4], $0x80, s9, s4, $0xb8;
	[tilespmem:$0x1D000] =	vst v63  }
0x1ce: {  	_ =	swait.ge [sflag:s17], $0x4000  }
0x1cf: {  	[sflag:s17] =	ssyncset.done $0x0  }
0x1d0: {  	s31 =	rddreg [dreg:$0xc];
	[sflag:s17] =	ssyncadd.s32 $0xFFFFC000  }
0x1d1: {  	[spmem:s3] =	stream.indirect.scatter.add.f32 [tilespmem:s18], [sflag:$0x4], $0x80, s31, s14, $0xb8;
	[tilespmem:$0x1D000] =	vst v63  }
0x1d2: {  	_ =	swait.ge [sflag:s19], $0x4000  }
0x1d3: {  	[sflag:s19] =	ssyncset.done $0x0  }
0x1d4: {  	s9 =	simm.s32 @p1 $0x480;
	[sflag:s19] =	ssyncadd.s32 $0xFFFFC000  }
0x1d5: {  	[tilespmem:s0], [sflag:$0x2] =	stream.indirect.gather @p1 [hbm4b:s1+s2], $0x80, s9, s2, $0xb8;
	[tilespmem:$0x1D000] =	vst v63  }
0x1d6: {  	s9 =	simm.s32 @!p1 $0x480  }
0x1d7: {  	[tilespmem:s6], [sflag:$0x2] =	stream.indirect.gather @!p1 [hbm4b:s5+s4], $0x80, s9, s4, $0xb8;
	[tilespmem:$0x1D000] =	vst v63  }
0x1d8: {  	_ =	swait.ge [sflag:s13], $0x4000  }
0x1d9: {  	[sflag:s13] =	ssyncset.done $0x0  }
0x1da: {  	s10 =	rddreg [dreg:$0xd];
	[sflag:s13] =	ssyncadd.s32 $0xFFFFC000  }
0x1db: {  	[spmem:s3] =	stream.indirect.scatter.add.f32 [tilespmem:s15], [sflag:$0x3], $0x80, s10, s14, $0xb8;
	[tilespmem:$0x1D000] =	vst v63  }
0x1dc: {  	_ =	swait.ge [sflag:s16], $0x4000  }
0x1dd: {  	[sflag:s16] =	ssyncset.done $0x0  }
0x1de: {  	s9 =	simm.s32 @p1 $0x500;
	[sflag:s16] =	ssyncadd.s32 $0xFFFFC000  }
0x1df: {  	[tilespmem:s7], [sflag:$0x1] =	stream.indirect.gather @p1 [hbm4b:s1+s2], $0x80, s9, s2, $0xb8;
	[tilespmem:$0x1D000] =	vst v63  }
0x1e0: {  	s9 =	simm.s32 @!p1 $0x500  }
0x1e1: {  	[tilespmem:s8], [sflag:$0x1] =	stream.indirect.gather @!p1 [hbm4b:s5+s4], $0x80, s9, s4, $0xb8;
	[tilespmem:$0x1D000] =	vst v63  }
0x1e2: {  	_ =	swait.ge [sflag:s17], $0x4000  }
0x1e3: {  	[sflag:s17] =	ssyncset.done $0x0  }
0x1e4: {  	s20 =	rddreg [dreg:$0xe];
	[sflag:s17] =	ssyncadd.s32 $0xFFFFC000  }
0x1e5: {  	[spmem:s3] =	stream.indirect.scatter.add.f32 [tilespmem:s18], [sflag:$0x4], $0x80, s20, s14, $0xb8;
	[tilespmem:$0x1D000] =	vst v63  }
0x1e6: {  	_ =	swait.ge [sflag:s19], $0x4000  }
0x1e7: {  	[sflag:s19] =	ssyncset.done $0x0  }
0x1e8: {  	s9 =	simm.s32 @p1 $0x580;
	[sflag:s19] =	ssyncadd.s32 $0xFFFFC000  }
0x1e9: {  	[tilespmem:s0], [sflag:$0x2] =	stream.indirect.gather @p1 [hbm4b:s1+s2], $0x80, s9, s2, $0xb8;
	[tilespmem:$0x1D000] =	vst v63  }
0x1ea: {  	s9 =	simm.s32 @!p1 $0x580  }
0x1eb: {  	[tilespmem:s6], [sflag:$0x2] =	stream.indirect.gather @!p1 [hbm4b:s5+s4], $0x80, s9, s4, $0xb8;
	[tilespmem:$0x1D000] =	vst v63  }
0x1ec: {  	_ =	swait.ge [sflag:s13], $0x4000  }
0x1ed: {  	[sflag:s13] =	ssyncset.done $0x0  }
0x1ee: {  	s21 =	rddreg [dreg:$0xf];
	[sflag:s13] =	ssyncadd.s32 $0xFFFFC000  }
0x1ef: {  	[spmem:s3] =	stream.indirect.scatter.add.f32 [tilespmem:s15], [sflag:$0x3], $0x80, s21, s14, $0xb8;
	[tilespmem:$0x1D000] =	vst v63  }
0x1f0: {  	_ =	swait.ge [sflag:s16], $0x4000  }
0x1f1: {  	[sflag:s16] =	ssyncset.done $0x0  }
0x1f2: {  	s9 =	simm.s32 @p1 $0x600;
	[sflag:s16] =	ssyncadd.s32 $0xFFFFC000  }
0x1f3: {  	[tilespmem:s7], [sflag:$0x1] =	stream.indirect.gather @p1 [hbm4b:s1+s2], $0x80, s9, s2, $0xb8;
	[tilespmem:$0x1D000] =	vst v63  }
0x1f4: {  	s9 =	simm.s32 @!p1 $0x600  }
0x1f5: {  	[tilespmem:s8], [sflag:$0x1] =	stream.indirect.gather @!p1 [hbm4b:s5+s4], $0x80, s9, s4, $0xb8;
	[tilespmem:$0x1D000] =	vst v63  }
0x1f6: {  	_ =	swait.ge [sflag:s17], $0x4000  }
0x1f7: {  	[sflag:s17] =	ssyncset.done $0x0  }
0x1f8: {  	s22 =	rddreg [dreg:$0x10];
	[sflag:s17] =	ssyncadd.s32 $0xFFFFC000  }
0x1f9: {  	[spmem:s3] =	stream.indirect.scatter.add.f32 [tilespmem:s18], [sflag:$0x4], $0x80, s22, s14, $0xb8;
	[tilespmem:$0x1D000] =	vst v63  }
0x1fa: {  	_ =	swait.ge [sflag:s19], $0x4000  }
0x1fb: {  	[sflag:s19] =	ssyncset.done $0x0  }
0x1fc: {  	s9 =	simm.s32 @p1 $0x680;
	[sflag:s19] =	ssyncadd.s32 $0xFFFFC000  }
0x1fd: {  	[tilespmem:s0], [sflag:$0x2] =	stream.indirect.gather @p1 [hbm4b:s1+s2], $0x80, s9, s2, $0xb8;
	[tilespmem:$0x1D000] =	vst v63  }
0x1fe: {  	s9 =	simm.s32 @!p1 $0x680  }
0x1ff: {  	[tilespmem:s6], [sflag:$0x2] =	stream.indirect.gather @!p1 [hbm4b:s5+s4], $0x80, s9, s4, $0xb8;
	[tilespmem:$0x1D000] =	vst v63  }
0x200: {  	_ =	swait.ge [sflag:s13], $0x4000  }
0x201: {  	[sflag:s13] =	ssyncset.done $0x0  }
0x202: {  	s23 =	rddreg [dreg:$0x11];
	[sflag:s13] =	ssyncadd.s32 $0xFFFFC000  }
0x203: {  	[spmem:s3] =	stream.indirect.scatter.add.f32 [tilespmem:s15], [sflag:$0x3], $0x80, s23, s14, $0xb8;
	[tilespmem:$0x1D000] =	vst v63  }
0x204: {  	_ =	swait.ge [sflag:s16], $0x4000  }
0x205: {  	[sflag:s16] =	ssyncset.done $0x0  }
0x206: {  	s9 =	simm.s32 @p1 $0x700;
	[sflag:s16] =	ssyncadd.s32 $0xFFFFC000  }
0x207: {  	[tilespmem:s7], [sflag:$0x1] =	stream.indirect.gather @p1 [hbm4b:s1+s2], $0x80, s9, s2, $0xb8;
	[tilespmem:$0x1D000] =	vst v63  }
0x208: {  	s7 =	simm.s32 @!p1 $0x700  }
0x209: {  	[tilespmem:s8], [sflag:$0x1] =	stream.indirect.gather @!p1 [hbm4b:s5+s4], $0x80, s7, s4, $0xb8;
	[tilespmem:$0x1D000] =	vst v63  }
0x20a: {  	_ =	swait.ge [sflag:s17], $0x4000  }
0x20b: {  	[sflag:s17] =	ssyncset.done $0x0  }
0x20c: {  	s24 =	rddreg [dreg:$0x12];
	[sflag:s17] =	ssyncadd.s32 $0xFFFFC000  }
0x20d: {  	[spmem:s3] =	stream.indirect.scatter.add.f32 [tilespmem:s18], [sflag:$0x4], $0x80, s24, s14, $0xb8;
	[tilespmem:$0x1D000] =	vst v63  }
0x20e: {  	_ =	swait.ge [sflag:s19], $0x4000  }
0x20f: {  	[sflag:s19] =	ssyncset.done $0x0  }
0x210: {  	s7 =	simm.s32 @p1 $0x780;
	[sflag:s19] =	ssyncadd.s32 $0xFFFFC000  }
0x211: {  	[tilespmem:s0], [sflag:$0x2] =	stream.indirect.gather @p1 [hbm4b:s1+s2], $0x80, s7, s2, $0xb8;
	[tilespmem:$0x1D000] =	vst v63  }
0x212: {  	s0 =	simm.s32 @!p1 $0x780  }
0x213: {  	[tilespmem:s6], [sflag:$0x2] =	stream.indirect.gather @!p1 [hbm4b:s5+s4], $0x80, s0, s4, $0xb8;
	[tilespmem:$0x1D000] =	vst v63  }
0x214: {  	_ =	swait.ge [sflag:s13], $0x4000  }
0x215: {  	[sflag:s13] =	ssyncset.done $0x0  }
0x216: {  	s25 =	rddreg [dreg:$0x13];
	[sflag:s13] =	ssyncadd.s32 $0xFFFFC000  }
0x217: {  	[spmem:s3] =	stream.indirect.scatter.add.f32 [tilespmem:s15], [sflag:$0x3], $0x80, s25, s14, $0xb8;
	[tilespmem:$0x1D000] =	vst v63  }
0x218: {  	_ =	swait.ge [sflag:s16], $0x4000  }
0x219: {  	[sflag:s16] =	ssyncset.done $0x0  }
0x21a: {  	[sflag:s16] =	ssyncadd.s32 $0xFFFFC000  }
0x21b: {  	_ =	swait.ge [sflag:s17], $0x4000  }
0x21c: {  	[sflag:s17] =	ssyncset.done $0x0  }
0x21d: {  	s26 =	rddreg [dreg:$0x14];
	[sflag:s17] =	ssyncadd.s32 $0xFFFFC000  }
0x21e: {  	[spmem:s3] =	stream.indirect.scatter.add.f32 [tilespmem:s18], [sflag:$0x4], $0x80, s26, s14, $0xb8;
	[tilespmem:$0x1D000] =	vst v63  }
0x21f: {  	_ =	swait.ge [sflag:s19], $0x4000  }
0x220: {  	[sflag:s19] =	ssyncset.done $0x0  }
0x221: {  	[sflag:s19] =	ssyncadd.s32 $0xFFFFC000  }
0x222: {  	[bflag:$0x0] =	sbarrier.arrive $0xFFFF  }
0x223: {  	s20 =	rddreg [dreg:$0x16]  }
0x224: {  	s28 =	rddreg [dreg:$0x18]  }
0x225: {  	s2 =	rddreg [dreg:$0x19]  }
0x226: {  	[hbm:s28], [sflag:s20] =	dma.local [spmem:s2], $0x2800  }
0x227: {  	_ =	swait.ge [sflag:s11], $0x2800  }
0x228: {  	s30 =	rddreg [dreg:$0x1a]  }
0x229: {  	s31 =	rddreg [dreg:$0x17];
	s4 =	sadd.s32 $0x1, s30  }
0x22a: {  	p2 =	sne.s32 s4, s31  }
.Ltmp1:
0x22b: {  	_ = 	snop;
	(pc) =	sbr.rel @p2 .LBB2_1-.Ltmp1, $3  }
0x22c: {  	_ =	sdelay $0x1  }
0x22d: {  	[sflag:s11] =	ssyncset.done $0x0  }
0x22e: {  	[sflag:s11] =	ssyncadd.s32 $0xFFFFD800  }
0x22f: {  	_ =	sfence.sel $0x180000  }
0x230: {  	[bflag:$0x0] =	sbarrier.arrive $0xFFFF  }
0x231: {  	_ =	strace $0x9000004A  }
0x232: {  	s0 =	stileid.u32;
	[bflag:$0x2] =	sbarrier.arrive $0xFFFF  }
0x233: {  	p0 =	sne.s32 s0, $0x0;
	s0 =	rddreg [dreg:$0x3]  }
0x234: {  	s0 =	sadd.s32 @!p0 $0x100000, s0  }
0x235: {  	[sflag:s0] =	ssyncadd.tile.s32 @!p0 $0x1;
	_ =	shalt  }
.Lfunc_end2:
_tile_overlayer_lowered:
.L_overlay_start_2:
0x236: {  	(tag) =	ssettag $0x2  }
0x237: {  	s0 =	rddreg [dreg:$0x0];
	s2 =	stileid.u32  }
0x238: {  	s1 =	rddreg [dreg:$0x1];
	p0 =	sne.s32 s2, $0x0  }
0x239: {  	s3 =	rddreg [dreg:$0x2];
	[bflag:$0x3] =	sbarrier.arrive $0xFFFF;
	s2 =	simm.s32 @!p0 $0x1C05  }
0x23a: {  	[timem:s3], [sflag:s2] =	dma.local @!p0 [hbm:s0], s1  }
0x23b: {  	s0 =	simm.s32 @!p0 $0x5  }
0x23c: {  	_ =	swait.ge @!p0 [sflag:s0], s1  }
0x23d: {  	s1 =	ssub.s32 @!p0 $0x0, s1;
	[sflag:s0] =	ssyncset.done @!p0 $0x0  }
0x23e: {  	[sflag:s0] =	ssyncadd.s32 @!p0 s1  }
0x23f: {  	[bflag:$0x3] =	sbarrier.arrive $0xFFFF  }
0x240: {  	_ =	shalt  }

</sc_bundles>
